<compile_context>
chip_gen: v7x
topology: tpu7x:2x2x1
jax: 0.10.2.dev20260603
libtpu: 0.0.44.dev20260713+nightly
codegen_flags: <defaults>
</compile_context>

<pallas_src>
import functools

import jax
import jax.numpy as jnp
from jax import lax
from jax.experimental import pallas as pl
from jax.experimental.pallas import tpu as pltpu
from jax.experimental.pallas import tpu_sc as plsc

_B, _T, _N = 128, 512, 128
_L = 16
_NW = 32
_TCHUNK = _T // _NW
_TBT = 128


def _sc_body(tagsp_hbm, maskt_hbm, trans_hbm, out_hbm,
             table_v, tags_v, mask_v, res_v):
    wid = lax.axis_index("s") * 2 + lax.axis_index("c")
    t0 = wid * _TCHUNK
    pltpu.sync_copy(trans_hbm, table_v)
    pltpu.sync_copy(tagsp_hbm.at[pl.ds(t0 * _B, (_TCHUNK + 1) * _B)], tags_v)
    pltpu.sync_copy(maskt_hbm.at[pl.ds(t0 * _B, _TCHUNK * _B)], mask_v)

    total = jnp.zeros((_L,), jnp.float32)
    for i in range(_TCHUNK):
        msum = jnp.zeros((_L,), jnp.float32)
        acc = jnp.zeros((_L,), jnp.float32)
        for g in range(_B // _L):
            off = g * _L
            msum = msum + mask_v[pl.ds(i * _B + off, _L)]
            tp = tags_v[pl.ds(i * _B + off, _L)]
            tc = tags_v[pl.ds((i + 1) * _B + off, _L)]
            acc = acc + plsc.load_gather(table_v, [tp * _N + tc])
        wt = jnp.sum(msum)
        wt = jnp.where(t0 + i == 0, 0.0, wt)
        total = total + acc * wt
    res_v[...] = total
    pltpu.sync_copy(res_v, out_hbm.at[pl.ds(wid * _L, _L)])


@jax.jit
def _sc_call(tagsp, maskt, trans_flat):
    mesh = plsc.VectorSubcoreMesh(core_axis_name="c", subcore_axis_name="s")
    f = functools.partial(
        pl.kernel,
        mesh=mesh,
        compiler_params=pltpu.CompilerParams(needs_layout_passes=False),
        out_type=jax.ShapeDtypeStruct((_NW * _L,), jnp.float32),
        scratch_types=[
            pltpu.VMEM((_N * _N,), jnp.float32),
            pltpu.VMEM(((_TCHUNK + 1) * _B,), jnp.int32),
            pltpu.VMEM((_TCHUNK * _B,), jnp.float32),
            pltpu.VMEM((_L,), jnp.float32),
        ],
    )(_sc_body)
    return f(tagsp, maskt, trans_flat)


_RBLK = 4096


def _tc_body(emis_ref, mask_ref, tags_ref, trans_ref, out_ref):
    i = pl.program_id(0)
    f = i * _RBLK + lax.broadcasted_iota(jnp.int32, (1, _RBLK), 1)
    w = jnp.where(f % _T == 0, 1.0, mask_ref[...])
    c = jnp.dot(w, emis_ref[...],
                preferred_element_type=jnp.float32)

    @pl.when(i == 0)
    def _init():
        oh = (tags_ref[:, 0:1]
              == lax.broadcasted_iota(jnp.int32, (_B, _N), 1)).astype(jnp.float32)
        s1 = jnp.sum(jnp.dot(oh, trans_ref[...],
                             preferred_element_type=jnp.float32))
        out_ref[...] = jnp.where(
            lax.broadcasted_iota(jnp.int32, (1, _N), 1) == 0, s1, 0.0)

    out_ref[...] = out_ref[...] + c


@jax.jit
def _tc_call(emissions, mask, tags, transitions):
    e2 = emissions.reshape(_B * _T, _N)
    m2 = mask.reshape(1, _B * _T)
    return pl.pallas_call(
        _tc_body,
        grid=(_B * _T // _RBLK,),
        in_specs=[
            pl.BlockSpec((_RBLK, _N), lambda i: (i, 0)),
            pl.BlockSpec((1, _RBLK), lambda i: (0, i)),
            pl.BlockSpec((_B, _T), lambda i: (0, 0)),
            pl.BlockSpec((_N, _N), lambda i: (0, 0)),
        ],
        out_specs=pl.BlockSpec((1, _N), lambda i: (0, 0)),
        out_shape=jax.ShapeDtypeStruct((1, _N), jnp.float32),
    )(e2, m2, tags, transitions)


def kernel(emissions, tags, mask, transitions):
    tagst = tags.T
    tagsp = jnp.concatenate([tagst[:1], tagst], axis=0)
    maskt = mask.T
    sc_part = _sc_call(tagsp.reshape(-1), maskt.reshape(-1),
                       transitions.reshape(-1))
    tc_part = _tc_call(emissions, mask, tags, transitions)
    return jnp.sum(tc_part) + jnp.sum(sc_part)

# --- scband reference (transcript-rebuilt; emitter-appended) ---
"""Pipeline reference for scband-crf-14379550507279 (READ-ONLY COPY).

The authoritative reference and input builder live on the scoring server;
editing this copy changes nothing except your own understanding.
"""

import jax, jax.numpy as jnp
import numpy as np

B, T, N = 128, 512, 128

def setup_inputs(seed: int = 0) -> dict:
    key = jax.random.key(seed)
    k1, k2, k3 = jax.random.split(key, 3)
    emissions = jax.random.normal(k1, (B, T, N), dtype=jnp.float32)
    tags = jax.random.randint(k2, (B, T), 0, N, dtype=jnp.int32)
    mask = jnp.ones((B, T), dtype=jnp.float32)
    # learned param: transitions, flax nn.initializers.uniform() -> U[0, 0.01)
    transitions = jax.random.uniform(k3, (N, N), dtype=jnp.float32) * 0.01
    return {"emissions": emissions, "tags": tags, "mask": mask, "transitions": transitions}

def reference(emissions, tags, mask, transitions):
    # Faithful translation of CRF.crf_forward, including the original
    # broadcasting: trans_t has shape [B], mask_t has shape [B,1], so
    # trans_t * mask_t broadcasts to [B,B]; this requires num_tags == B,
    # exactly as in the source module (we set B == num_tags == 128).
    score = transitions[tags[:, 0]]          # [B, N] gather of rows
    score = score + emissions[:, 0]          # [B, N]
    emit_seq = jnp.transpose(emissions[:, 1:, :], (1, 0, 2))  # [T-1, B, N]
    mask_seq = jnp.transpose(mask[:, 1:], (1, 0))             # [T-1, B]
    prev_tags = jnp.transpose(tags[:, :-1], (1, 0))           # [T-1, B]
    cur_tags = jnp.transpose(tags[:, 1:], (1, 0))             # [T-1, B]

    def step(score, xs):
        emit_t, m_t, tp, tc = xs
        mask_t = m_t[:, None]                 # [B, 1]
        trans_t = transitions[tp, tc]         # [B] (pairwise gather)
        score = score + trans_t * mask_t + emit_t * mask_t
        return score, None

    score, _ = jax.lax.scan(step, score, (emit_seq, mask_seq, prev_tags, cur_tags))
    return score.sum()

if __name__ == "__main__":
    import jax
    _d = setup_inputs()
    print(jax.jit(kernel)(*tuple(_d.values())))

</pallas_src>

<mosaic_0001>
#map = affine_map<(d0, d1) -> (0)>
module attributes {stable_mosaic.version = 14 : i64} {
  func.func @_sc_body(%arg0: i32, %arg1: i32, %arg2: memref<65664xi32, #tpu.memory_space<hbm>>, %arg3: memref<65536xf32, #tpu.memory_space<hbm>>, %arg4: memref<16384xf32, #tpu.memory_space<hbm>>, %arg5: memref<512xf32, #tpu.memory_space<hbm>>, %arg6: memref<16384xf32, #tpu.memory_space<vmem>>, %arg7: memref<2176xi32, #tpu.memory_space<vmem>>, %arg8: memref<2048xf32, #tpu.memory_space<vmem>>, %arg9: memref<16xf32, #tpu.memory_space<vmem>>) attributes {dimension_semantics = [#tpu.dimension_semantics<core_parallel>, #tpu.dimension_semantics<subcore_parallel>], iteration_bounds = array<i64: 2, 16>, scalar_prefetch = 0 : i64, scratch_operands = 4 : i64, tpu.core_type = #tpu.core_type<sc_vector_subcore>, window_params = [{transform_indices = #map}, {transform_indices = #map}, {transform_indices = #map}, {transform_indices = #map}]} {
    %mul3A = arith.constant 2 : i32
    %mul3A_0 = arith.muli %arg1, %mul3A : i32
    %add3A = arith.addi %mul3A_0, %arg0 : i32
    %mul3A_1 = arith.constant 16 : i32
    %mul3A_2 = arith.muli %add3A, %mul3A_1 : i32
    "tpu.region"() ({
      %run_scoped3A = tpu.sem_alloc : memref<!tpu.dma_semaphore, #tpu.memory_space<semaphore_mem>>
      tpu.enqueue_dma source(%arg4 : memref<16384xf32, #tpu.memory_space<hbm>>) target(%arg6 : memref<16384xf32, #tpu.memory_space<vmem>>) target_semaphore(%run_scoped3A : memref<!tpu.dma_semaphore, #tpu.memory_space<semaphore_mem>>)
      tpu.wait_dma2 semaphore(%run_scoped3A : memref<!tpu.dma_semaphore, #tpu.memory_space<semaphore_mem>>) src(%arg4 : memref<16384xf32, #tpu.memory_space<hbm>>) dst(%arg6 : memref<16384xf32, #tpu.memory_space<vmem>>)
      tpu.yield
    }) : () -> ()
    %mul3A_3 = arith.constant 128 : i32
    %mul3A_4 = arith.muli %mul3A_2, %mul3A_3 : i32
    "tpu.region"() ({
      %run_scoped3A = tpu.sem_alloc : memref<!tpu.dma_semaphore, #tpu.memory_space<semaphore_mem>>
      %dma_start3A = tpu.memref_slice %arg2[%mul3A_4] : memref<65664xi32, #tpu.memory_space<hbm>> -> memref<2176xi32, #tpu.memory_space<hbm>>
      %dma_start3A_1941 = tpu.memref_slice %arg2[%mul3A_4] : memref<65664xi32, #tpu.memory_space<hbm>> -> memref<2176xi32, #tpu.memory_space<hbm>>
      tpu.enqueue_dma source(%dma_start3A_1941 : memref<2176xi32, #tpu.memory_space<hbm>>) target(%arg7 : memref<2176xi32, #tpu.memory_space<vmem>>) target_semaphore(%run_scoped3A : memref<!tpu.dma_semaphore, #tpu.memory_space<semaphore_mem>>)
      %dma_wait3A = tpu.memref_slice %arg2[%mul3A_4] : memref<65664xi32, #tpu.memory_space<hbm>> -> memref<2176xi32, #tpu.memory_space<hbm>>
      %dma_wait3A_1942 = tpu.memref_slice %arg2[%mul3A_4] : memref<65664xi32, #tpu.memory_space<hbm>> -> memref<2176xi32, #tpu.memory_space<hbm>>
      tpu.wait_dma2 semaphore(%run_scoped3A : memref<!tpu.dma_semaphore, #tpu.memory_space<semaphore_mem>>) src(%dma_wait3A_1942 : memref<2176xi32, #tpu.memory_space<hbm>>) dst(%arg7 : memref<2176xi32, #tpu.memory_space<vmem>>)
      tpu.yield
    }) : () -> ()
    %mul3A_5 = arith.constant 128 : i32
    %mul3A_6 = arith.muli %mul3A_2, %mul3A_5 : i32
    "tpu.region"() ({
      %run_scoped3A = tpu.sem_alloc : memref<!tpu.dma_semaphore, #tpu.memory_space<semaphore_mem>>
      %dma_start3A = tpu.memref_slice %arg3[%mul3A_6] : memref<65536xf32, #tpu.memory_space<hbm>> -> memref<2048xf32, #tpu.memory_space<hbm>>
      %dma_start3A_1941 = tpu.memref_slice %arg3[%mul3A_6] : memref<65536xf32, #tpu.memory_space<hbm>> -> memref<2048xf32, #tpu.memory_space<hbm>>
      tpu.enqueue_dma source(%dma_start3A_1941 : memref<2048xf32, #tpu.memory_space<hbm>>) target(%arg8 : memref<2048xf32, #tpu.memory_space<vmem>>) target_semaphore(%run_scoped3A : memref<!tpu.dma_semaphore, #tpu.memory_space<semaphore_mem>>)
      %dma_wait3A = tpu.memref_slice %arg3[%mul3A_6] : memref<65536xf32, #tpu.memory_space<hbm>> -> memref<2048xf32, #tpu.memory_space<hbm>>
      %dma_wait3A_1942 = tpu.memref_slice %arg3[%mul3A_6] : memref<65536xf32, #tpu.memory_space<hbm>> -> memref<2048xf32, #tpu.memory_space<hbm>>
      tpu.wait_dma2 semaphore(%run_scoped3A : memref<!tpu.dma_semaphore, #tpu.memory_space<semaphore_mem>>) src(%dma_wait3A_1942 : memref<2048xf32, #tpu.memory_space<hbm>>) dst(%arg8 : memref<2048xf32, #tpu.memory_space<vmem>>)
      tpu.yield
    }) : () -> ()
    %broadcast_in_dim3A = arith.constant 0.000000e+00 : f32
    %broadcast_in_dim3A_7 = vector.broadcast %broadcast_in_dim3A : f32 to vector<16xf32>
    %broadcast_in_dim3A_8 = arith.constant 0.000000e+00 : f32
    %broadcast_in_dim3A_9 = vector.broadcast %broadcast_in_dim3A_8 : f32 to vector<16xf32>
    %broadcast_in_dim3A_10 = arith.constant 0.000000e+00 : f32
    %broadcast_in_dim3A_11 = vector.broadcast %broadcast_in_dim3A_10 : f32 to vector<16xf32>
    %get3A = arith.constant 0 : index
    %get3A_12 = tpu.vector_load %arg8[%get3A] {strides = array<i32>} : memref<2048xf32, #tpu.memory_space<vmem>>, vector<16xf32>,
    %add3A_13 = arith.addf %broadcast_in_dim3A_9, %get3A_12 : vector<16xf32>
    %get3A_14 = arith.constant 0 : index
    %get3A_15 = tpu.vector_load %arg7[%get3A_14] {strides = array<i32>} : memref<2176xi32, #tpu.memory_space<vmem>>, vector<16xi32>,
    %get3A_16 = arith.constant 128 : index
    %get3A_17 = tpu.vector_load %arg7[%get3A_16] {strides = array<i32>} : memref<2176xi32, #tpu.memory_space<vmem>>, vector<16xi32>,
    %mul3A_18 = arith.constant 128 : i32
    %mul3A_19 = vector.broadcast %mul3A_18 : i32 to vector<16xi32>
    %mul3A_20 = arith.muli %get3A_15, %mul3A_19 : vector<16xi32>
    %add3A_21 = arith.addi %mul3A_20, %get3A_17 : vector<16xi32>
    %gather3A = tpu.vector_load_idx %arg6[%add3A_21] : memref<16384xf32, #tpu.memory_space<vmem>>[vector<16xi32>], vector<16xf32>,
    %add3A_22 = arith.addf %broadcast_in_dim3A_11, %gather3A : vector<16xf32>
    %get3A_23 = arith.constant 16 : index
    %get3A_24 = tpu.vector_load %arg8[%get3A_23] {strides = array<i32>} : memref<2048xf32, #tpu.memory_space<vmem>>, vector<16xf32>,
    %add3A_25 = arith.addf %add3A_13, %get3A_24 : vector<16xf32>
    %get3A_26 = arith.constant 16 : index
    %get3A_27 = tpu.vector_load %arg7[%get3A_26] {strides = array<i32>} : memref<2176xi32, #tpu.memory_space<vmem>>, vector<16xi32>,
    %get3A_28 = arith.constant 144 : index
    %get3A_29 = tpu.vector_load %arg7[%get3A_28] {strides = array<i32>} : memref<2176xi32, #tpu.memory_space<vmem>>, vector<16xi32>,
    %mul3A_30 = arith.constant 128 : i32
    %mul3A_31 = vector.broadcast %mul3A_30 : i32 to vector<16xi32>
    %mul3A_32 = arith.muli %get3A_27, %mul3A_31 : vector<16xi32>
    %add3A_33 = arith.addi %mul3A_32, %get3A_29 : vector<16xi32>
    %gather3A_34 = tpu.vector_load_idx %arg6[%add3A_33] : memref<16384xf32, #tpu.memory_space<vmem>>[vector<16xi32>], vector<16xf32>,
    %add3A_35 = arith.addf %add3A_22, %gather3A_34 : vector<16xf32>
    %get3A_36 = arith.constant 32 : index
    %get3A_37 = tpu.vector_load %arg8[%get3A_36] {strides = array<i32>} : memref<2048xf32, #tpu.memory_space<vmem>>, vector<16xf32>,
    %add3A_38 = arith.addf %add3A_25, %get3A_37 : vector<16xf32>
    %get3A_39 = arith.constant 32 : index
    %get3A_40 = tpu.vector_load %arg7[%get3A_39] {strides = array<i32>} : memref<2176xi32, #tpu.memory_space<vmem>>, vector<16xi32>,
    %get3A_41 = arith.constant 160 : index
    %get3A_42 = tpu.vector_load %arg7[%get3A_41] {strides = array<i32>} : memref<2176xi32, #tpu.memory_space<vmem>>, vector<16xi32>,
    %mul3A_43 = arith.constant 128 : i32
    %mul3A_44 = vector.broadcast %mul3A_43 : i32 to vector<16xi32>
    %mul3A_45 = arith.muli %get3A_40, %mul3A_44 : vector<16xi32>
    %add3A_46 = arith.addi %mul3A_45, %get3A_42 : vector<16xi32>
    %gather3A_47 = tpu.vector_load_idx %arg6[%add3A_46] : memref<16384xf32, #tpu.memory_space<vmem>>[vector<16xi32>], vector<16xf32>,
    %add3A_48 = arith.addf %add3A_35, %gather3A_47 : vector<16xf32>
    %get3A_49 = arith.constant 48 : index
    %get3A_50 = tpu.vector_load %arg8[%get3A_49] {strides = array<i32>} : memref<2048xf32, #tpu.memory_space<vmem>>, vector<16xf32>,
    %add3A_51 = arith.addf %add3A_38, %get3A_50 : vector<16xf32>
    %get3A_52 = arith.constant 48 : index
    %get3A_53 = tpu.vector_load %arg7[%get3A_52] {strides = array<i32>} : memref<2176xi32, #tpu.memory_space<vmem>>, vector<16xi32>,
    %get3A_54 = arith.constant 176 : index
    %get3A_55 = tpu.vector_load %arg7[%get3A_54] {strides = array<i32>} : memref<2176xi32, #tpu.memory_space<vmem>>, vector<16xi32>,
    %mul3A_56 = arith.constant 128 : i32
    %mul3A_57 = vector.broadcast %mul3A_56 : i32 to vector<16xi32>
    %mul3A_58 = arith.muli %get3A_53, %mul3A_57 : vector<16xi32>
    %add3A_59 = arith.addi %mul3A_58, %get3A_55 : vector<16xi32>
    %gather3A_60 = tpu.vector_load_idx %arg6[%add3A_59] : memref<16384xf32, #tpu.memory_space<vmem>>[vector<16xi32>], vector<16xf32>,
    %add3A_61 = arith.addf %add3A_48, %gather3A_60 : vector<16xf32>
    %get3A_62 = arith.constant 64 : index
    %get3A_63 = tpu.vector_load %arg8[%get3A_62] {strides = array<i32>} : memref<2048xf32, #tpu.memory_space<vmem>>, vector<16xf32>,
    %add3A_64 = arith.addf %add3A_51, %get3A_63 : vector<16xf32>
    %get3A_65 = arith.constant 64 : index
    %get3A_66 = tpu.vector_load %arg7[%get3A_65] {strides = array<i32>} : memref<2176xi32, #tpu.memory_space<vmem>>, vector<16xi32>,
    %get3A_67 = arith.constant 192 : index
    %get3A_68 = tpu.vector_load %arg7[%get3A_67] {strides = array<i32>} : memref<2176xi32, #tpu.memory_space<vmem>>, vector<16xi32>,
    %mul3A_69 = arith.constant 128 : i32
    %mul3A_70 = vector.broadcast %mul3A_69 : i32 to vector<16xi32>
    %mul3A_71 = arith.muli %get3A_66, %mul3A_70 : vector<16xi32>
    %add3A_72 = arith.addi %mul3A_71, %get3A_68 : vector<16xi32>
    %gather3A_73 = tpu.vector_load_idx %arg6[%add3A_72] : memref<16384xf32, #tpu.memory_space<vmem>>[vector<16xi32>], vector<16xf32>,
    %add3A_74 = arith.addf %add3A_61, %gather3A_73 : vector<16xf32>
    %get3A_75 = arith.constant 80 : index
    %get3A_76 = tpu.vector_load %arg8[%get3A_75] {strides = array<i32>} : memref<2048xf32, #tpu.memory_space<vmem>>, vector<16xf32>,
    %add3A_77 = arith.addf %add3A_64, %get3A_76 : vector<16xf32>
    %get3A_78 = arith.constant 80 : index
    %get3A_79 = tpu.vector_load %arg7[%get3A_78] {strides = array<i32>} : memref<2176xi32, #tpu.memory_space<vmem>>, vector<16xi32>,
    %get3A_80 = arith.constant 208 : index
    %get3A_81 = tpu.vector_load %arg7[%get3A_80] {strides = array<i32>} : memref<2176xi32, #tpu.memory_space<vmem>>, vector<16xi32>,
    %mul3A_82 = arith.constant 128 : i32
    %mul3A_83 = vector.broadcast %mul3A_82 : i32 to vector<16xi32>
    %mul3A_84 = arith.muli %get3A_79, %mul3A_83 : vector<16xi32>
    %add3A_85 = arith.addi %mul3A_84, %get3A_81 : vector<16xi32>
    %gather3A_86 = tpu.vector_load_idx %arg6[%add3A_85] : memref<16384xf32, #tpu.memory_space<vmem>>[vector<16xi32>], vector<16xf32>,
    %add3A_87 = arith.addf %add3A_74, %gather3A_86 : vector<16xf32>
    %get3A_88 = arith.constant 96 : index
    %get3A_89 = tpu.vector_load %arg8[%get3A_88] {strides = array<i32>} : memref<2048xf32, #tpu.memory_space<vmem>>, vector<16xf32>,
    %add3A_90 = arith.addf %add3A_77, %get3A_89 : vector<16xf32>
    %get3A_91 = arith.constant 96 : index
    %get3A_92 = tpu.vector_load %arg7[%get3A_91] {strides = array<i32>} : memref<2176xi32, #tpu.memory_space<vmem>>, vector<16xi32>,
    %get3A_93 = arith.constant 224 : index
    %get3A_94 = tpu.vector_load %arg7[%get3A_93] {strides = array<i32>} : memref<2176xi32, #tpu.memory_space<vmem>>, vector<16xi32>,
    %mul3A_95 = arith.constant 128 : i32
    %mul3A_96 = vector.broadcast %mul3A_95 : i32 to vector<16xi32>
    %mul3A_97 = arith.muli %get3A_92, %mul3A_96 : vector<16xi32>
    %add3A_98 = arith.addi %mul3A_97, %get3A_94 : vector<16xi32>
    %gather3A_99 = tpu.vector_load_idx %arg6[%add3A_98] : memref<16384xf32, #tpu.memory_space<vmem>>[vector<16xi32>], vector<16xf32>,
    %add3A_100 = arith.addf %add3A_87, %gather3A_99 : vector<16xf32>
    %get3A_101 = arith.constant 112 : index
    %get3A_102 = tpu.vector_load %arg8[%get3A_101] {strides = array<i32>} : memref<2048xf32, #tpu.memory_space<vmem>>, vector<16xf32>,
    %add3A_103 = arith.addf %add3A_90, %get3A_102 : vector<16xf32>
    %get3A_104 = arith.constant 112 : index
    %get3A_105 = tpu.vector_load %arg7[%get3A_104] {strides = array<i32>} : memref<2176xi32, #tpu.memory_space<vmem>>, vector<16xi32>,
    %get3A_106 = arith.constant 240 : index
    %get3A_107 = tpu.vector_load %arg7[%get3A_106] {strides = array<i32>} : memref<2176xi32, #tpu.memory_space<vmem>>, vector<16xi32>,
    %mul3A_108 = arith.constant 128 : i32
    %mul3A_109 = vector.broadcast %mul3A_108 : i32 to vector<16xi32>
    %mul3A_110 = arith.muli %get3A_105, %mul3A_109 : vector<16xi32>
    %add3A_111 = arith.addi %mul3A_110, %get3A_107 : vector<16xi32>
    %gather3A_112 = tpu.vector_load_idx %arg6[%add3A_111] : memref<16384xf32, #tpu.memory_space<vmem>>[vector<16xi32>], vector<16xf32>,
    %add3A_113 = arith.addf %add3A_100, %gather3A_112 : vector<16xf32>
    %reduce_sum3A = arith.constant true
    %reduce_sum3A_114 = vector.broadcast %reduce_sum3A : i1 to vector<16xi1>
    %reduce_sum3A_115 = tpu.scan <sum>, %add3A_103 masked %reduce_sum3A_114 : vector<16xf32>, vector<16xi1> -> vector<16xf32>
    %reduce_sum3A_116 = vector.extract %reduce_sum3A_115[15] : f32 from vector<16xf32>
    %add3A_117 = arith.constant 0 : i32
    %add3A_118 = arith.addi %mul3A_2, %add3A_117 : i32
    %eq3A = arith.constant 0 : i32
    %eq3A_119 = arith.cmpi eq, %add3A_118, %eq3A : i32
    %jit3A = arith.constant 0.000000e+00 : f32
    %select_n3A = arith.select %eq3A_119, %jit3A, %reduce_sum3A_116 : f32
    %mul3A_120 = vector.broadcast %select_n3A : f32 to vector<16xf32>
    %mul3A_121 = arith.mulf %add3A_113, %mul3A_120 : vector<16xf32>
    %add3A_122 = arith.addf %broadcast_in_dim3A_7, %mul3A_121 : vector<16xf32>
    %broadcast_in_dim3A_123 = arith.constant 0.000000e+00 : f32
    %broadcast_in_dim3A_124 = vector.broadcast %broadcast_in_dim3A_123 : f32 to vector<16xf32>
    %broadcast_in_dim3A_125 = arith.constant 0.000000e+00 : f32
    %broadcast_in_dim3A_126 = vector.broadcast %broadcast_in_dim3A_125 : f32 to vector<16xf32>
    %get3A_127 = arith.constant 128 : index
    %get3A_128 = tpu.vector_load %arg8[%get3A_127] {strides = array<i32>} : memref<2048xf32, #tpu.memory_space<vmem>>, vector<16xf32>,
    %add3A_129 = arith.addf %broadcast_in_dim3A_124, %get3A_128 : vector<16xf32>
    %get3A_130 = arith.constant 128 : index
    %get3A_131 = tpu.vector_load %arg7[%get3A_130] {strides = array<i32>} : memref<2176xi32, #tpu.memory_space<vmem>>, vector<16xi32>,
    %get3A_132 = arith.constant 256 : index
    %get3A_133 = tpu.vector_load %arg7[%get3A_132] {strides = array<i32>} : memref<2176xi32, #tpu.memory_space<vmem>>, vector<16xi32>,
    %mul3A_134 = arith.constant 128 : i32
    %mul3A_135 = vector.broadcast %mul3A_134 : i32 to vector<16xi32>
    %mul3A_136 = arith.muli %get3A_131, %mul3A_135 : vector<16xi32>
    %add3A_137 = arith.addi %mul3A_136, %get3A_133 : vector<16xi32>
    %gather3A_138 = tpu.vector_load_idx %arg6[%add3A_137] : memref<16384xf32, #tpu.memory_space<vmem>>[vector<16xi32>], vector<16xf32>,
    %add3A_139 = arith.addf %broadcast_in_dim3A_126, %gather3A_138 : vector<16xf32>
    %get3A_140 = arith.constant 144 : index
    %get3A_141 = tpu.vector_load %arg8[%get3A_140] {strides = array<i32>} : memref<2048xf32, #tpu.memory_space<vmem>>, vector<16xf32>,
    %add3A_142 = arith.addf %add3A_129, %get3A_141 : vector<16xf32>
    %get3A_143 = arith.constant 144 : index
    %get3A_144 = tpu.vector_load %arg7[%get3A_143] {strides = array<i32>} : memref<2176xi32, #tpu.memory_space<vmem>>, vector<16xi32>,
    %get3A_145 = arith.constant 272 : index
    %get3A_146 = tpu.vector_load %arg7[%get3A_145] {strides = array<i32>} : memref<2176xi32, #tpu.memory_space<vmem>>, vector<16xi32>,
    %mul3A_147 = arith.constant 128 : i32
    %mul3A_148 = vector.broadcast %mul3A_147 : i32 to vector<16xi32>
    %mul3A_149 = arith.muli %get3A_144, %mul3A_148 : vector<16xi32>
    %add3A_150 = arith.addi %mul3A_149, %get3A_146 : vector<16xi32>
    %gather3A_151 = tpu.vector_load_idx %arg6[%add3A_150] : memref<16384xf32, #tpu.memory_space<vmem>>[vector<16xi32>], vector<16xf32>,
    %add3A_152 = arith.addf %add3A_139, %gather3A_151 : vector<16xf32>
    %get3A_153 = arith.constant 160 : index
    %get3A_154 = tpu.vector_load %arg8[%get3A_153] {strides = array<i32>} : memref<2048xf32, #tpu.memory_space<vmem>>, vector<16xf32>,
    %add3A_155 = arith.addf %add3A_142, %get3A_154 : vector<16xf32>
    %get3A_156 = arith.constant 160 : index
    %get3A_157 = tpu.vector_load %arg7[%get3A_156] {strides = array<i32>} : memref<2176xi32, #tpu.memory_space<vmem>>, vector<16xi32>,
    %get3A_158 = arith.constant 288 : index
    %get3A_159 = tpu.vector_load %arg7[%get3A_158] {strides = array<i32>} : memref<2176xi32, #tpu.memory_space<vmem>>, vector<16xi32>,
    %mul3A_160 = arith.constant 128 : i32
    %mul3A_161 = vector.broadcast %mul3A_160 : i32 to vector<16xi32>
    %mul3A_162 = arith.muli %get3A_157, %mul3A_161 : vector<16xi32>
    %add3A_163 = arith.addi %mul3A_162, %get3A_159 : vector<16xi32>
    %gather3A_164 = tpu.vector_load_idx %arg6[%add3A_163] : memref<16384xf32, #tpu.memory_space<vmem>>[vector<16xi32>], vector<16xf32>,
    %add3A_165 = arith.addf %add3A_152, %gather3A_164 : vector<16xf32>
    %get3A_166 = arith.constant 176 : index
    %get3A_167 = tpu.vector_load %arg8[%get3A_166] {strides = array<i32>} : memref<2048xf32, #tpu.memory_space<vmem>>, vector<16xf32>,
    %add3A_168 = arith.addf %add3A_155, %get3A_167 : vector<16xf32>
    %get3A_169 = arith.constant 176 : index
    %get3A_170 = tpu.vector_load %arg7[%get3A_169] {strides = array<i32>} : memref<2176xi32, #tpu.memory_space<vmem>>, vector<16xi32>,
    %get3A_171 = arith.constant 304 : index
    %get3A_172 = tpu.vector_load %arg7[%get3A_171] {strides = array<i32>} : memref<2176xi32, #tpu.memory_space<vmem>>, vector<16xi32>,
    %mul3A_173 = arith.constant 128 : i32
    %mul3A_174 = vector.broadcast %mul3A_173 : i32 to vector<16xi32>
    %mul3A_175 = arith.muli %get3A_170, %mul3A_174 : vector<16xi32>
    %add3A_176 = arith.addi %mul3A_175, %get3A_172 : vector<16xi32>
    %gather3A_177 = tpu.vector_load_idx %arg6[%add3A_176] : memref<16384xf32, #tpu.memory_space<vmem>>[vector<16xi32>], vector<16xf32>,
    %add3A_178 = arith.addf %add3A_165, %gather3A_177 : vector<16xf32>
    %get3A_179 = arith.constant 192 : index
    %get3A_180 = tpu.vector_load %arg8[%get3A_179] {strides = array<i32>} : memref<2048xf32, #tpu.memory_space<vmem>>, vector<16xf32>,
    %add3A_181 = arith.addf %add3A_168, %get3A_180 : vector<16xf32>
    %get3A_182 = arith.constant 192 : index
    %get3A_183 = tpu.vector_load %arg7[%get3A_182] {strides = array<i32>} : memref<2176xi32, #tpu.memory_space<vmem>>, vector<16xi32>,
    %get3A_184 = arith.constant 320 : index
    %get3A_185 = tpu.vector_load %arg7[%get3A_184] {strides = array<i32>} : memref<2176xi32, #tpu.memory_space<vmem>>, vector<16xi32>,
    %mul3A_186 = arith.constant 128 : i32
    %mul3A_187 = vector.broadcast %mul3A_186 : i32 to vector<16xi32>
    %mul3A_188 = arith.muli %get3A_183, %mul3A_187 : vector<16xi32>
    %add3A_189 = arith.addi %mul3A_188, %get3A_185 : vector<16xi32>
    %gather3A_190 = tpu.vector_load_idx %arg6[%add3A_189] : memref<16384xf32, #tpu.memory_space<vmem>>[vector<16xi32>], vector<16xf32>,
    %add3A_191 = arith.addf %add3A_178, %gather3A_190 : vector<16xf32>
    %get3A_192 = arith.constant 208 : index
    %get3A_193 = tpu.vector_load %arg8[%get3A_192] {strides = array<i32>} : memref<2048xf32, #tpu.memory_space<vmem>>, vector<16xf32>,
    %add3A_194 = arith.addf %add3A_181, %get3A_193 : vector<16xf32>
    %get3A_195 = arith.constant 208 : index
    %get3A_196 = tpu.vector_load %arg7[%get3A_195] {strides = array<i32>} : memref<2176xi32, #tpu.memory_space<vmem>>, vector<16xi32>,
    %get3A_197 = arith.constant 336 : index
    %get3A_198 = tpu.vector_load %arg7[%get3A_197] {strides = array<i32>} : memref<2176xi32, #tpu.memory_space<vmem>>, vector<16xi32>,
    %mul3A_199 = arith.constant 128 : i32
    %mul3A_200 = vector.broadcast %mul3A_199 : i32 to vector<16xi32>
    %mul3A_201 = arith.muli %get3A_196, %mul3A_200 : vector<16xi32>
    %add3A_202 = arith.addi %mul3A_201, %get3A_198 : vector<16xi32>
    %gather3A_203 = tpu.vector_load_idx %arg6[%add3A_202] : memref<16384xf32, #tpu.memory_space<vmem>>[vector<16xi32>], vector<16xf32>,
    %add3A_204 = arith.addf %add3A_191, %gather3A_203 : vector<16xf32>
    %get3A_205 = arith.constant 224 : index
    %get3A_206 = tpu.vector_load %arg8[%get3A_205] {strides = array<i32>} : memref<2048xf32, #tpu.memory_space<vmem>>, vector<16xf32>,
    %add3A_207 = arith.addf %add3A_194, %get3A_206 : vector<16xf32>
    %get3A_208 = arith.constant 224 : index
    %get3A_209 = tpu.vector_load %arg7[%get3A_208] {strides = array<i32>} : memref<2176xi32, #tpu.memory_space<vmem>>, vector<16xi32>,
    %get3A_210 = arith.constant 352 : index
    %get3A_211 = tpu.vector_load %arg7[%get3A_210] {strides = array<i32>} : memref<2176xi32, #tpu.memory_space<vmem>>, vector<16xi32>,
    %mul3A_212 = arith.constant 128 : i32
    %mul3A_213 = vector.broadcast %mul3A_212 : i32 to vector<16xi32>
    %mul3A_214 = arith.muli %get3A_209, %mul3A_213 : vector<16xi32>
    %add3A_215 = arith.addi %mul3A_214, %get3A_211 : vector<16xi32>
    %gather3A_216 = tpu.vector_load_idx %arg6[%add3A_215] : memref<16384xf32, #tpu.memory_space<vmem>>[vector<16xi32>], vector<16xf32>,
    %add3A_217 = arith.addf %add3A_204, %gather3A_216 : vector<16xf32>
    %get3A_218 = arith.constant 240 : index
    %get3A_219 = tpu.vector_load %arg8[%get3A_218] {strides = array<i32>} : memref<2048xf32, #tpu.memory_space<vmem>>, vector<16xf32>,
    %add3A_220 = arith.addf %add3A_207, %get3A_219 : vector<16xf32>
    %get3A_221 = arith.constant 240 : index
    %get3A_222 = tpu.vector_load %arg7[%get3A_221] {strides = array<i32>} : memref<2176xi32, #tpu.memory_space<vmem>>, vector<16xi32>,
    %get3A_223 = arith.constant 368 : index
    %get3A_224 = tpu.vector_load %arg7[%get3A_223] {strides = array<i32>} : memref<2176xi32, #tpu.memory_space<vmem>>, vector<16xi32>,
    %mul3A_225 = arith.constant 128 : i32
    %mul3A_226 = vector.broadcast %mul3A_225 : i32 to vector<16xi32>
    %mul3A_227 = arith.muli %get3A_222, %mul3A_226 : vector<16xi32>
    %add3A_228 = arith.addi %mul3A_227, %get3A_224 : vector<16xi32>
    %gather3A_229 = tpu.vector_load_idx %arg6[%add3A_228] : memref<16384xf32, #tpu.memory_space<vmem>>[vector<16xi32>], vector<16xf32>,
    %add3A_230 = arith.addf %add3A_217, %gather3A_229 : vector<16xf32>
    %reduce_sum3A_231 = arith.constant true
    %reduce_sum3A_232 = vector.broadcast %reduce_sum3A_231 : i1 to vector<16xi1>
    %reduce_sum3A_233 = tpu.scan <sum>, %add3A_220 masked %reduce_sum3A_232 : vector<16xf32>, vector<16xi1> -> vector<16xf32>
    %reduce_sum3A_234 = vector.extract %reduce_sum3A_233[15] : f32 from vector<16xf32>
    %add3A_235 = arith.constant 1 : i32
    %add3A_236 = arith.addi %mul3A_2, %add3A_235 : i32
    %eq3A_237 = arith.constant 0 : i32
    %eq3A_238 = arith.cmpi eq, %add3A_236, %eq3A_237 : i32
    %jit3A_239 = arith.constant 0.000000e+00 : f32
    %select_n3A_240 = arith.select %eq3A_238, %jit3A_239, %reduce_sum3A_234 : f32
    %mul3A_241 = vector.broadcast %select_n3A_240 : f32 to vector<16xf32>
    %mul3A_242 = arith.mulf %add3A_230, %mul3A_241 : vector<16xf32>
    %add3A_243 = arith.addf %add3A_122, %mul3A_242 : vector<16xf32>
    %broadcast_in_dim3A_244 = arith.constant 0.000000e+00 : f32
    %broadcast_in_dim3A_245 = vector.broadcast %broadcast_in_dim3A_244 : f32 to vector<16xf32>
    %broadcast_in_dim3A_246 = arith.constant 0.000000e+00 : f32
    %broadcast_in_dim3A_247 = vector.broadcast %broadcast_in_dim3A_246 : f32 to vector<16xf32>
    %get3A_248 = arith.constant 256 : index
    %get3A_249 = tpu.vector_load %arg8[%get3A_248] {strides = array<i32>} : memref<2048xf32, #tpu.memory_space<vmem>>, vector<16xf32>,
    %add3A_250 = arith.addf %broadcast_in_dim3A_245, %get3A_249 : vector<16xf32>
    %get3A_251 = arith.constant 256 : index
    %get3A_252 = tpu.vector_load %arg7[%get3A_251] {strides = array<i32>} : memref<2176xi32, #tpu.memory_space<vmem>>, vector<16xi32>,
    %get3A_253 = arith.constant 384 : index
    %get3A_254 = tpu.vector_load %arg7[%get3A_253] {strides = array<i32>} : memref<2176xi32, #tpu.memory_space<vmem>>, vector<16xi32>,
    %mul3A_255 = arith.constant 128 : i32
    %mul3A_256 = vector.broadcast %mul3A_255 : i32 to vector<16xi32>
    %mul3A_257 = arith.muli %get3A_252, %mul3A_256 : vector<16xi32>
    %add3A_258 = arith.addi %mul3A_257, %get3A_254 : vector<16xi32>
    %gather3A_259 = tpu.vector_load_idx %arg6[%add3A_258] : memref<16384xf32, #tpu.memory_space<vmem>>[vector<16xi32>], vector<16xf32>,
    %add3A_260 = arith.addf %broadcast_in_dim3A_247, %gather3A_259 : vector<16xf32>
    %get3A_261 = arith.constant 272 : index
    %get3A_262 = tpu.vector_load %arg8[%get3A_261] {strides = array<i32>} : memref<2048xf32, #tpu.memory_space<vmem>>, vector<16xf32>,
    %add3A_263 = arith.addf %add3A_250, %get3A_262 : vector<16xf32>
    %get3A_264 = arith.constant 272 : index
    %get3A_265 = tpu.vector_load %arg7[%get3A_264] {strides = array<i32>} : memref<2176xi32, #tpu.memory_space<vmem>>, vector<16xi32>,
    %get3A_266 = arith.constant 400 : index
    %get3A_267 = tpu.vector_load %arg7[%get3A_266] {strides = array<i32>} : memref<2176xi32, #tpu.memory_space<vmem>>, vector<16xi32>,
    %mul3A_268 = arith.constant 128 : i32
    %mul3A_269 = vector.broadcast %mul3A_268 : i32 to vector<16xi32>
    %mul3A_270 = arith.muli %get3A_265, %mul3A_269 : vector<16xi32>
    %add3A_271 = arith.addi %mul3A_270, %get3A_267 : vector<16xi32>
    %gather3A_272 = tpu.vector_load_idx %arg6[%add3A_271] : memref<16384xf32, #tpu.memory_space<vmem>>[vector<16xi32>], vector<16xf32>,
    %add3A_273 = arith.addf %add3A_260, %gather3A_272 : vector<16xf32>
    %get3A_274 = arith.constant 288 : index
    %get3A_275 = tpu.vector_load %arg8[%get3A_274] {strides = array<i32>} : memref<2048xf32, #tpu.memory_space<vmem>>, vector<16xf32>,
    %add3A_276 = arith.addf %add3A_263, %get3A_275 : vector<16xf32>
    %get3A_277 = arith.constant 288 : index
    %get3A_278 = tpu.vector_load %arg7[%get3A_277] {strides = array<i32>} : memref<2176xi32, #tpu.memory_space<vmem>>, vector<16xi32>,
    %get3A_279 = arith.constant 416 : index
    %get3A_280 = tpu.vector_load %arg7[%get3A_279] {strides = array<i32>} : memref<2176xi32, #tpu.memory_space<vmem>>, vector<16xi32>,
    %mul3A_281 = arith.constant 128 : i32
    %mul3A_282 = vector.broadcast %mul3A_281 : i32 to vector<16xi32>
    %mul3A_283 = arith.muli %get3A_278, %mul3A_282 : vector<16xi32>
    %add3A_284 = arith.addi %mul3A_283, %get3A_280 : vector<16xi32>
    %gather3A_285 = tpu.vector_load_idx %arg6[%add3A_284] : memref<16384xf32, #tpu.memory_space<vmem>>[vector<16xi32>], vector<16xf32>,
    %add3A_286 = arith.addf %add3A_273, %gather3A_285 : vector<16xf32>
    %get3A_287 = arith.constant 304 : index
    %get3A_288 = tpu.vector_load %arg8[%get3A_287] {strides = array<i32>} : memref<2048xf32, #tpu.memory_space<vmem>>, vector<16xf32>,
    %add3A_289 = arith.addf %add3A_276, %get3A_288 : vector<16xf32>
    %get3A_290 = arith.constant 304 : index
    %get3A_291 = tpu.vector_load %arg7[%get3A_290] {strides = array<i32>} : memref<2176xi32, #tpu.memory_space<vmem>>, vector<16xi32>,
    %get3A_292 = arith.constant 432 : index
    %get3A_293 = tpu.vector_load %arg7[%get3A_292] {strides = array<i32>} : memref<2176xi32, #tpu.memory_space<vmem>>, vector<16xi32>,
    %mul3A_294 = arith.constant 128 : i32
    %mul3A_295 = vector.broadcast %mul3A_294 : i32 to vector<16xi32>
    %mul3A_296 = arith.muli %get3A_291, %mul3A_295 : vector<16xi32>
    %add3A_297 = arith.addi %mul3A_296, %get3A_293 : vector<16xi32>
    %gather3A_298 = tpu.vector_load_idx %arg6[%add3A_297] : memref<16384xf32, #tpu.memory_space<vmem>>[vector<16xi32>], vector<16xf32>,
    %add3A_299 = arith.addf %add3A_286, %gather3A_298 : vector<16xf32>
    %get3A_300 = arith.constant 320 : index
    %get3A_301 = tpu.vector_load %arg8[%get3A_300] {strides = array<i32>} : memref<2048xf32, #tpu.memory_space<vmem>>, vector<16xf32>,
    %add3A_302 = arith.addf %add3A_289, %get3A_301 : vector<16xf32>
    %get3A_303 = arith.constant 320 : index
    %get3A_304 = tpu.vector_load %arg7[%get3A_303] {strides = array<i32>} : memref<2176xi32, #tpu.memory_space<vmem>>, vector<16xi32>,
    %get3A_305 = arith.constant 448 : index
    %get3A_306 = tpu.vector_load %arg7[%get3A_305] {strides = array<i32>} : memref<2176xi32, #tpu.memory_space<vmem>>, vector<16xi32>,
    %mul3A_307 = arith.constant 128 : i32
    %mul3A_308 = vector.broadcast %mul3A_307 : i32 to vector<16xi32>
    %mul3A_309 = arith.muli %get3A_304, %mul3A_308 : vector<16xi32>
    %add3A_310 = arith.addi %mul3A_309, %get3A_306 : vector<16xi32>
    %gather3A_311 = tpu.vector_load_idx %arg6[%add3A_310] : memref<16384xf32, #tpu.memory_space<vmem>>[vector<16xi32>], vector<16xf32>,
    %add3A_312 = arith.addf %add3A_299, %gather3A_311 : vector<16xf32>
    %get3A_313 = arith.constant 336 : index
    %get3A_314 = tpu.vector_load %arg8[%get3A_313] {strides = array<i32>} : memref<2048xf32, #tpu.memory_space<vmem>>, vector<16xf32>,
    %add3A_315 = arith.addf %add3A_302, %get3A_314 : vector<16xf32>
    %get3A_316 = arith.constant 336 : index
    %get3A_317 = tpu.vector_load %arg7[%get3A_316] {strides = array<i32>} : memref<2176xi32, #tpu.memory_space<vmem>>, vector<16xi32>,
    %get3A_318 = arith.constant 464 : index
    %get3A_319 = tpu.vector_load %arg7[%get3A_318] {strides = array<i32>} : memref<2176xi32, #tpu.memory_space<vmem>>, vector<16xi32>,
    %mul3A_320 = arith.constant 128 : i32
    %mul3A_321 = vector.broadcast %mul3A_320 : i32 to vector<16xi32>
    %mul3A_322 = arith.muli %get3A_317, %mul3A_321 : vector<16xi32>
    %add3A_323 = arith.addi %mul3A_322, %get3A_319 : vector<16xi32>
    %gather3A_324 = tpu.vector_load_idx %arg6[%add3A_323] : memref<16384xf32, #tpu.memory_space<vmem>>[vector<16xi32>], vector<16xf32>,
    %add3A_325 = arith.addf %add3A_312, %gather3A_324 : vector<16xf32>
    %get3A_326 = arith.constant 352 : index
    %get3A_327 = tpu.vector_load %arg8[%get3A_326] {strides = array<i32>} : memref<2048xf32, #tpu.memory_space<vmem>>, vector<16xf32>,
    %add3A_328 = arith.addf %add3A_315, %get3A_327 : vector<16xf32>
    %get3A_329 = arith.constant 352 : index
    %get3A_330 = tpu.vector_load %arg7[%get3A_329] {strides = array<i32>} : memref<2176xi32, #tpu.memory_space<vmem>>, vector<16xi32>,
    %get3A_331 = arith.constant 480 : index
    %get3A_332 = tpu.vector_load %arg7[%get3A_331] {strides = array<i32>} : memref<2176xi32, #tpu.memory_space<vmem>>, vector<16xi32>,
    %mul3A_333 = arith.constant 128 : i32
    %mul3A_334 = vector.broadcast %mul3A_333 : i32 to vector<16xi32>
    %mul3A_335 = arith.muli %get3A_330, %mul3A_334 : vector<16xi32>
    %add3A_336 = arith.addi %mul3A_335, %get3A_332 : vector<16xi32>
    %gather3A_337 = tpu.vector_load_idx %arg6[%add3A_336] : memref<16384xf32, #tpu.memory_space<vmem>>[vector<16xi32>], vector<16xf32>,
    %add3A_338 = arith.addf %add3A_325, %gather3A_337 : vector<16xf32>
    %get3A_339 = arith.constant 368 : index
    %get3A_340 = tpu.vector_load %arg8[%get3A_339] {strides = array<i32>} : memref<2048xf32, #tpu.memory_space<vmem>>, vector<16xf32>,
    %add3A_341 = arith.addf %add3A_328, %get3A_340 : vector<16xf32>
    %get3A_342 = arith.constant 368 : index
    %get3A_343 = tpu.vector_load %arg7[%get3A_342] {strides = array<i32>} : memref<2176xi32, #tpu.memory_space<vmem>>, vector<16xi32>,
    %get3A_344 = arith.constant 496 : index
    %get3A_345 = tpu.vector_load %arg7[%get3A_344] {strides = array<i32>} : memref<2176xi32, #tpu.memory_space<vmem>>, vector<16xi32>,
    %mul3A_346 = arith.constant 128 : i32
    %mul3A_347 = vector.broadcast %mul3A_346 : i32 to vector<16xi32>
    %mul3A_348 = arith.muli %get3A_343, %mul3A_347 : vector<16xi32>
    %add3A_349 = arith.addi %mul3A_348, %get3A_345 : vector<16xi32>
    %gather3A_350 = tpu.vector_load_idx %arg6[%add3A_349] : memref<16384xf32, #tpu.memory_space<vmem>>[vector<16xi32>], vector<16xf32>,
    %add3A_351 = arith.addf %add3A_338, %gather3A_350 : vector<16xf32>
    %reduce_sum3A_352 = arith.constant true
    %reduce_sum3A_353 = vector.broadcast %reduce_sum3A_352 : i1 to vector<16xi1>
    %reduce_sum3A_354 = tpu.scan <sum>, %add3A_341 masked %reduce_sum3A_353 : vector<16xf32>, vector<16xi1> -> vector<16xf32>
    %reduce_sum3A_355 = vector.extract %reduce_sum3A_354[15] : f32 from vector<16xf32>
    %add3A_356 = arith.constant 2 : i32
    %add3A_357 = arith.addi %mul3A_2, %add3A_356 : i32
    %eq3A_358 = arith.constant 0 : i32
    %eq3A_359 = arith.cmpi eq, %add3A_357, %eq3A_358 : i32
    %jit3A_360 = arith.constant 0.000000e+00 : f32
    %select_n3A_361 = arith.select %eq3A_359, %jit3A_360, %reduce_sum3A_355 : f32
    %mul3A_362 = vector.broadcast %select_n3A_361 : f32 to vector<16xf32>
    %mul3A_363 = arith.mulf %add3A_351, %mul3A_362 : vector<16xf32>
    %add3A_364 = arith.addf %add3A_243, %mul3A_363 : vector<16xf32>
    %broadcast_in_dim3A_365 = arith.constant 0.000000e+00 : f32
    %broadcast_in_dim3A_366 = vector.broadcast %broadcast_in_dim3A_365 : f32 to vector<16xf32>
    %broadcast_in_dim3A_367 = arith.constant 0.000000e+00 : f32
    %broadcast_in_dim3A_368 = vector.broadcast %broadcast_in_dim3A_367 : f32 to vector<16xf32>
    %get3A_369 = arith.constant 384 : index
    %get3A_370 = tpu.vector_load %arg8[%get3A_369] {strides = array<i32>} : memref<2048xf32, #tpu.memory_space<vmem>>, vector<16xf32>,
    %add3A_371 = arith.addf %broadcast_in_dim3A_366, %get3A_370 : vector<16xf32>
    %get3A_372 = arith.constant 384 : index
    %get3A_373 = tpu.vector_load %arg7[%get3A_372] {strides = array<i32>} : memref<2176xi32, #tpu.memory_space<vmem>>, vector<16xi32>,
    %get3A_374 = arith.constant 512 : index
    %get3A_375 = tpu.vector_load %arg7[%get3A_374] {strides = array<i32>} : memref<2176xi32, #tpu.memory_space<vmem>>, vector<16xi32>,
    %mul3A_376 = arith.constant 128 : i32
    %mul3A_377 = vector.broadcast %mul3A_376 : i32 to vector<16xi32>
    %mul3A_378 = arith.muli %get3A_373, %mul3A_377 : vector<16xi32>
    %add3A_379 = arith.addi %mul3A_378, %get3A_375 : vector<16xi32>
    %gather3A_380 = tpu.vector_load_idx %arg6[%add3A_379] : memref<16384xf32, #tpu.memory_space<vmem>>[vector<16xi32>], vector<16xf32>,
    %add3A_381 = arith.addf %broadcast_in_dim3A_368, %gather3A_380 : vector<16xf32>
    %get3A_382 = arith.constant 400 : index
    %get3A_383 = tpu.vector_load %arg8[%get3A_382] {strides = array<i32>} : memref<2048xf32, #tpu.memory_space<vmem>>, vector<16xf32>,
    %add3A_384 = arith.addf %add3A_371, %get3A_383 : vector<16xf32>
    %get3A_385 = arith.constant 400 : index
    %get3A_386 = tpu.vector_load %arg7[%get3A_385] {strides = array<i32>} : memref<2176xi32, #tpu.memory_space<vmem>>, vector<16xi32>,
    %get3A_387 = arith.constant 528 : index
    %get3A_388 = tpu.vector_load %arg7[%get3A_387] {strides = array<i32>} : memref<2176xi32, #tpu.memory_space<vmem>>, vector<16xi32>,
    %mul3A_389 = arith.constant 128 : i32
    %mul3A_390 = vector.broadcast %mul3A_389 : i32 to vector<16xi32>
    %mul3A_391 = arith.muli %get3A_386, %mul3A_390 : vector<16xi32>
    %add3A_392 = arith.addi %mul3A_391, %get3A_388 : vector<16xi32>
    %gather3A_393 = tpu.vector_load_idx %arg6[%add3A_392] : memref<16384xf32, #tpu.memory_space<vmem>>[vector<16xi32>], vector<16xf32>,
    %add3A_394 = arith.addf %add3A_381, %gather3A_393 : vector<16xf32>
    %get3A_395 = arith.constant 416 : index
    %get3A_396 = tpu.vector_load %arg8[%get3A_395] {strides = array<i32>} : memref<2048xf32, #tpu.memory_space<vmem>>, vector<16xf32>,
    %add3A_397 = arith.addf %add3A_384, %get3A_396 : vector<16xf32>
    %get3A_398 = arith.constant 416 : index
    %get3A_399 = tpu.vector_load %arg7[%get3A_398] {strides = array<i32>} : memref<2176xi32, #tpu.memory_space<vmem>>, vector<16xi32>,
    %get3A_400 = arith.constant 544 : index
    %get3A_401 = tpu.vector_load %arg7[%get3A_400] {strides = array<i32>} : memref<2176xi32, #tpu.memory_space<vmem>>, vector<16xi32>,
    %mul3A_402 = arith.constant 128 : i32
    %mul3A_403 = vector.broadcast %mul3A_402 : i32 to vector<16xi32>
    %mul3A_404 = arith.muli %get3A_399, %mul3A_403 : vector<16xi32>
    %add3A_405 = arith.addi %mul3A_404, %get3A_401 : vector<16xi32>
    %gather3A_406 = tpu.vector_load_idx %arg6[%add3A_405] : memref<16384xf32, #tpu.memory_space<vmem>>[vector<16xi32>], vector<16xf32>,
    %add3A_407 = arith.addf %add3A_394, %gather3A_406 : vector<16xf32>
    %get3A_408 = arith.constant 432 : index
    %get3A_409 = tpu.vector_load %arg8[%get3A_408] {strides = array<i32>} : memref<2048xf32, #tpu.memory_space<vmem>>, vector<16xf32>,
    %add3A_410 = arith.addf %add3A_397, %get3A_409 : vector<16xf32>
    %get3A_411 = arith.constant 432 : index
    %get3A_412 = tpu.vector_load %arg7[%get3A_411] {strides = array<i32>} : memref<2176xi32, #tpu.memory_space<vmem>>, vector<16xi32>,
    %get3A_413 = arith.constant 560 : index
    %get3A_414 = tpu.vector_load %arg7[%get3A_413] {strides = array<i32>} : memref<2176xi32, #tpu.memory_space<vmem>>, vector<16xi32>,
    %mul3A_415 = arith.constant 128 : i32
    %mul3A_416 = vector.broadcast %mul3A_415 : i32 to vector<16xi32>
    %mul3A_417 = arith.muli %get3A_412, %mul3A_416 : vector<16xi32>
    %add3A_418 = arith.addi %mul3A_417, %get3A_414 : vector<16xi32>
    %gather3A_419 = tpu.vector_load_idx %arg6[%add3A_418] : memref<16384xf32, #tpu.memory_space<vmem>>[vector<16xi32>], vector<16xf32>,
    %add3A_420 = arith.addf %add3A_407, %gather3A_419 : vector<16xf32>
    %get3A_421 = arith.constant 448 : index
    %get3A_422 = tpu.vector_load %arg8[%get3A_421] {strides = array<i32>} : memref<2048xf32, #tpu.memory_space<vmem>>, vector<16xf32>,
    %add3A_423 = arith.addf %add3A_410, %get3A_422 : vector<16xf32>
    %get3A_424 = arith.constant 448 : index
    %get3A_425 = tpu.vector_load %arg7[%get3A_424] {strides = array<i32>} : memref<2176xi32, #tpu.memory_space<vmem>>, vector<16xi32>,
    %get3A_426 = arith.constant 576 : index
    %get3A_427 = tpu.vector_load %arg7[%get3A_426] {strides = array<i32>} : memref<2176xi32, #tpu.memory_space<vmem>>, vector<16xi32>,
    %mul3A_428 = arith.constant 128 : i32
    %mul3A_429 = vector.broadcast %mul3A_428 : i32 to vector<16xi32>
    %mul3A_430 = arith.muli %get3A_425, %mul3A_429 : vector<16xi32>
    %add3A_431 = arith.addi %mul3A_430, %get3A_427 : vector<16xi32>
    %gather3A_432 = tpu.vector_load_idx %arg6[%add3A_431] : memref<16384xf32, #tpu.memory_space<vmem>>[vector<16xi32>], vector<16xf32>,
    %add3A_433 = arith.addf %add3A_420, %gather3A_432 : vector<16xf32>
    %get3A_434 = arith.constant 464 : index
    %get3A_435 = tpu.vector_load %arg8[%get3A_434] {strides = array<i32>} : memref<2048xf32, #tpu.memory_space<vmem>>, vector<16xf32>,
    %add3A_436 = arith.addf %add3A_423, %get3A_435 : vector<16xf32>
    %get3A_437 = arith.constant 464 : index
    %get3A_438 = tpu.vector_load %arg7[%get3A_437] {strides = array<i32>} : memref<2176xi32, #tpu.memory_space<vmem>>, vector<16xi32>,
    %get3A_439 = arith.constant 592 : index
    %get3A_440 = tpu.vector_load %arg7[%get3A_439] {strides = array<i32>} : memref<2176xi32, #tpu.memory_space<vmem>>, vector<16xi32>,
    %mul3A_441 = arith.constant 128 : i32
    %mul3A_442 = vector.broadcast %mul3A_441 : i32 to vector<16xi32>
    %mul3A_443 = arith.muli %get3A_438, %mul3A_442 : vector<16xi32>
    %add3A_444 = arith.addi %mul3A_443, %get3A_440 : vector<16xi32>
    %gather3A_445 = tpu.vector_load_idx %arg6[%add3A_444] : memref<16384xf32, #tpu.memory_space<vmem>>[vector<16xi32>], vector<16xf32>,
    %add3A_446 = arith.addf %add3A_433, %gather3A_445 : vector<16xf32>
    %get3A_447 = arith.constant 480 : index
    %get3A_448 = tpu.vector_load %arg8[%get3A_447] {strides = array<i32>} : memref<2048xf32, #tpu.memory_space<vmem>>, vector<16xf32>,
    %add3A_449 = arith.addf %add3A_436, %get3A_448 : vector<16xf32>
    %get3A_450 = arith.constant 480 : index
    %get3A_451 = tpu.vector_load %arg7[%get3A_450] {strides = array<i32>} : memref<2176xi32, #tpu.memory_space<vmem>>, vector<16xi32>,
    %get3A_452 = arith.constant 608 : index
    %get3A_453 = tpu.vector_load %arg7[%get3A_452] {strides = array<i32>} : memref<2176xi32, #tpu.memory_space<vmem>>, vector<16xi32>,
    %mul3A_454 = arith.constant 128 : i32
    %mul3A_455 = vector.broadcast %mul3A_454 : i32 to vector<16xi32>
    %mul3A_456 = arith.muli %get3A_451, %mul3A_455 : vector<16xi32>
    %add3A_457 = arith.addi %mul3A_456, %get3A_453 : vector<16xi32>
    %gather3A_458 = tpu.vector_load_idx %arg6[%add3A_457] : memref<16384xf32, #tpu.memory_space<vmem>>[vector<16xi32>], vector<16xf32>,
    %add3A_459 = arith.addf %add3A_446, %gather3A_458 : vector<16xf32>
    %get3A_460 = arith.constant 496 : index
    %get3A_461 = tpu.vector_load %arg8[%get3A_460] {strides = array<i32>} : memref<2048xf32, #tpu.memory_space<vmem>>, vector<16xf32>,
    %add3A_462 = arith.addf %add3A_449, %get3A_461 : vector<16xf32>
    %get3A_463 = arith.constant 496 : index
    %get3A_464 = tpu.vector_load %arg7[%get3A_463] {strides = array<i32>} : memref<2176xi32, #tpu.memory_space<vmem>>, vector<16xi32>,
    %get3A_465 = arith.constant 624 : index
    %get3A_466 = tpu.vector_load %arg7[%get3A_465] {strides = array<i32>} : memref<2176xi32, #tpu.memory_space<vmem>>, vector<16xi32>,
    %mul3A_467 = arith.constant 128 : i32
    %mul3A_468 = vector.broadcast %mul3A_467 : i32 to vector<16xi32>
    %mul3A_469 = arith.muli %get3A_464, %mul3A_468 : vector<16xi32>
    %add3A_470 = arith.addi %mul3A_469, %get3A_466 : vector<16xi32>
    %gather3A_471 = tpu.vector_load_idx %arg6[%add3A_470] : memref<16384xf32, #tpu.memory_space<vmem>>[vector<16xi32>], vector<16xf32>,
    %add3A_472 = arith.addf %add3A_459, %gather3A_471 : vector<16xf32>
    %reduce_sum3A_473 = arith.constant true
    %reduce_sum3A_474 = vector.broadcast %reduce_sum3A_473 : i1 to vector<16xi1>
    %reduce_sum3A_475 = tpu.scan <sum>, %add3A_462 masked %reduce_sum3A_474 : vector<16xf32>, vector<16xi1> -> vector<16xf32>
    %reduce_sum3A_476 = vector.extract %reduce_sum3A_475[15] : f32 from vector<16xf32>
    %add3A_477 = arith.constant 3 : i32
    %add3A_478 = arith.addi %mul3A_2, %add3A_477 : i32
    %eq3A_479 = arith.constant 0 : i32
    %eq3A_480 = arith.cmpi eq, %add3A_478, %eq3A_479 : i32
    %jit3A_481 = arith.constant 0.000000e+00 : f32
    %select_n3A_482 = arith.select %eq3A_480, %jit3A_481, %reduce_sum3A_476 : f32
    %mul3A_483 = vector.broadcast %select_n3A_482 : f32 to vector<16xf32>
    %mul3A_484 = arith.mulf %add3A_472, %mul3A_483 : vector<16xf32>
    %add3A_485 = arith.addf %add3A_364, %mul3A_484 : vector<16xf32>
    %broadcast_in_dim3A_486 = arith.constant 0.000000e+00 : f32
    %broadcast_in_dim3A_487 = vector.broadcast %broadcast_in_dim3A_486 : f32 to vector<16xf32>
    %broadcast_in_dim3A_488 = arith.constant 0.000000e+00 : f32
    %broadcast_in_dim3A_489 = vector.broadcast %broadcast_in_dim3A_488 : f32 to vector<16xf32>
    %get3A_490 = arith.constant 512 : index
    %get3A_491 = tpu.vector_load %arg8[%get3A_490] {strides = array<i32>} : memref<2048xf32, #tpu.memory_space<vmem>>, vector<16xf32>,
    %add3A_492 = arith.addf %broadcast_in_dim3A_487, %get3A_491 : vector<16xf32>
    %get3A_493 = arith.constant 512 : index
    %get3A_494 = tpu.vector_load %arg7[%get3A_493] {strides = array<i32>} : memref<2176xi32, #tpu.memory_space<vmem>>, vector<16xi32>,
    %get3A_495 = arith.constant 640 : index
    %get3A_496 = tpu.vector_load %arg7[%get3A_495] {strides = array<i32>} : memref<2176xi32, #tpu.memory_space<vmem>>, vector<16xi32>,
    %mul3A_497 = arith.constant 128 : i32
    %mul3A_498 = vector.broadcast %mul3A_497 : i32 to vector<16xi32>
    %mul3A_499 = arith.muli %get3A_494, %mul3A_498 : vector<16xi32>
    %add3A_500 = arith.addi %mul3A_499, %get3A_496 : vector<16xi32>
    %gather3A_501 = tpu.vector_load_idx %arg6[%add3A_500] : memref<16384xf32, #tpu.memory_space<vmem>>[vector<16xi32>], vector<16xf32>,
    %add3A_502 = arith.addf %broadcast_in_dim3A_489, %gather3A_501 : vector<16xf32>
    %get3A_503 = arith.constant 528 : index
    %get3A_504 = tpu.vector_load %arg8[%get3A_503] {strides = array<i32>} : memref<2048xf32, #tpu.memory_space<vmem>>, vector<16xf32>,
    %add3A_505 = arith.addf %add3A_492, %get3A_504 : vector<16xf32>
    %get3A_506 = arith.constant 528 : index
    %get3A_507 = tpu.vector_load %arg7[%get3A_506] {strides = array<i32>} : memref<2176xi32, #tpu.memory_space<vmem>>, vector<16xi32>,
    %get3A_508 = arith.constant 656 : index
    %get3A_509 = tpu.vector_load %arg7[%get3A_508] {strides = array<i32>} : memref<2176xi32, #tpu.memory_space<vmem>>, vector<16xi32>,
    %mul3A_510 = arith.constant 128 : i32
    %mul3A_511 = vector.broadcast %mul3A_510 : i32 to vector<16xi32>
    %mul3A_512 = arith.muli %get3A_507, %mul3A_511 : vector<16xi32>
    %add3A_513 = arith.addi %mul3A_512, %get3A_509 : vector<16xi32>
    %gather3A_514 = tpu.vector_load_idx %arg6[%add3A_513] : memref<16384xf32, #tpu.memory_space<vmem>>[vector<16xi32>], vector<16xf32>,
    %add3A_515 = arith.addf %add3A_502, %gather3A_514 : vector<16xf32>
    %get3A_516 = arith.constant 544 : index
    %get3A_517 = tpu.vector_load %arg8[%get3A_516] {strides = array<i32>} : memref<2048xf32, #tpu.memory_space<vmem>>, vector<16xf32>,
    %add3A_518 = arith.addf %add3A_505, %get3A_517 : vector<16xf32>
    %get3A_519 = arith.constant 544 : index
    %get3A_520 = tpu.vector_load %arg7[%get3A_519] {strides = array<i32>} : memref<2176xi32, #tpu.memory_space<vmem>>, vector<16xi32>,
    %get3A_521 = arith.constant 672 : index
    %get3A_522 = tpu.vector_load %arg7[%get3A_521] {strides = array<i32>} : memref<2176xi32, #tpu.memory_space<vmem>>, vector<16xi32>,
    %mul3A_523 = arith.constant 128 : i32
    %mul3A_524 = vector.broadcast %mul3A_523 : i32 to vector<16xi32>
    %mul3A_525 = arith.muli %get3A_520, %mul3A_524 : vector<16xi32>
    %add3A_526 = arith.addi %mul3A_525, %get3A_522 : vector<16xi32>
    %gather3A_527 = tpu.vector_load_idx %arg6[%add3A_526] : memref<16384xf32, #tpu.memory_space<vmem>>[vector<16xi32>], vector<16xf32>,
    %add3A_528 = arith.addf %add3A_515, %gather3A_527 : vector<16xf32>
    %get3A_529 = arith.constant 560 : index
    %get3A_530 = tpu.vector_load %arg8[%get3A_529] {strides = array<i32>} : memref<2048xf32, #tpu.memory_space<vmem>>, vector<16xf32>,
    %add3A_531 = arith.addf %add3A_518, %get3A_530 : vector<16xf32>
    %get3A_532 = arith.constant 560 : index
    %get3A_533 = tpu.vector_load %arg7[%get3A_532] {strides = array<i32>} : memref<2176xi32, #tpu.memory_space<vmem>>, vector<16xi32>,
    %get3A_534 = arith.constant 688 : index
    %get3A_535 = tpu.vector_load %arg7[%get3A_534] {strides = array<i32>} : memref<2176xi32, #tpu.memory_space<vmem>>, vector<16xi32>,
    %mul3A_536 = arith.constant 128 : i32
    %mul3A_537 = vector.broadcast %mul3A_536 : i32 to vector<16xi32>
    %mul3A_538 = arith.muli %get3A_533, %mul3A_537 : vector<16xi32>
    %add3A_539 = arith.addi %mul3A_538, %get3A_535 : vector<16xi32>
    %gather3A_540 = tpu.vector_load_idx %arg6[%add3A_539] : memref<16384xf32, #tpu.memory_space<vmem>>[vector<16xi32>], vector<16xf32>,
    %add3A_541 = arith.addf %add3A_528, %gather3A_540 : vector<16xf32>
    %get3A_542 = arith.constant 576 : index
    %get3A_543 = tpu.vector_load %arg8[%get3A_542] {strides = array<i32>} : memref<2048xf32, #tpu.memory_space<vmem>>, vector<16xf32>,
    %add3A_544 = arith.addf %add3A_531, %get3A_543 : vector<16xf32>
    %get3A_545 = arith.constant 576 : index
    %get3A_546 = tpu.vector_load %arg7[%get3A_545] {strides = array<i32>} : memref<2176xi32, #tpu.memory_space<vmem>>, vector<16xi32>,
    %get3A_547 = arith.constant 704 : index
    %get3A_548 = tpu.vector_load %arg7[%get3A_547] {strides = array<i32>} : memref<2176xi32, #tpu.memory_space<vmem>>, vector<16xi32>,
    %mul3A_549 = arith.constant 128 : i32
    %mul3A_550 = vector.broadcast %mul3A_549 : i32 to vector<16xi32>
    %mul3A_551 = arith.muli %get3A_546, %mul3A_550 : vector<16xi32>
    %add3A_552 = arith.addi %mul3A_551, %get3A_548 : vector<16xi32>
    %gather3A_553 = tpu.vector_load_idx %arg6[%add3A_552] : memref<16384xf32, #tpu.memory_space<vmem>>[vector<16xi32>], vector<16xf32>,
    %add3A_554 = arith.addf %add3A_541, %gather3A_553 : vector<16xf32>
    %get3A_555 = arith.constant 592 : index
    %get3A_556 = tpu.vector_load %arg8[%get3A_555] {strides = array<i32>} : memref<2048xf32, #tpu.memory_space<vmem>>, vector<16xf32>,
    %add3A_557 = arith.addf %add3A_544, %get3A_556 : vector<16xf32>
    %get3A_558 = arith.constant 592 : index
    %get3A_559 = tpu.vector_load %arg7[%get3A_558] {strides = array<i32>} : memref<2176xi32, #tpu.memory_space<vmem>>, vector<16xi32>,
    %get3A_560 = arith.constant 720 : index
    %get3A_561 = tpu.vector_load %arg7[%get3A_560] {strides = array<i32>} : memref<2176xi32, #tpu.memory_space<vmem>>, vector<16xi32>,
    %mul3A_562 = arith.constant 128 : i32
    %mul3A_563 = vector.broadcast %mul3A_562 : i32 to vector<16xi32>
    %mul3A_564 = arith.muli %get3A_559, %mul3A_563 : vector<16xi32>
    %add3A_565 = arith.addi %mul3A_564, %get3A_561 : vector<16xi32>
    %gather3A_566 = tpu.vector_load_idx %arg6[%add3A_565] : memref<16384xf32, #tpu.memory_space<vmem>>[vector<16xi32>], vector<16xf32>,
    %add3A_567 = arith.addf %add3A_554, %gather3A_566 : vector<16xf32>
    %get3A_568 = arith.constant 608 : index
    %get3A_569 = tpu.vector_load %arg8[%get3A_568] {strides = array<i32>} : memref<2048xf32, #tpu.memory_space<vmem>>, vector<16xf32>,
    %add3A_570 = arith.addf %add3A_557, %get3A_569 : vector<16xf32>
    %get3A_571 = arith.constant 608 : index
    %get3A_572 = tpu.vector_load %arg7[%get3A_571] {strides = array<i32>} : memref<2176xi32, #tpu.memory_space<vmem>>, vector<16xi32>,
    %get3A_573 = arith.constant 736 : index
    %get3A_574 = tpu.vector_load %arg7[%get3A_573] {strides = array<i32>} : memref<2176xi32, #tpu.memory_space<vmem>>, vector<16xi32>,
    %mul3A_575 = arith.constant 128 : i32
    %mul3A_576 = vector.broadcast %mul3A_575 : i32 to vector<16xi32>
    %mul3A_577 = arith.muli %get3A_572, %mul3A_576 : vector<16xi32>
    %add3A_578 = arith.addi %mul3A_577, %get3A_574 : vector<16xi32>
    %gather3A_579 = tpu.vector_load_idx %arg6[%add3A_578] : memref<16384xf32, #tpu.memory_space<vmem>>[vector<16xi32>], vector<16xf32>,
    %add3A_580 = arith.addf %add3A_567, %gather3A_579 : vector<16xf32>
    %get3A_581 = arith.constant 624 : index
    %get3A_582 = tpu.vector_load %arg8[%get3A_581] {strides = array<i32>} : memref<2048xf32, #tpu.memory_space<vmem>>, vector<16xf32>,
    %add3A_583 = arith.addf %add3A_570, %get3A_582 : vector<16xf32>
    %get3A_584 = arith.constant 624 : index
    %get3A_585 = tpu.vector_load %arg7[%get3A_584] {strides = array<i32>} : memref<2176xi32, #tpu.memory_space<vmem>>, vector<16xi32>,
    %get3A_586 = arith.constant 752 : index
    %get3A_587 = tpu.vector_load %arg7[%get3A_586] {strides = array<i32>} : memref<2176xi32, #tpu.memory_space<vmem>>, vector<16xi32>,
    %mul3A_588 = arith.constant 128 : i32
    %mul3A_589 = vector.broadcast %mul3A_588 : i32 to vector<16xi32>
    %mul3A_590 = arith.muli %get3A_585, %mul3A_589 : vector<16xi32>
    %add3A_591 = arith.addi %mul3A_590, %get3A_587 : vector<16xi32>
    %gather3A_592 = tpu.vector_load_idx %arg6[%add3A_591] : memref<16384xf32, #tpu.memory_space<vmem>>[vector<16xi32>], vector<16xf32>,
    %add3A_593 = arith.addf %add3A_580, %gather3A_592 : vector<16xf32>
    %reduce_sum3A_594 = arith.constant true
    %reduce_sum3A_595 = vector.broadcast %reduce_sum3A_594 : i1 to vector<16xi1>
    %reduce_sum3A_596 = tpu.scan <sum>, %add3A_583 masked %reduce_sum3A_595 : vector<16xf32>, vector<16xi1> -> vector<16xf32>
    %reduce_sum3A_597 = vector.extract %reduce_sum3A_596[15] : f32 from vector<16xf32>
    %add3A_598 = arith.constant 4 : i32
    %add3A_599 = arith.addi %mul3A_2, %add3A_598 : i32
    %eq3A_600 = arith.constant 0 : i32
    %eq3A_601 = arith.cmpi eq, %add3A_599, %eq3A_600 : i32
    %jit3A_602 = arith.constant 0.000000e+00 : f32
    %select_n3A_603 = arith.select %eq3A_601, %jit3A_602, %reduce_sum3A_597 : f32
    %mul3A_604 = vector.broadcast %select_n3A_603 : f32 to vector<16xf32>
    %mul3A_605 = arith.mulf %add3A_593, %mul3A_604 : vector<16xf32>
    %add3A_606 = arith.addf %add3A_485, %mul3A_605 : vector<16xf32>
    %broadcast_in_dim3A_607 = arith.constant 0.000000e+00 : f32
    %broadcast_in_dim3A_608 = vector.broadcast %broadcast_in_dim3A_607 : f32 to vector<16xf32>
    %broadcast_in_dim3A_609 = arith.constant 0.000000e+00 : f32
    %broadcast_in_dim3A_610 = vector.broadcast %broadcast_in_dim3A_609 : f32 to vector<16xf32>
    %get3A_611 = arith.constant 640 : index
    %get3A_612 = tpu.vector_load %arg8[%get3A_611] {strides = array<i32>} : memref<2048xf32, #tpu.memory_space<vmem>>, vector<16xf32>,
    %add3A_613 = arith.addf %broadcast_in_dim3A_608, %get3A_612 : vector<16xf32>
    %get3A_614 = arith.constant 640 : index
    %get3A_615 = tpu.vector_load %arg7[%get3A_614] {strides = array<i32>} : memref<2176xi32, #tpu.memory_space<vmem>>, vector<16xi32>,
    %get3A_616 = arith.constant 768 : index
    %get3A_617 = tpu.vector_load %arg7[%get3A_616] {strides = array<i32>} : memref<2176xi32, #tpu.memory_space<vmem>>, vector<16xi32>,
    %mul3A_618 = arith.constant 128 : i32
    %mul3A_619 = vector.broadcast %mul3A_618 : i32 to vector<16xi32>
    %mul3A_620 = arith.muli %get3A_615, %mul3A_619 : vector<16xi32>
    %add3A_621 = arith.addi %mul3A_620, %get3A_617 : vector<16xi32>
    %gather3A_622 = tpu.vector_load_idx %arg6[%add3A_621] : memref<16384xf32, #tpu.memory_space<vmem>>[vector<16xi32>], vector<16xf32>,
    %add3A_623 = arith.addf %broadcast_in_dim3A_610, %gather3A_622 : vector<16xf32>
    %get3A_624 = arith.constant 656 : index
    %get3A_625 = tpu.vector_load %arg8[%get3A_624] {strides = array<i32>} : memref<2048xf32, #tpu.memory_space<vmem>>, vector<16xf32>,
    %add3A_626 = arith.addf %add3A_613, %get3A_625 : vector<16xf32>
    %get3A_627 = arith.constant 656 : index
    %get3A_628 = tpu.vector_load %arg7[%get3A_627] {strides = array<i32>} : memref<2176xi32, #tpu.memory_space<vmem>>, vector<16xi32>,
    %get3A_629 = arith.constant 784 : index
    %get3A_630 = tpu.vector_load %arg7[%get3A_629] {strides = array<i32>} : memref<2176xi32, #tpu.memory_space<vmem>>, vector<16xi32>,
    %mul3A_631 = arith.constant 128 : i32
    %mul3A_632 = vector.broadcast %mul3A_631 : i32 to vector<16xi32>
    %mul3A_633 = arith.muli %get3A_628, %mul3A_632 : vector<16xi32>
    %add3A_634 = arith.addi %mul3A_633, %get3A_630 : vector<16xi32>
    %gather3A_635 = tpu.vector_load_idx %arg6[%add3A_634] : memref<16384xf32, #tpu.memory_space<vmem>>[vector<16xi32>], vector<16xf32>,
    %add3A_636 = arith.addf %add3A_623, %gather3A_635 : vector<16xf32>
    %get3A_637 = arith.constant 672 : index
    %get3A_638 = tpu.vector_load %arg8[%get3A_637] {strides = array<i32>} : memref<2048xf32, #tpu.memory_space<vmem>>, vector<16xf32>,
    %add3A_639 = arith.addf %add3A_626, %get3A_638 : vector<16xf32>
    %get3A_640 = arith.constant 672 : index
    %get3A_641 = tpu.vector_load %arg7[%get3A_640] {strides = array<i32>} : memref<2176xi32, #tpu.memory_space<vmem>>, vector<16xi32>,
    %get3A_642 = arith.constant 800 : index
    %get3A_643 = tpu.vector_load %arg7[%get3A_642] {strides = array<i32>} : memref<2176xi32, #tpu.memory_space<vmem>>, vector<16xi32>,
    %mul3A_644 = arith.constant 128 : i32
    %mul3A_645 = vector.broadcast %mul3A_644 : i32 to vector<16xi32>
    %mul3A_646 = arith.muli %get3A_641, %mul3A_645 : vector<16xi32>
    %add3A_647 = arith.addi %mul3A_646, %get3A_643 : vector<16xi32>
    %gather3A_648 = tpu.vector_load_idx %arg6[%add3A_647] : memref<16384xf32, #tpu.memory_space<vmem>>[vector<16xi32>], vector<16xf32>,
    %add3A_649 = arith.addf %add3A_636, %gather3A_648 : vector<16xf32>
    %get3A_650 = arith.constant 688 : index
    %get3A_651 = tpu.vector_load %arg8[%get3A_650] {strides = array<i32>} : memref<2048xf32, #tpu.memory_space<vmem>>, vector<16xf32>,
    %add3A_652 = arith.addf %add3A_639, %get3A_651 : vector<16xf32>
    %get3A_653 = arith.constant 688 : index
    %get3A_654 = tpu.vector_load %arg7[%get3A_653] {strides = array<i32>} : memref<2176xi32, #tpu.memory_space<vmem>>, vector<16xi32>,
    %get3A_655 = arith.constant 816 : index
    %get3A_656 = tpu.vector_load %arg7[%get3A_655] {strides = array<i32>} : memref<2176xi32, #tpu.memory_space<vmem>>, vector<16xi32>,
    %mul3A_657 = arith.constant 128 : i32
    %mul3A_658 = vector.broadcast %mul3A_657 : i32 to vector<16xi32>
    %mul3A_659 = arith.muli %get3A_654, %mul3A_658 : vector<16xi32>
    %add3A_660 = arith.addi %mul3A_659, %get3A_656 : vector<16xi32>
    %gather3A_661 = tpu.vector_load_idx %arg6[%add3A_660] : memref<16384xf32, #tpu.memory_space<vmem>>[vector<16xi32>], vector<16xf32>,
    %add3A_662 = arith.addf %add3A_649, %gather3A_661 : vector<16xf32>
    %get3A_663 = arith.constant 704 : index
    %get3A_664 = tpu.vector_load %arg8[%get3A_663] {strides = array<i32>} : memref<2048xf32, #tpu.memory_space<vmem>>, vector<16xf32>,
    %add3A_665 = arith.addf %add3A_652, %get3A_664 : vector<16xf32>
    %get3A_666 = arith.constant 704 : index
    %get3A_667 = tpu.vector_load %arg7[%get3A_666] {strides = array<i32>} : memref<2176xi32, #tpu.memory_space<vmem>>, vector<16xi32>,
    %get3A_668 = arith.constant 832 : index
    %get3A_669 = tpu.vector_load %arg7[%get3A_668] {strides = array<i32>} : memref<2176xi32, #tpu.memory_space<vmem>>, vector<16xi32>,
    %mul3A_670 = arith.constant 128 : i32
    %mul3A_671 = vector.broadcast %mul3A_670 : i32 to vector<16xi32>
    %mul3A_672 = arith.muli %get3A_667, %mul3A_671 : vector<16xi32>
    %add3A_673 = arith.addi %mul3A_672, %get3A_669 : vector<16xi32>
    %gather3A_674 = tpu.vector_load_idx %arg6[%add3A_673] : memref<16384xf32, #tpu.memory_space<vmem>>[vector<16xi32>], vector<16xf32>,
    %add3A_675 = arith.addf %add3A_662, %gather3A_674 : vector<16xf32>
    %get3A_676 = arith.constant 720 : index
    %get3A_677 = tpu.vector_load %arg8[%get3A_676] {strides = array<i32>} : memref<2048xf32, #tpu.memory_space<vmem>>, vector<16xf32>,
    %add3A_678 = arith.addf %add3A_665, %get3A_677 : vector<16xf32>
    %get3A_679 = arith.constant 720 : index
    %get3A_680 = tpu.vector_load %arg7[%get3A_679] {strides = array<i32>} : memref<2176xi32, #tpu.memory_space<vmem>>, vector<16xi32>,
    %get3A_681 = arith.constant 848 : index
    %get3A_682 = tpu.vector_load %arg7[%get3A_681] {strides = array<i32>} : memref<2176xi32, #tpu.memory_space<vmem>>, vector<16xi32>,
    %mul3A_683 = arith.constant 128 : i32
    %mul3A_684 = vector.broadcast %mul3A_683 : i32 to vector<16xi32>
    %mul3A_685 = arith.muli %get3A_680, %mul3A_684 : vector<16xi32>
    %add3A_686 = arith.addi %mul3A_685, %get3A_682 : vector<16xi32>
    %gather3A_687 = tpu.vector_load_idx %arg6[%add3A_686] : memref<16384xf32, #tpu.memory_space<vmem>>[vector<16xi32>], vector<16xf32>,
    %add3A_688 = arith.addf %add3A_675, %gather3A_687 : vector<16xf32>
    %get3A_689 = arith.constant 736 : index
    %get3A_690 = tpu.vector_load %arg8[%get3A_689] {strides = array<i32>} : memref<2048xf32, #tpu.memory_space<vmem>>, vector<16xf32>,
    %add3A_691 = arith.addf %add3A_678, %get3A_690 : vector<16xf32>
    %get3A_692 = arith.constant 736 : index
    %get3A_693 = tpu.vector_load %arg7[%get3A_692] {strides = array<i32>} : memref<2176xi32, #tpu.memory_space<vmem>>, vector<16xi32>,
    %get3A_694 = arith.constant 864 : index
    %get3A_695 = tpu.vector_load %arg7[%get3A_694] {strides = array<i32>} : memref<2176xi32, #tpu.memory_space<vmem>>, vector<16xi32>,
    %mul3A_696 = arith.constant 128 : i32
    %mul3A_697 = vector.broadcast %mul3A_696 : i32 to vector<16xi32>
    %mul3A_698 = arith.muli %get3A_693, %mul3A_697 : vector<16xi32>
    %add3A_699 = arith.addi %mul3A_698, %get3A_695 : vector<16xi32>
    %gather3A_700 = tpu.vector_load_idx %arg6[%add3A_699] : memref<16384xf32, #tpu.memory_space<vmem>>[vector<16xi32>], vector<16xf32>,
    %add3A_701 = arith.addf %add3A_688, %gather3A_700 : vector<16xf32>
    %get3A_702 = arith.constant 752 : index
    %get3A_703 = tpu.vector_load %arg8[%get3A_702] {strides = array<i32>} : memref<2048xf32, #tpu.memory_space<vmem>>, vector<16xf32>,
    %add3A_704 = arith.addf %add3A_691, %get3A_703 : vector<16xf32>
    %get3A_705 = arith.constant 752 : index
    %get3A_706 = tpu.vector_load %arg7[%get3A_705] {strides = array<i32>} : memref<2176xi32, #tpu.memory_space<vmem>>, vector<16xi32>,
    %get3A_707 = arith.constant 880 : index
    %get3A_708 = tpu.vector_load %arg7[%get3A_707] {strides = array<i32>} : memref<2176xi32, #tpu.memory_space<vmem>>, vector<16xi32>,
    %mul3A_709 = arith.constant 128 : i32
    %mul3A_710 = vector.broadcast %mul3A_709 : i32 to vector<16xi32>
    %mul3A_711 = arith.muli %get3A_706, %mul3A_710 : vector<16xi32>
    %add3A_712 = arith.addi %mul3A_711, %get3A_708 : vector<16xi32>
    %gather3A_713 = tpu.vector_load_idx %arg6[%add3A_712] : memref<16384xf32, #tpu.memory_space<vmem>>[vector<16xi32>], vector<16xf32>,
    %add3A_714 = arith.addf %add3A_701, %gather3A_713 : vector<16xf32>
    %reduce_sum3A_715 = arith.constant true
    %reduce_sum3A_716 = vector.broadcast %reduce_sum3A_715 : i1 to vector<16xi1>
    %reduce_sum3A_717 = tpu.scan <sum>, %add3A_704 masked %reduce_sum3A_716 : vector<16xf32>, vector<16xi1> -> vector<16xf32>
    %reduce_sum3A_718 = vector.extract %reduce_sum3A_717[15] : f32 from vector<16xf32>
    %add3A_719 = arith.constant 5 : i32
    %add3A_720 = arith.addi %mul3A_2, %add3A_719 : i32
    %eq3A_721 = arith.constant 0 : i32
    %eq3A_722 = arith.cmpi eq, %add3A_720, %eq3A_721 : i32
    %jit3A_723 = arith.constant 0.000000e+00 : f32
    %select_n3A_724 = arith.select %eq3A_722, %jit3A_723, %reduce_sum3A_718 : f32
    %mul3A_725 = vector.broadcast %select_n3A_724 : f32 to vector<16xf32>
    %mul3A_726 = arith.mulf %add3A_714, %mul3A_725 : vector<16xf32>
    %add3A_727 = arith.addf %add3A_606, %mul3A_726 : vector<16xf32>
    %broadcast_in_dim3A_728 = arith.constant 0.000000e+00 : f32
    %broadcast_in_dim3A_729 = vector.broadcast %broadcast_in_dim3A_728 : f32 to vector<16xf32>
    %broadcast_in_dim3A_730 = arith.constant 0.000000e+00 : f32
    %broadcast_in_dim3A_731 = vector.broadcast %broadcast_in_dim3A_730 : f32 to vector<16xf32>
    %get3A_732 = arith.constant 768 : index
    %get3A_733 = tpu.vector_load %arg8[%get3A_732] {strides = array<i32>} : memref<2048xf32, #tpu.memory_space<vmem>>, vector<16xf32>,
    %add3A_734 = arith.addf %broadcast_in_dim3A_729, %get3A_733 : vector<16xf32>
    %get3A_735 = arith.constant 768 : index
    %get3A_736 = tpu.vector_load %arg7[%get3A_735] {strides = array<i32>} : memref<2176xi32, #tpu.memory_space<vmem>>, vector<16xi32>,
    %get3A_737 = arith.constant 896 : index
    %get3A_738 = tpu.vector_load %arg7[%get3A_737] {strides = array<i32>} : memref<2176xi32, #tpu.memory_space<vmem>>, vector<16xi32>,
    %mul3A_739 = arith.constant 128 : i32
    %mul3A_740 = vector.broadcast %mul3A_739 : i32 to vector<16xi32>
    %mul3A_741 = arith.muli %get3A_736, %mul3A_740 : vector<16xi32>
    %add3A_742 = arith.addi %mul3A_741, %get3A_738 : vector<16xi32>
    %gather3A_743 = tpu.vector_load_idx %arg6[%add3A_742] : memref<16384xf32, #tpu.memory_space<vmem>>[vector<16xi32>], vector<16xf32>,
    %add3A_744 = arith.addf %broadcast_in_dim3A_731, %gather3A_743 : vector<16xf32>
    %get3A_745 = arith.constant 784 : index
    %get3A_746 = tpu.vector_load %arg8[%get3A_745] {strides = array<i32>} : memref<2048xf32, #tpu.memory_space<vmem>>, vector<16xf32>,
    %add3A_747 = arith.addf %add3A_734, %get3A_746 : vector<16xf32>
    %get3A_748 = arith.constant 784 : index
    %get3A_749 = tpu.vector_load %arg7[%get3A_748] {strides = array<i32>} : memref<2176xi32, #tpu.memory_space<vmem>>, vector<16xi32>,
    %get3A_750 = arith.constant 912 : index
    %get3A_751 = tpu.vector_load %arg7[%get3A_750] {strides = array<i32>} : memref<2176xi32, #tpu.memory_space<vmem>>, vector<16xi32>,
    %mul3A_752 = arith.constant 128 : i32
    %mul3A_753 = vector.broadcast %mul3A_752 : i32 to vector<16xi32>
    %mul3A_754 = arith.muli %get3A_749, %mul3A_753 : vector<16xi32>
    %add3A_755 = arith.addi %mul3A_754, %get3A_751 : vector<16xi32>
    %gather3A_756 = tpu.vector_load_idx %arg6[%add3A_755] : memref<16384xf32, #tpu.memory_space<vmem>>[vector<16xi32>], vector<16xf32>,
    %add3A_757 = arith.addf %add3A_744, %gather3A_756 : vector<16xf32>
    %get3A_758 = arith.constant 800 : index
    %get3A_759 = tpu.vector_load %arg8[%get3A_758] {strides = array<i32>} : memref<2048xf32, #tpu.memory_space<vmem>>, vector<16xf32>,
    %add3A_760 = arith.addf %add3A_747, %get3A_759 : vector<16xf32>
    %get3A_761 = arith.constant 800 : index
    %get3A_762 = tpu.vector_load %arg7[%get3A_761] {strides = array<i32>} : memref<2176xi32, #tpu.memory_space<vmem>>, vector<16xi32>,
    %get3A_763 = arith.constant 928 : index
    %get3A_764 = tpu.vector_load %arg7[%get3A_763] {strides = array<i32>} : memref<2176xi32, #tpu.memory_space<vmem>>, vector<16xi32>,
    %mul3A_765 = arith.constant 128 : i32
    %mul3A_766 = vector.broadcast %mul3A_765 : i32 to vector<16xi32>
    %mul3A_767 = arith.muli %get3A_762, %mul3A_766 : vector<16xi32>
    %add3A_768 = arith.addi %mul3A_767, %get3A_764 : vector<16xi32>
    %gather3A_769 = tpu.vector_load_idx %arg6[%add3A_768] : memref<16384xf32, #tpu.memory_space<vmem>>[vector<16xi32>], vector<16xf32>,
    %add3A_770 = arith.addf %add3A_757, %gather3A_769 : vector<16xf32>
    %get3A_771 = arith.constant 816 : index
    %get3A_772 = tpu.vector_load %arg8[%get3A_771] {strides = array<i32>} : memref<2048xf32, #tpu.memory_space<vmem>>, vector<16xf32>,
    %add3A_773 = arith.addf %add3A_760, %get3A_772 : vector<16xf32>
    %get3A_774 = arith.constant 816 : index
    %get3A_775 = tpu.vector_load %arg7[%get3A_774] {strides = array<i32>} : memref<2176xi32, #tpu.memory_space<vmem>>, vector<16xi32>,
    %get3A_776 = arith.constant 944 : index
    %get3A_777 = tpu.vector_load %arg7[%get3A_776] {strides = array<i32>} : memref<2176xi32, #tpu.memory_space<vmem>>, vector<16xi32>,
    %mul3A_778 = arith.constant 128 : i32
    %mul3A_779 = vector.broadcast %mul3A_778 : i32 to vector<16xi32>
    %mul3A_780 = arith.muli %get3A_775, %mul3A_779 : vector<16xi32>
    %add3A_781 = arith.addi %mul3A_780, %get3A_777 : vector<16xi32>
    %gather3A_782 = tpu.vector_load_idx %arg6[%add3A_781] : memref<16384xf32, #tpu.memory_space<vmem>>[vector<16xi32>], vector<16xf32>,
    %add3A_783 = arith.addf %add3A_770, %gather3A_782 : vector<16xf32>
    %get3A_784 = arith.constant 832 : index
    %get3A_785 = tpu.vector_load %arg8[%get3A_784] {strides = array<i32>} : memref<2048xf32, #tpu.memory_space<vmem>>, vector<16xf32>,
    %add3A_786 = arith.addf %add3A_773, %get3A_785 : vector<16xf32>
    %get3A_787 = arith.constant 832 : index
    %get3A_788 = tpu.vector_load %arg7[%get3A_787] {strides = array<i32>} : memref<2176xi32, #tpu.memory_space<vmem>>, vector<16xi32>,
    %get3A_789 = arith.constant 960 : index
    %get3A_790 = tpu.vector_load %arg7[%get3A_789] {strides = array<i32>} : memref<2176xi32, #tpu.memory_space<vmem>>, vector<16xi32>,
    %mul3A_791 = arith.constant 128 : i32
    %mul3A_792 = vector.broadcast %mul3A_791 : i32 to vector<16xi32>
    %mul3A_793 = arith.muli %get3A_788, %mul3A_792 : vector<16xi32>
    %add3A_794 = arith.addi %mul3A_793, %get3A_790 : vector<16xi32>
    %gather3A_795 = tpu.vector_load_idx %arg6[%add3A_794] : memref<16384xf32, #tpu.memory_space<vmem>>[vector<16xi32>], vector<16xf32>,
    %add3A_796 = arith.addf %add3A_783, %gather3A_795 : vector<16xf32>
    %get3A_797 = arith.constant 848 : index
    %get3A_798 = tpu.vector_load %arg8[%get3A_797] {strides = array<i32>} : memref<2048xf32, #tpu.memory_space<vmem>>, vector<16xf32>,
    %add3A_799 = arith.addf %add3A_786, %get3A_798 : vector<16xf32>
    %get3A_800 = arith.constant 848 : index
    %get3A_801 = tpu.vector_load %arg7[%get3A_800] {strides = array<i32>} : memref<2176xi32, #tpu.memory_space<vmem>>, vector<16xi32>,
    %get3A_802 = arith.constant 976 : index
    %get3A_803 = tpu.vector_load %arg7[%get3A_802] {strides = array<i32>} : memref<2176xi32, #tpu.memory_space<vmem>>, vector<16xi32>,
    %mul3A_804 = arith.constant 128 : i32
    %mul3A_805 = vector.broadcast %mul3A_804 : i32 to vector<16xi32>
    %mul3A_806 = arith.muli %get3A_801, %mul3A_805 : vector<16xi32>
    %add3A_807 = arith.addi %mul3A_806, %get3A_803 : vector<16xi32>
    %gather3A_808 = tpu.vector_load_idx %arg6[%add3A_807] : memref<16384xf32, #tpu.memory_space<vmem>>[vector<16xi32>], vector<16xf32>,
    %add3A_809 = arith.addf %add3A_796, %gather3A_808 : vector<16xf32>
    %get3A_810 = arith.constant 864 : index
    %get3A_811 = tpu.vector_load %arg8[%get3A_810] {strides = array<i32>} : memref<2048xf32, #tpu.memory_space<vmem>>, vector<16xf32>,
    %add3A_812 = arith.addf %add3A_799, %get3A_811 : vector<16xf32>
    %get3A_813 = arith.constant 864 : index
    %get3A_814 = tpu.vector_load %arg7[%get3A_813] {strides = array<i32>} : memref<2176xi32, #tpu.memory_space<vmem>>, vector<16xi32>,
    %get3A_815 = arith.constant 992 : index
    %get3A_816 = tpu.vector_load %arg7[%get3A_815] {strides = array<i32>} : memref<2176xi32, #tpu.memory_space<vmem>>, vector<16xi32>,
    %mul3A_817 = arith.constant 128 : i32
    %mul3A_818 = vector.broadcast %mul3A_817 : i32 to vector<16xi32>
    %mul3A_819 = arith.muli %get3A_814, %mul3A_818 : vector<16xi32>
    %add3A_820 = arith.addi %mul3A_819, %get3A_816 : vector<16xi32>
    %gather3A_821 = tpu.vector_load_idx %arg6[%add3A_820] : memref<16384xf32, #tpu.memory_space<vmem>>[vector<16xi32>], vector<16xf32>,
    %add3A_822 = arith.addf %add3A_809, %gather3A_821 : vector<16xf32>
    %get3A_823 = arith.constant 880 : index
    %get3A_824 = tpu.vector_load %arg8[%get3A_823] {strides = array<i32>} : memref<2048xf32, #tpu.memory_space<vmem>>, vector<16xf32>,
    %add3A_825 = arith.addf %add3A_812, %get3A_824 : vector<16xf32>
    %get3A_826 = arith.constant 880 : index
    %get3A_827 = tpu.vector_load %arg7[%get3A_826] {strides = array<i32>} : memref<2176xi32, #tpu.memory_space<vmem>>, vector<16xi32>,
    %get3A_828 = arith.constant 1008 : index
    %get3A_829 = tpu.vector_load %arg7[%get3A_828] {strides = array<i32>} : memref<2176xi32, #tpu.memory_space<vmem>>, vector<16xi32>,
    %mul3A_830 = arith.constant 128 : i32
    %mul3A_831 = vector.broadcast %mul3A_830 : i32 to vector<16xi32>
    %mul3A_832 = arith.muli %get3A_827, %mul3A_831 : vector<16xi32>
    %add3A_833 = arith.addi %mul3A_832, %get3A_829 : vector<16xi32>
    %gather3A_834 = tpu.vector_load_idx %arg6[%add3A_833] : memref<16384xf32, #tpu.memory_space<vmem>>[vector<16xi32>], vector<16xf32>,
    %add3A_835 = arith.addf %add3A_822, %gather3A_834 : vector<16xf32>
    %reduce_sum3A_836 = arith.constant true
    %reduce_sum3A_837 = vector.broadcast %reduce_sum3A_836 : i1 to vector<16xi1>
    %reduce_sum3A_838 = tpu.scan <sum>, %add3A_825 masked %reduce_sum3A_837 : vector<16xf32>, vector<16xi1> -> vector<16xf32>
    %reduce_sum3A_839 = vector.extract %reduce_sum3A_838[15] : f32 from vector<16xf32>
    %add3A_840 = arith.constant 6 : i32
    %add3A_841 = arith.addi %mul3A_2, %add3A_840 : i32
    %eq3A_842 = arith.constant 0 : i32
    %eq3A_843 = arith.cmpi eq, %add3A_841, %eq3A_842 : i32
    %jit3A_844 = arith.constant 0.000000e+00 : f32
    %select_n3A_845 = arith.select %eq3A_843, %jit3A_844, %reduce_sum3A_839 : f32
    %mul3A_846 = vector.broadcast %select_n3A_845 : f32 to vector<16xf32>
    %mul3A_847 = arith.mulf %add3A_835, %mul3A_846 : vector<16xf32>
    %add3A_848 = arith.addf %add3A_727, %mul3A_847 : vector<16xf32>
    %broadcast_in_dim3A_849 = arith.constant 0.000000e+00 : f32
    %broadcast_in_dim3A_850 = vector.broadcast %broadcast_in_dim3A_849 : f32 to vector<16xf32>
    %broadcast_in_dim3A_851 = arith.constant 0.000000e+00 : f32
    %broadcast_in_dim3A_852 = vector.broadcast %broadcast_in_dim3A_851 : f32 to vector<16xf32>
    %get3A_853 = arith.constant 896 : index
    %get3A_854 = tpu.vector_load %arg8[%get3A_853] {strides = array<i32>} : memref<2048xf32, #tpu.memory_space<vmem>>, vector<16xf32>,
    %add3A_855 = arith.addf %broadcast_in_dim3A_850, %get3A_854 : vector<16xf32>
    %get3A_856 = arith.constant 896 : index
    %get3A_857 = tpu.vector_load %arg7[%get3A_856] {strides = array<i32>} : memref<2176xi32, #tpu.memory_space<vmem>>, vector<16xi32>,
    %get3A_858 = arith.constant 1024 : index
    %get3A_859 = tpu.vector_load %arg7[%get3A_858] {strides = array<i32>} : memref<2176xi32, #tpu.memory_space<vmem>>, vector<16xi32>,
    %mul3A_860 = arith.constant 128 : i32
    %mul3A_861 = vector.broadcast %mul3A_860 : i32 to vector<16xi32>
    %mul3A_862 = arith.muli %get3A_857, %mul3A_861 : vector<16xi32>
    %add3A_863 = arith.addi %mul3A_862, %get3A_859 : vector<16xi32>
    %gather3A_864 = tpu.vector_load_idx %arg6[%add3A_863] : memref<16384xf32, #tpu.memory_space<vmem>>[vector<16xi32>], vector<16xf32>,
    %add3A_865 = arith.addf %broadcast_in_dim3A_852, %gather3A_864 : vector<16xf32>
    %get3A_866 = arith.constant 912 : index
    %get3A_867 = tpu.vector_load %arg8[%get3A_866] {strides = array<i32>} : memref<2048xf32, #tpu.memory_space<vmem>>, vector<16xf32>,
    %add3A_868 = arith.addf %add3A_855, %get3A_867 : vector<16xf32>
    %get3A_869 = arith.constant 912 : index
    %get3A_870 = tpu.vector_load %arg7[%get3A_869] {strides = array<i32>} : memref<2176xi32, #tpu.memory_space<vmem>>, vector<16xi32>,
    %get3A_871 = arith.constant 1040 : index
    %get3A_872 = tpu.vector_load %arg7[%get3A_871] {strides = array<i32>} : memref<2176xi32, #tpu.memory_space<vmem>>, vector<16xi32>,
    %mul3A_873 = arith.constant 128 : i32
    %mul3A_874 = vector.broadcast %mul3A_873 : i32 to vector<16xi32>
    %mul3A_875 = arith.muli %get3A_870, %mul3A_874 : vector<16xi32>
    %add3A_876 = arith.addi %mul3A_875, %get3A_872 : vector<16xi32>
    %gather3A_877 = tpu.vector_load_idx %arg6[%add3A_876] : memref<16384xf32, #tpu.memory_space<vmem>>[vector<16xi32>], vector<16xf32>,
    %add3A_878 = arith.addf %add3A_865, %gather3A_877 : vector<16xf32>
    %get3A_879 = arith.constant 928 : index
    %get3A_880 = tpu.vector_load %arg8[%get3A_879] {strides = array<i32>} : memref<2048xf32, #tpu.memory_space<vmem>>, vector<16xf32>,
    %add3A_881 = arith.addf %add3A_868, %get3A_880 : vector<16xf32>
    %get3A_882 = arith.constant 928 : index
    %get3A_883 = tpu.vector_load %arg7[%get3A_882] {strides = array<i32>} : memref<2176xi32, #tpu.memory_space<vmem>>, vector<16xi32>,
    %get3A_884 = arith.constant 1056 : index
    %get3A_885 = tpu.vector_load %arg7[%get3A_884] {strides = array<i32>} : memref<2176xi32, #tpu.memory_space<vmem>>, vector<16xi32>,
    %mul3A_886 = arith.constant 128 : i32
    %mul3A_887 = vector.broadcast %mul3A_886 : i32 to vector<16xi32>
    %mul3A_888 = arith.muli %get3A_883, %mul3A_887 : vector<16xi32>
    %add3A_889 = arith.addi %mul3A_888, %get3A_885 : vector<16xi32>
    %gather3A_890 = tpu.vector_load_idx %arg6[%add3A_889] : memref<16384xf32, #tpu.memory_space<vmem>>[vector<16xi32>], vector<16xf32>,
    %add3A_891 = arith.addf %add3A_878, %gather3A_890 : vector<16xf32>
    %get3A_892 = arith.constant 944 : index
    %get3A_893 = tpu.vector_load %arg8[%get3A_892] {strides = array<i32>} : memref<2048xf32, #tpu.memory_space<vmem>>, vector<16xf32>,
    %add3A_894 = arith.addf %add3A_881, %get3A_893 : vector<16xf32>
    %get3A_895 = arith.constant 944 : index
    %get3A_896 = tpu.vector_load %arg7[%get3A_895] {strides = array<i32>} : memref<2176xi32, #tpu.memory_space<vmem>>, vector<16xi32>,
    %get3A_897 = arith.constant 1072 : index
    %get3A_898 = tpu.vector_load %arg7[%get3A_897] {strides = array<i32>} : memref<2176xi32, #tpu.memory_space<vmem>>, vector<16xi32>,
    %mul3A_899 = arith.constant 128 : i32
    %mul3A_900 = vector.broadcast %mul3A_899 : i32 to vector<16xi32>
    %mul3A_901 = arith.muli %get3A_896, %mul3A_900 : vector<16xi32>
    %add3A_902 = arith.addi %mul3A_901, %get3A_898 : vector<16xi32>
    %gather3A_903 = tpu.vector_load_idx %arg6[%add3A_902] : memref<16384xf32, #tpu.memory_space<vmem>>[vector<16xi32>], vector<16xf32>,
    %add3A_904 = arith.addf %add3A_891, %gather3A_903 : vector<16xf32>
    %get3A_905 = arith.constant 960 : index
    %get3A_906 = tpu.vector_load %arg8[%get3A_905] {strides = array<i32>} : memref<2048xf32, #tpu.memory_space<vmem>>, vector<16xf32>,
    %add3A_907 = arith.addf %add3A_894, %get3A_906 : vector<16xf32>
    %get3A_908 = arith.constant 960 : index
    %get3A_909 = tpu.vector_load %arg7[%get3A_908] {strides = array<i32>} : memref<2176xi32, #tpu.memory_space<vmem>>, vector<16xi32>,
    %get3A_910 = arith.constant 1088 : index
    %get3A_911 = tpu.vector_load %arg7[%get3A_910] {strides = array<i32>} : memref<2176xi32, #tpu.memory_space<vmem>>, vector<16xi32>,
    %mul3A_912 = arith.constant 128 : i32
    %mul3A_913 = vector.broadcast %mul3A_912 : i32 to vector<16xi32>
    %mul3A_914 = arith.muli %get3A_909, %mul3A_913 : vector<16xi32>
    %add3A_915 = arith.addi %mul3A_914, %get3A_911 : vector<16xi32>
    %gather3A_916 = tpu.vector_load_idx %arg6[%add3A_915] : memref<16384xf32, #tpu.memory_space<vmem>>[vector<16xi32>], vector<16xf32>,
    %add3A_917 = arith.addf %add3A_904, %gather3A_916 : vector<16xf32>
    %get3A_918 = arith.constant 976 : index
    %get3A_919 = tpu.vector_load %arg8[%get3A_918] {strides = array<i32>} : memref<2048xf32, #tpu.memory_space<vmem>>, vector<16xf32>,
    %add3A_920 = arith.addf %add3A_907, %get3A_919 : vector<16xf32>
    %get3A_921 = arith.constant 976 : index
    %get3A_922 = tpu.vector_load %arg7[%get3A_921] {strides = array<i32>} : memref<2176xi32, #tpu.memory_space<vmem>>, vector<16xi32>,
    %get3A_923 = arith.constant 1104 : index
    %get3A_924 = tpu.vector_load %arg7[%get3A_923] {strides = array<i32>} : memref<2176xi32, #tpu.memory_space<vmem>>, vector<16xi32>,
    %mul3A_925 = arith.constant 128 : i32
    %mul3A_926 = vector.broadcast %mul3A_925 : i32 to vector<16xi32>
    %mul3A_927 = arith.muli %get3A_922, %mul3A_926 : vector<16xi32>
    %add3A_928 = arith.addi %mul3A_927, %get3A_924 : vector<16xi32>
    %gather3A_929 = tpu.vector_load_idx %arg6[%add3A_928] : memref<16384xf32, #tpu.memory_space<vmem>>[vector<16xi32>], vector<16xf32>,
    %add3A_930 = arith.addf %add3A_917, %gather3A_929 : vector<16xf32>
    %get3A_931 = arith.constant 992 : index
    %get3A_932 = tpu.vector_load %arg8[%get3A_931] {strides = array<i32>} : memref<2048xf32, #tpu.memory_space<vmem>>, vector<16xf32>,
    %add3A_933 = arith.addf %add3A_920, %get3A_932 : vector<16xf32>
    %get3A_934 = arith.constant 992 : index
    %get3A_935 = tpu.vector_load %arg7[%get3A_934] {strides = array<i32>} : memref<2176xi32, #tpu.memory_space<vmem>>, vector<16xi32>,
    %get3A_936 = arith.constant 1120 : index
    %get3A_937 = tpu.vector_load %arg7[%get3A_936] {strides = array<i32>} : memref<2176xi32, #tpu.memory_space<vmem>>, vector<16xi32>,
    %mul3A_938 = arith.constant 128 : i32
    %mul3A_939 = vector.broadcast %mul3A_938 : i32 to vector<16xi32>
    %mul3A_940 = arith.muli %get3A_935, %mul3A_939 : vector<16xi32>
    %add3A_941 = arith.addi %mul3A_940, %get3A_937 : vector<16xi32>
    %gather3A_942 = tpu.vector_load_idx %arg6[%add3A_941] : memref<16384xf32, #tpu.memory_space<vmem>>[vector<16xi32>], vector<16xf32>,
    %add3A_943 = arith.addf %add3A_930, %gather3A_942 : vector<16xf32>
    %get3A_944 = arith.constant 1008 : index
    %get3A_945 = tpu.vector_load %arg8[%get3A_944] {strides = array<i32>} : memref<2048xf32, #tpu.memory_space<vmem>>, vector<16xf32>,
    %add3A_946 = arith.addf %add3A_933, %get3A_945 : vector<16xf32>
    %get3A_947 = arith.constant 1008 : index
    %get3A_948 = tpu.vector_load %arg7[%get3A_947] {strides = array<i32>} : memref<2176xi32, #tpu.memory_space<vmem>>, vector<16xi32>,
    %get3A_949 = arith.constant 1136 : index
    %get3A_950 = tpu.vector_load %arg7[%get3A_949] {strides = array<i32>} : memref<2176xi32, #tpu.memory_space<vmem>>, vector<16xi32>,
    %mul3A_951 = arith.constant 128 : i32
    %mul3A_952 = vector.broadcast %mul3A_951 : i32 to vector<16xi32>
    %mul3A_953 = arith.muli %get3A_948, %mul3A_952 : vector<16xi32>
    %add3A_954 = arith.addi %mul3A_953, %get3A_950 : vector<16xi32>
    %gather3A_955 = tpu.vector_load_idx %arg6[%add3A_954] : memref<16384xf32, #tpu.memory_space<vmem>>[vector<16xi32>], vector<16xf32>,
    %add3A_956 = arith.addf %add3A_943, %gather3A_955 : vector<16xf32>
    %reduce_sum3A_957 = arith.constant true
    %reduce_sum3A_958 = vector.broadcast %reduce_sum3A_957 : i1 to vector<16xi1>
    %reduce_sum3A_959 = tpu.scan <sum>, %add3A_946 masked %reduce_sum3A_958 : vector<16xf32>, vector<16xi1> -> vector<16xf32>
    %reduce_sum3A_960 = vector.extract %reduce_sum3A_959[15] : f32 from vector<16xf32>
    %add3A_961 = arith.constant 7 : i32
    %add3A_962 = arith.addi %mul3A_2, %add3A_961 : i32
    %eq3A_963 = arith.constant 0 : i32
    %eq3A_964 = arith.cmpi eq, %add3A_962, %eq3A_963 : i32
    %jit3A_965 = arith.constant 0.000000e+00 : f32
    %select_n3A_966 = arith.select %eq3A_964, %jit3A_965, %reduce_sum3A_960 : f32
    %mul3A_967 = vector.broadcast %select_n3A_966 : f32 to vector<16xf32>
    %mul3A_968 = arith.mulf %add3A_956, %mul3A_967 : vector<16xf32>
    %add3A_969 = arith.addf %add3A_848, %mul3A_968 : vector<16xf32>
    %broadcast_in_dim3A_970 = arith.constant 0.000000e+00 : f32
    %broadcast_in_dim3A_971 = vector.broadcast %broadcast_in_dim3A_970 : f32 to vector<16xf32>
    %broadcast_in_dim3A_972 = arith.constant 0.000000e+00 : f32
    %broadcast_in_dim3A_973 = vector.broadcast %broadcast_in_dim3A_972 : f32 to vector<16xf32>
    %get3A_974 = arith.constant 1024 : index
    %get3A_975 = tpu.vector_load %arg8[%get3A_974] {strides = array<i32>} : memref<2048xf32, #tpu.memory_space<vmem>>, vector<16xf32>,
    %add3A_976 = arith.addf %broadcast_in_dim3A_971, %get3A_975 : vector<16xf32>
    %get3A_977 = arith.constant 1024 : index
    %get3A_978 = tpu.vector_load %arg7[%get3A_977] {strides = array<i32>} : memref<2176xi32, #tpu.memory_space<vmem>>, vector<16xi32>,
    %get3A_979 = arith.constant 1152 : index
    %get3A_980 = tpu.vector_load %arg7[%get3A_979] {strides = array<i32>} : memref<2176xi32, #tpu.memory_space<vmem>>, vector<16xi32>,
    %mul3A_981 = arith.constant 128 : i32
    %mul3A_982 = vector.broadcast %mul3A_981 : i32 to vector<16xi32>
    %mul3A_983 = arith.muli %get3A_978, %mul3A_982 : vector<16xi32>
    %add3A_984 = arith.addi %mul3A_983, %get3A_980 : vector<16xi32>
    %gather3A_985 = tpu.vector_load_idx %arg6[%add3A_984] : memref<16384xf32, #tpu.memory_space<vmem>>[vector<16xi32>], vector<16xf32>,
    %add3A_986 = arith.addf %broadcast_in_dim3A_973, %gather3A_985 : vector<16xf32>
    %get3A_987 = arith.constant 1040 : index
    %get3A_988 = tpu.vector_load %arg8[%get3A_987] {strides = array<i32>} : memref<2048xf32, #tpu.memory_space<vmem>>, vector<16xf32>,
    %add3A_989 = arith.addf %add3A_976, %get3A_988 : vector<16xf32>
    %get3A_990 = arith.constant 1040 : index
    %get3A_991 = tpu.vector_load %arg7[%get3A_990] {strides = array<i32>} : memref<2176xi32, #tpu.memory_space<vmem>>, vector<16xi32>,
    %get3A_992 = arith.constant 1168 : index
    %get3A_993 = tpu.vector_load %arg7[%get3A_992] {strides = array<i32>} : memref<2176xi32, #tpu.memory_space<vmem>>, vector<16xi32>,
    %mul3A_994 = arith.constant 128 : i32
    %mul3A_995 = vector.broadcast %mul3A_994 : i32 to vector<16xi32>
    %mul3A_996 = arith.muli %get3A_991, %mul3A_995 : vector<16xi32>
    %add3A_997 = arith.addi %mul3A_996, %get3A_993 : vector<16xi32>
    %gather3A_998 = tpu.vector_load_idx %arg6[%add3A_997] : memref<16384xf32, #tpu.memory_space<vmem>>[vector<16xi32>], vector<16xf32>,
    %add3A_999 = arith.addf %add3A_986, %gather3A_998 : vector<16xf32>
    %get3A_1000 = arith.constant 1056 : index
    %get3A_1001 = tpu.vector_load %arg8[%get3A_1000] {strides = array<i32>} : memref<2048xf32, #tpu.memory_space<vmem>>, vector<16xf32>,
    %add3A_1002 = arith.addf %add3A_989, %get3A_1001 : vector<16xf32>
    %get3A_1003 = arith.constant 1056 : index
    %get3A_1004 = tpu.vector_load %arg7[%get3A_1003] {strides = array<i32>} : memref<2176xi32, #tpu.memory_space<vmem>>, vector<16xi32>,
    %get3A_1005 = arith.constant 1184 : index
    %get3A_1006 = tpu.vector_load %arg7[%get3A_1005] {strides = array<i32>} : memref<2176xi32, #tpu.memory_space<vmem>>, vector<16xi32>,
    %mul3A_1007 = arith.constant 128 : i32
    %mul3A_1008 = vector.broadcast %mul3A_1007 : i32 to vector<16xi32>
    %mul3A_1009 = arith.muli %get3A_1004, %mul3A_1008 : vector<16xi32>
    %add3A_1010 = arith.addi %mul3A_1009, %get3A_1006 : vector<16xi32>
    %gather3A_1011 = tpu.vector_load_idx %arg6[%add3A_1010] : memref<16384xf32, #tpu.memory_space<vmem>>[vector<16xi32>], vector<16xf32>,
    %add3A_1012 = arith.addf %add3A_999, %gather3A_1011 : vector<16xf32>
    %get3A_1013 = arith.constant 1072 : index
    %get3A_1014 = tpu.vector_load %arg8[%get3A_1013] {strides = array<i32>} : memref<2048xf32, #tpu.memory_space<vmem>>, vector<16xf32>,
    %add3A_1015 = arith.addf %add3A_1002, %get3A_1014 : vector<16xf32>
    %get3A_1016 = arith.constant 1072 : index
    %get3A_1017 = tpu.vector_load %arg7[%get3A_1016] {strides = array<i32>} : memref<2176xi32, #tpu.memory_space<vmem>>, vector<16xi32>,
    %get3A_1018 = arith.constant 1200 : index
    %get3A_1019 = tpu.vector_load %arg7[%get3A_1018] {strides = array<i32>} : memref<2176xi32, #tpu.memory_space<vmem>>, vector<16xi32>,
    %mul3A_1020 = arith.constant 128 : i32
    %mul3A_1021 = vector.broadcast %mul3A_1020 : i32 to vector<16xi32>
    %mul3A_1022 = arith.muli %get3A_1017, %mul3A_1021 : vector<16xi32>
    %add3A_1023 = arith.addi %mul3A_1022, %get3A_1019 : vector<16xi32>
    %gather3A_1024 = tpu.vector_load_idx %arg6[%add3A_1023] : memref<16384xf32, #tpu.memory_space<vmem>>[vector<16xi32>], vector<16xf32>,
    %add3A_1025 = arith.addf %add3A_1012, %gather3A_1024 : vector<16xf32>
    %get3A_1026 = arith.constant 1088 : index
    %get3A_1027 = tpu.vector_load %arg8[%get3A_1026] {strides = array<i32>} : memref<2048xf32, #tpu.memory_space<vmem>>, vector<16xf32>,
    %add3A_1028 = arith.addf %add3A_1015, %get3A_1027 : vector<16xf32>
    %get3A_1029 = arith.constant 1088 : index
    %get3A_1030 = tpu.vector_load %arg7[%get3A_1029] {strides = array<i32>} : memref<2176xi32, #tpu.memory_space<vmem>>, vector<16xi32>,
    %get3A_1031 = arith.constant 1216 : index
    %get3A_1032 = tpu.vector_load %arg7[%get3A_1031] {strides = array<i32>} : memref<2176xi32, #tpu.memory_space<vmem>>, vector<16xi32>,
    %mul3A_1033 = arith.constant 128 : i32
    %mul3A_1034 = vector.broadcast %mul3A_1033 : i32 to vector<16xi32>
    %mul3A_1035 = arith.muli %get3A_1030, %mul3A_1034 : vector<16xi32>
    %add3A_1036 = arith.addi %mul3A_1035, %get3A_1032 : vector<16xi32>
    %gather3A_1037 = tpu.vector_load_idx %arg6[%add3A_1036] : memref<16384xf32, #tpu.memory_space<vmem>>[vector<16xi32>], vector<16xf32>,
    %add3A_1038 = arith.addf %add3A_1025, %gather3A_1037 : vector<16xf32>
    %get3A_1039 = arith.constant 1104 : index
    %get3A_1040 = tpu.vector_load %arg8[%get3A_1039] {strides = array<i32>} : memref<2048xf32, #tpu.memory_space<vmem>>, vector<16xf32>,
    %add3A_1041 = arith.addf %add3A_1028, %get3A_1040 : vector<16xf32>
    %get3A_1042 = arith.constant 1104 : index
    %get3A_1043 = tpu.vector_load %arg7[%get3A_1042] {strides = array<i32>} : memref<2176xi32, #tpu.memory_space<vmem>>, vector<16xi32>,
    %get3A_1044 = arith.constant 1232 : index
    %get3A_1045 = tpu.vector_load %arg7[%get3A_1044] {strides = array<i32>} : memref<2176xi32, #tpu.memory_space<vmem>>, vector<16xi32>,
    %mul3A_1046 = arith.constant 128 : i32
    %mul3A_1047 = vector.broadcast %mul3A_1046 : i32 to vector<16xi32>
    %mul3A_1048 = arith.muli %get3A_1043, %mul3A_1047 : vector<16xi32>
    %add3A_1049 = arith.addi %mul3A_1048, %get3A_1045 : vector<16xi32>
    %gather3A_1050 = tpu.vector_load_idx %arg6[%add3A_1049] : memref<16384xf32, #tpu.memory_space<vmem>>[vector<16xi32>], vector<16xf32>,
    %add3A_1051 = arith.addf %add3A_1038, %gather3A_1050 : vector<16xf32>
    %get3A_1052 = arith.constant 1120 : index
    %get3A_1053 = tpu.vector_load %arg8[%get3A_1052] {strides = array<i32>} : memref<2048xf32, #tpu.memory_space<vmem>>, vector<16xf32>,
    %add3A_1054 = arith.addf %add3A_1041, %get3A_1053 : vector<16xf32>
    %get3A_1055 = arith.constant 1120 : index
    %get3A_1056 = tpu.vector_load %arg7[%get3A_1055] {strides = array<i32>} : memref<2176xi32, #tpu.memory_space<vmem>>, vector<16xi32>,
    %get3A_1057 = arith.constant 1248 : index
    %get3A_1058 = tpu.vector_load %arg7[%get3A_1057] {strides = array<i32>} : memref<2176xi32, #tpu.memory_space<vmem>>, vector<16xi32>,
    %mul3A_1059 = arith.constant 128 : i32
    %mul3A_1060 = vector.broadcast %mul3A_1059 : i32 to vector<16xi32>
    %mul3A_1061 = arith.muli %get3A_1056, %mul3A_1060 : vector<16xi32>
    %add3A_1062 = arith.addi %mul3A_1061, %get3A_1058 : vector<16xi32>
    %gather3A_1063 = tpu.vector_load_idx %arg6[%add3A_1062] : memref<16384xf32, #tpu.memory_space<vmem>>[vector<16xi32>], vector<16xf32>,
    %add3A_1064 = arith.addf %add3A_1051, %gather3A_1063 : vector<16xf32>
    %get3A_1065 = arith.constant 1136 : index
    %get3A_1066 = tpu.vector_load %arg8[%get3A_1065] {strides = array<i32>} : memref<2048xf32, #tpu.memory_space<vmem>>, vector<16xf32>,
    %add3A_1067 = arith.addf %add3A_1054, %get3A_1066 : vector<16xf32>
    %get3A_1068 = arith.constant 1136 : index
    %get3A_1069 = tpu.vector_load %arg7[%get3A_1068] {strides = array<i32>} : memref<2176xi32, #tpu.memory_space<vmem>>, vector<16xi32>,
    %get3A_1070 = arith.constant 1264 : index
    %get3A_1071 = tpu.vector_load %arg7[%get3A_1070] {strides = array<i32>} : memref<2176xi32, #tpu.memory_space<vmem>>, vector<16xi32>,
    %mul3A_1072 = arith.constant 128 : i32
    %mul3A_1073 = vector.broadcast %mul3A_1072 : i32 to vector<16xi32>
    %mul3A_1074 = arith.muli %get3A_1069, %mul3A_1073 : vector<16xi32>
    %add3A_1075 = arith.addi %mul3A_1074, %get3A_1071 : vector<16xi32>
    %gather3A_1076 = tpu.vector_load_idx %arg6[%add3A_1075] : memref<16384xf32, #tpu.memory_space<vmem>>[vector<16xi32>], vector<16xf32>,
    %add3A_1077 = arith.addf %add3A_1064, %gather3A_1076 : vector<16xf32>
    %reduce_sum3A_1078 = arith.constant true
    %reduce_sum3A_1079 = vector.broadcast %reduce_sum3A_1078 : i1 to vector<16xi1>
    %reduce_sum3A_1080 = tpu.scan <sum>, %add3A_1067 masked %reduce_sum3A_1079 : vector<16xf32>, vector<16xi1> -> vector<16xf32>
    %reduce_sum3A_1081 = vector.extract %reduce_sum3A_1080[15] : f32 from vector<16xf32>
    %add3A_1082 = arith.constant 8 : i32
    %add3A_1083 = arith.addi %mul3A_2, %add3A_1082 : i32
    %eq3A_1084 = arith.constant 0 : i32
    %eq3A_1085 = arith.cmpi eq, %add3A_1083, %eq3A_1084 : i32
    %jit3A_1086 = arith.constant 0.000000e+00 : f32
    %select_n3A_1087 = arith.select %eq3A_1085, %jit3A_1086, %reduce_sum3A_1081 : f32
    %mul3A_1088 = vector.broadcast %select_n3A_1087 : f32 to vector<16xf32>
    %mul3A_1089 = arith.mulf %add3A_1077, %mul3A_1088 : vector<16xf32>
    %add3A_1090 = arith.addf %add3A_969, %mul3A_1089 : vector<16xf32>
    %broadcast_in_dim3A_1091 = arith.constant 0.000000e+00 : f32
    %broadcast_in_dim3A_1092 = vector.broadcast %broadcast_in_dim3A_1091 : f32 to vector<16xf32>
    %broadcast_in_dim3A_1093 = arith.constant 0.000000e+00 : f32
    %broadcast_in_dim3A_1094 = vector.broadcast %broadcast_in_dim3A_1093 : f32 to vector<16xf32>
    %get3A_1095 = arith.constant 1152 : index
    %get3A_1096 = tpu.vector_load %arg8[%get3A_1095] {strides = array<i32>} : memref<2048xf32, #tpu.memory_space<vmem>>, vector<16xf32>,
    %add3A_1097 = arith.addf %broadcast_in_dim3A_1092, %get3A_1096 : vector<16xf32>
    %get3A_1098 = arith.constant 1152 : index
    %get3A_1099 = tpu.vector_load %arg7[%get3A_1098] {strides = array<i32>} : memref<2176xi32, #tpu.memory_space<vmem>>, vector<16xi32>,
    %get3A_1100 = arith.constant 1280 : index
    %get3A_1101 = tpu.vector_load %arg7[%get3A_1100] {strides = array<i32>} : memref<2176xi32, #tpu.memory_space<vmem>>, vector<16xi32>,
    %mul3A_1102 = arith.constant 128 : i32
    %mul3A_1103 = vector.broadcast %mul3A_1102 : i32 to vector<16xi32>
    %mul3A_1104 = arith.muli %get3A_1099, %mul3A_1103 : vector<16xi32>
    %add3A_1105 = arith.addi %mul3A_1104, %get3A_1101 : vector<16xi32>
    %gather3A_1106 = tpu.vector_load_idx %arg6[%add3A_1105] : memref<16384xf32, #tpu.memory_space<vmem>>[vector<16xi32>], vector<16xf32>,
    %add3A_1107 = arith.addf %broadcast_in_dim3A_1094, %gather3A_1106 : vector<16xf32>
    %get3A_1108 = arith.constant 1168 : index
    %get3A_1109 = tpu.vector_load %arg8[%get3A_1108] {strides = array<i32>} : memref<2048xf32, #tpu.memory_space<vmem>>, vector<16xf32>,
    %add3A_1110 = arith.addf %add3A_1097, %get3A_1109 : vector<16xf32>
    %get3A_1111 = arith.constant 1168 : index
    %get3A_1112 = tpu.vector_load %arg7[%get3A_1111] {strides = array<i32>} : memref<2176xi32, #tpu.memory_space<vmem>>, vector<16xi32>,
    %get3A_1113 = arith.constant 1296 : index
    %get3A_1114 = tpu.vector_load %arg7[%get3A_1113] {strides = array<i32>} : memref<2176xi32, #tpu.memory_space<vmem>>, vector<16xi32>,
    %mul3A_1115 = arith.constant 128 : i32
    %mul3A_1116 = vector.broadcast %mul3A_1115 : i32 to vector<16xi32>
    %mul3A_1117 = arith.muli %get3A_1112, %mul3A_1116 : vector<16xi32>
    %add3A_1118 = arith.addi %mul3A_1117, %get3A_1114 : vector<16xi32>
    %gather3A_1119 = tpu.vector_load_idx %arg6[%add3A_1118] : memref<16384xf32, #tpu.memory_space<vmem>>[vector<16xi32>], vector<16xf32>,
    %add3A_1120 = arith.addf %add3A_1107, %gather3A_1119 : vector<16xf32>
    %get3A_1121 = arith.constant 1184 : index
    %get3A_1122 = tpu.vector_load %arg8[%get3A_1121] {strides = array<i32>} : memref<2048xf32, #tpu.memory_space<vmem>>, vector<16xf32>,
    %add3A_1123 = arith.addf %add3A_1110, %get3A_1122 : vector<16xf32>
    %get3A_1124 = arith.constant 1184 : index
    %get3A_1125 = tpu.vector_load %arg7[%get3A_1124] {strides = array<i32>} : memref<2176xi32, #tpu.memory_space<vmem>>, vector<16xi32>,
    %get3A_1126 = arith.constant 1312 : index
    %get3A_1127 = tpu.vector_load %arg7[%get3A_1126] {strides = array<i32>} : memref<2176xi32, #tpu.memory_space<vmem>>, vector<16xi32>,
    %mul3A_1128 = arith.constant 128 : i32
    %mul3A_1129 = vector.broadcast %mul3A_1128 : i32 to vector<16xi32>
    %mul3A_1130 = arith.muli %get3A_1125, %mul3A_1129 : vector<16xi32>
    %add3A_1131 = arith.addi %mul3A_1130, %get3A_1127 : vector<16xi32>
    %gather3A_1132 = tpu.vector_load_idx %arg6[%add3A_1131] : memref<16384xf32, #tpu.memory_space<vmem>>[vector<16xi32>], vector<16xf32>,
    %add3A_1133 = arith.addf %add3A_1120, %gather3A_1132 : vector<16xf32>
    %get3A_1134 = arith.constant 1200 : index
    %get3A_1135 = tpu.vector_load %arg8[%get3A_1134] {strides = array<i32>} : memref<2048xf32, #tpu.memory_space<vmem>>, vector<16xf32>,
    %add3A_1136 = arith.addf %add3A_1123, %get3A_1135 : vector<16xf32>
    %get3A_1137 = arith.constant 1200 : index
    %get3A_1138 = tpu.vector_load %arg7[%get3A_1137] {strides = array<i32>} : memref<2176xi32, #tpu.memory_space<vmem>>, vector<16xi32>,
    %get3A_1139 = arith.constant 1328 : index
    %get3A_1140 = tpu.vector_load %arg7[%get3A_1139] {strides = array<i32>} : memref<2176xi32, #tpu.memory_space<vmem>>, vector<16xi32>,
    %mul3A_1141 = arith.constant 128 : i32
    %mul3A_1142 = vector.broadcast %mul3A_1141 : i32 to vector<16xi32>
    %mul3A_1143 = arith.muli %get3A_1138, %mul3A_1142 : vector<16xi32>
    %add3A_1144 = arith.addi %mul3A_1143, %get3A_1140 : vector<16xi32>
    %gather3A_1145 = tpu.vector_load_idx %arg6[%add3A_1144] : memref<16384xf32, #tpu.memory_space<vmem>>[vector<16xi32>], vector<16xf32>,
    %add3A_1146 = arith.addf %add3A_1133, %gather3A_1145 : vector<16xf32>
    %get3A_1147 = arith.constant 1216 : index
    %get3A_1148 = tpu.vector_load %arg8[%get3A_1147] {strides = array<i32>} : memref<2048xf32, #tpu.memory_space<vmem>>, vector<16xf32>,
    %add3A_1149 = arith.addf %add3A_1136, %get3A_1148 : vector<16xf32>
    %get3A_1150 = arith.constant 1216 : index
    %get3A_1151 = tpu.vector_load %arg7[%get3A_1150] {strides = array<i32>} : memref<2176xi32, #tpu.memory_space<vmem>>, vector<16xi32>,
    %get3A_1152 = arith.constant 1344 : index
    %get3A_1153 = tpu.vector_load %arg7[%get3A_1152] {strides = array<i32>} : memref<2176xi32, #tpu.memory_space<vmem>>, vector<16xi32>,
    %mul3A_1154 = arith.constant 128 : i32
    %mul3A_1155 = vector.broadcast %mul3A_1154 : i32 to vector<16xi32>
    %mul3A_1156 = arith.muli %get3A_1151, %mul3A_1155 : vector<16xi32>
    %add3A_1157 = arith.addi %mul3A_1156, %get3A_1153 : vector<16xi32>
    %gather3A_1158 = tpu.vector_load_idx %arg6[%add3A_1157] : memref<16384xf32, #tpu.memory_space<vmem>>[vector<16xi32>], vector<16xf32>,
    %add3A_1159 = arith.addf %add3A_1146, %gather3A_1158 : vector<16xf32>
    %get3A_1160 = arith.constant 1232 : index
    %get3A_1161 = tpu.vector_load %arg8[%get3A_1160] {strides = array<i32>} : memref<2048xf32, #tpu.memory_space<vmem>>, vector<16xf32>,
    %add3A_1162 = arith.addf %add3A_1149, %get3A_1161 : vector<16xf32>
    %get3A_1163 = arith.constant 1232 : index
    %get3A_1164 = tpu.vector_load %arg7[%get3A_1163] {strides = array<i32>} : memref<2176xi32, #tpu.memory_space<vmem>>, vector<16xi32>,
    %get3A_1165 = arith.constant 1360 : index
    %get3A_1166 = tpu.vector_load %arg7[%get3A_1165] {strides = array<i32>} : memref<2176xi32, #tpu.memory_space<vmem>>, vector<16xi32>,
    %mul3A_1167 = arith.constant 128 : i32
    %mul3A_1168 = vector.broadcast %mul3A_1167 : i32 to vector<16xi32>
    %mul3A_1169 = arith.muli %get3A_1164, %mul3A_1168 : vector<16xi32>
    %add3A_1170 = arith.addi %mul3A_1169, %get3A_1166 : vector<16xi32>
    %gather3A_1171 = tpu.vector_load_idx %arg6[%add3A_1170] : memref<16384xf32, #tpu.memory_space<vmem>>[vector<16xi32>], vector<16xf32>,
    %add3A_1172 = arith.addf %add3A_1159, %gather3A_1171 : vector<16xf32>
    %get3A_1173 = arith.constant 1248 : index
    %get3A_1174 = tpu.vector_load %arg8[%get3A_1173] {strides = array<i32>} : memref<2048xf32, #tpu.memory_space<vmem>>, vector<16xf32>,
    %add3A_1175 = arith.addf %add3A_1162, %get3A_1174 : vector<16xf32>
    %get3A_1176 = arith.constant 1248 : index
    %get3A_1177 = tpu.vector_load %arg7[%get3A_1176] {strides = array<i32>} : memref<2176xi32, #tpu.memory_space<vmem>>, vector<16xi32>,
    %get3A_1178 = arith.constant 1376 : index
    %get3A_1179 = tpu.vector_load %arg7[%get3A_1178] {strides = array<i32>} : memref<2176xi32, #tpu.memory_space<vmem>>, vector<16xi32>,
    %mul3A_1180 = arith.constant 128 : i32
    %mul3A_1181 = vector.broadcast %mul3A_1180 : i32 to vector<16xi32>
    %mul3A_1182 = arith.muli %get3A_1177, %mul3A_1181 : vector<16xi32>
    %add3A_1183 = arith.addi %mul3A_1182, %get3A_1179 : vector<16xi32>
    %gather3A_1184 = tpu.vector_load_idx %arg6[%add3A_1183] : memref<16384xf32, #tpu.memory_space<vmem>>[vector<16xi32>], vector<16xf32>,
    %add3A_1185 = arith.addf %add3A_1172, %gather3A_1184 : vector<16xf32>
    %get3A_1186 = arith.constant 1264 : index
    %get3A_1187 = tpu.vector_load %arg8[%get3A_1186] {strides = array<i32>} : memref<2048xf32, #tpu.memory_space<vmem>>, vector<16xf32>,
    %add3A_1188 = arith.addf %add3A_1175, %get3A_1187 : vector<16xf32>
    %get3A_1189 = arith.constant 1264 : index
    %get3A_1190 = tpu.vector_load %arg7[%get3A_1189] {strides = array<i32>} : memref<2176xi32, #tpu.memory_space<vmem>>, vector<16xi32>,
    %get3A_1191 = arith.constant 1392 : index
    %get3A_1192 = tpu.vector_load %arg7[%get3A_1191] {strides = array<i32>} : memref<2176xi32, #tpu.memory_space<vmem>>, vector<16xi32>,
    %mul3A_1193 = arith.constant 128 : i32
    %mul3A_1194 = vector.broadcast %mul3A_1193 : i32 to vector<16xi32>
    %mul3A_1195 = arith.muli %get3A_1190, %mul3A_1194 : vector<16xi32>
    %add3A_1196 = arith.addi %mul3A_1195, %get3A_1192 : vector<16xi32>
    %gather3A_1197 = tpu.vector_load_idx %arg6[%add3A_1196] : memref<16384xf32, #tpu.memory_space<vmem>>[vector<16xi32>], vector<16xf32>,
    %add3A_1198 = arith.addf %add3A_1185, %gather3A_1197 : vector<16xf32>
    %reduce_sum3A_1199 = arith.constant true
    %reduce_sum3A_1200 = vector.broadcast %reduce_sum3A_1199 : i1 to vector<16xi1>
    %reduce_sum3A_1201 = tpu.scan <sum>, %add3A_1188 masked %reduce_sum3A_1200 : vector<16xf32>, vector<16xi1> -> vector<16xf32>
    %reduce_sum3A_1202 = vector.extract %reduce_sum3A_1201[15] : f32 from vector<16xf32>
    %add3A_1203 = arith.constant 9 : i32
    %add3A_1204 = arith.addi %mul3A_2, %add3A_1203 : i32
    %eq3A_1205 = arith.constant 0 : i32
    %eq3A_1206 = arith.cmpi eq, %add3A_1204, %eq3A_1205 : i32
    %jit3A_1207 = arith.constant 0.000000e+00 : f32
    %select_n3A_1208 = arith.select %eq3A_1206, %jit3A_1207, %reduce_sum3A_1202 : f32
    %mul3A_1209 = vector.broadcast %select_n3A_1208 : f32 to vector<16xf32>
    %mul3A_1210 = arith.mulf %add3A_1198, %mul3A_1209 : vector<16xf32>
    %add3A_1211 = arith.addf %add3A_1090, %mul3A_1210 : vector<16xf32>
    %broadcast_in_dim3A_1212 = arith.constant 0.000000e+00 : f32
    %broadcast_in_dim3A_1213 = vector.broadcast %broadcast_in_dim3A_1212 : f32 to vector<16xf32>
    %broadcast_in_dim3A_1214 = arith.constant 0.000000e+00 : f32
    %broadcast_in_dim3A_1215 = vector.broadcast %broadcast_in_dim3A_1214 : f32 to vector<16xf32>
    %get3A_1216 = arith.constant 1280 : index
    %get3A_1217 = tpu.vector_load %arg8[%get3A_1216] {strides = array<i32>} : memref<2048xf32, #tpu.memory_space<vmem>>, vector<16xf32>,
    %add3A_1218 = arith.addf %broadcast_in_dim3A_1213, %get3A_1217 : vector<16xf32>
    %get3A_1219 = arith.constant 1280 : index
    %get3A_1220 = tpu.vector_load %arg7[%get3A_1219] {strides = array<i32>} : memref<2176xi32, #tpu.memory_space<vmem>>, vector<16xi32>,
    %get3A_1221 = arith.constant 1408 : index
    %get3A_1222 = tpu.vector_load %arg7[%get3A_1221] {strides = array<i32>} : memref<2176xi32, #tpu.memory_space<vmem>>, vector<16xi32>,
    %mul3A_1223 = arith.constant 128 : i32
    %mul3A_1224 = vector.broadcast %mul3A_1223 : i32 to vector<16xi32>
    %mul3A_1225 = arith.muli %get3A_1220, %mul3A_1224 : vector<16xi32>
    %add3A_1226 = arith.addi %mul3A_1225, %get3A_1222 : vector<16xi32>
    %gather3A_1227 = tpu.vector_load_idx %arg6[%add3A_1226] : memref<16384xf32, #tpu.memory_space<vmem>>[vector<16xi32>], vector<16xf32>,
    %add3A_1228 = arith.addf %broadcast_in_dim3A_1215, %gather3A_1227 : vector<16xf32>
    %get3A_1229 = arith.constant 1296 : index
    %get3A_1230 = tpu.vector_load %arg8[%get3A_1229] {strides = array<i32>} : memref<2048xf32, #tpu.memory_space<vmem>>, vector<16xf32>,
    %add3A_1231 = arith.addf %add3A_1218, %get3A_1230 : vector<16xf32>
    %get3A_1232 = arith.constant 1296 : index
    %get3A_1233 = tpu.vector_load %arg7[%get3A_1232] {strides = array<i32>} : memref<2176xi32, #tpu.memory_space<vmem>>, vector<16xi32>,
    %get3A_1234 = arith.constant 1424 : index
    %get3A_1235 = tpu.vector_load %arg7[%get3A_1234] {strides = array<i32>} : memref<2176xi32, #tpu.memory_space<vmem>>, vector<16xi32>,
    %mul3A_1236 = arith.constant 128 : i32
    %mul3A_1237 = vector.broadcast %mul3A_1236 : i32 to vector<16xi32>
    %mul3A_1238 = arith.muli %get3A_1233, %mul3A_1237 : vector<16xi32>
    %add3A_1239 = arith.addi %mul3A_1238, %get3A_1235 : vector<16xi32>
    %gather3A_1240 = tpu.vector_load_idx %arg6[%add3A_1239] : memref<16384xf32, #tpu.memory_space<vmem>>[vector<16xi32>], vector<16xf32>,
    %add3A_1241 = arith.addf %add3A_1228, %gather3A_1240 : vector<16xf32>
    %get3A_1242 = arith.constant 1312 : index
    %get3A_1243 = tpu.vector_load %arg8[%get3A_1242] {strides = array<i32>} : memref<2048xf32, #tpu.memory_space<vmem>>, vector<16xf32>,
    %add3A_1244 = arith.addf %add3A_1231, %get3A_1243 : vector<16xf32>
    %get3A_1245 = arith.constant 1312 : index
    %get3A_1246 = tpu.vector_load %arg7[%get3A_1245] {strides = array<i32>} : memref<2176xi32, #tpu.memory_space<vmem>>, vector<16xi32>,
    %get3A_1247 = arith.constant 1440 : index
    %get3A_1248 = tpu.vector_load %arg7[%get3A_1247] {strides = array<i32>} : memref<2176xi32, #tpu.memory_space<vmem>>, vector<16xi32>,
    %mul3A_1249 = arith.constant 128 : i32
    %mul3A_1250 = vector.broadcast %mul3A_1249 : i32 to vector<16xi32>
    %mul3A_1251 = arith.muli %get3A_1246, %mul3A_1250 : vector<16xi32>
    %add3A_1252 = arith.addi %mul3A_1251, %get3A_1248 : vector<16xi32>
    %gather3A_1253 = tpu.vector_load_idx %arg6[%add3A_1252] : memref<16384xf32, #tpu.memory_space<vmem>>[vector<16xi32>], vector<16xf32>,
    %add3A_1254 = arith.addf %add3A_1241, %gather3A_1253 : vector<16xf32>
    %get3A_1255 = arith.constant 1328 : index
    %get3A_1256 = tpu.vector_load %arg8[%get3A_1255] {strides = array<i32>} : memref<2048xf32, #tpu.memory_space<vmem>>, vector<16xf32>,
    %add3A_1257 = arith.addf %add3A_1244, %get3A_1256 : vector<16xf32>
    %get3A_1258 = arith.constant 1328 : index
    %get3A_1259 = tpu.vector_load %arg7[%get3A_1258] {strides = array<i32>} : memref<2176xi32, #tpu.memory_space<vmem>>, vector<16xi32>,
    %get3A_1260 = arith.constant 1456 : index
    %get3A_1261 = tpu.vector_load %arg7[%get3A_1260] {strides = array<i32>} : memref<2176xi32, #tpu.memory_space<vmem>>, vector<16xi32>,
    %mul3A_1262 = arith.constant 128 : i32
    %mul3A_1263 = vector.broadcast %mul3A_1262 : i32 to vector<16xi32>
    %mul3A_1264 = arith.muli %get3A_1259, %mul3A_1263 : vector<16xi32>
    %add3A_1265 = arith.addi %mul3A_1264, %get3A_1261 : vector<16xi32>
    %gather3A_1266 = tpu.vector_load_idx %arg6[%add3A_1265] : memref<16384xf32, #tpu.memory_space<vmem>>[vector<16xi32>], vector<16xf32>,
    %add3A_1267 = arith.addf %add3A_1254, %gather3A_1266 : vector<16xf32>
    %get3A_1268 = arith.constant 1344 : index
    %get3A_1269 = tpu.vector_load %arg8[%get3A_1268] {strides = array<i32>} : memref<2048xf32, #tpu.memory_space<vmem>>, vector<16xf32>,
    %add3A_1270 = arith.addf %add3A_1257, %get3A_1269 : vector<16xf32>
    %get3A_1271 = arith.constant 1344 : index
    %get3A_1272 = tpu.vector_load %arg7[%get3A_1271] {strides = array<i32>} : memref<2176xi32, #tpu.memory_space<vmem>>, vector<16xi32>,
    %get3A_1273 = arith.constant 1472 : index
    %get3A_1274 = tpu.vector_load %arg7[%get3A_1273] {strides = array<i32>} : memref<2176xi32, #tpu.memory_space<vmem>>, vector<16xi32>,
    %mul3A_1275 = arith.constant 128 : i32
    %mul3A_1276 = vector.broadcast %mul3A_1275 : i32 to vector<16xi32>
    %mul3A_1277 = arith.muli %get3A_1272, %mul3A_1276 : vector<16xi32>
    %add3A_1278 = arith.addi %mul3A_1277, %get3A_1274 : vector<16xi32>
    %gather3A_1279 = tpu.vector_load_idx %arg6[%add3A_1278] : memref<16384xf32, #tpu.memory_space<vmem>>[vector<16xi32>], vector<16xf32>,
    %add3A_1280 = arith.addf %add3A_1267, %gather3A_1279 : vector<16xf32>
    %get3A_1281 = arith.constant 1360 : index
    %get3A_1282 = tpu.vector_load %arg8[%get3A_1281] {strides = array<i32>} : memref<2048xf32, #tpu.memory_space<vmem>>, vector<16xf32>,
    %add3A_1283 = arith.addf %add3A_1270, %get3A_1282 : vector<16xf32>
    %get3A_1284 = arith.constant 1360 : index
    %get3A_1285 = tpu.vector_load %arg7[%get3A_1284] {strides = array<i32>} : memref<2176xi32, #tpu.memory_space<vmem>>, vector<16xi32>,
    %get3A_1286 = arith.constant 1488 : index
    %get3A_1287 = tpu.vector_load %arg7[%get3A_1286] {strides = array<i32>} : memref<2176xi32, #tpu.memory_space<vmem>>, vector<16xi32>,
    %mul3A_1288 = arith.constant 128 : i32
    %mul3A_1289 = vector.broadcast %mul3A_1288 : i32 to vector<16xi32>
    %mul3A_1290 = arith.muli %get3A_1285, %mul3A_1289 : vector<16xi32>
    %add3A_1291 = arith.addi %mul3A_1290, %get3A_1287 : vector<16xi32>
    %gather3A_1292 = tpu.vector_load_idx %arg6[%add3A_1291] : memref<16384xf32, #tpu.memory_space<vmem>>[vector<16xi32>], vector<16xf32>,
    %add3A_1293 = arith.addf %add3A_1280, %gather3A_1292 : vector<16xf32>
    %get3A_1294 = arith.constant 1376 : index
    %get3A_1295 = tpu.vector_load %arg8[%get3A_1294] {strides = array<i32>} : memref<2048xf32, #tpu.memory_space<vmem>>, vector<16xf32>,
    %add3A_1296 = arith.addf %add3A_1283, %get3A_1295 : vector<16xf32>
    %get3A_1297 = arith.constant 1376 : index
    %get3A_1298 = tpu.vector_load %arg7[%get3A_1297] {strides = array<i32>} : memref<2176xi32, #tpu.memory_space<vmem>>, vector<16xi32>,
    %get3A_1299 = arith.constant 1504 : index
    %get3A_1300 = tpu.vector_load %arg7[%get3A_1299] {strides = array<i32>} : memref<2176xi32, #tpu.memory_space<vmem>>, vector<16xi32>,
    %mul3A_1301 = arith.constant 128 : i32
    %mul3A_1302 = vector.broadcast %mul3A_1301 : i32 to vector<16xi32>
    %mul3A_1303 = arith.muli %get3A_1298, %mul3A_1302 : vector<16xi32>
    %add3A_1304 = arith.addi %mul3A_1303, %get3A_1300 : vector<16xi32>
    %gather3A_1305 = tpu.vector_load_idx %arg6[%add3A_1304] : memref<16384xf32, #tpu.memory_space<vmem>>[vector<16xi32>], vector<16xf32>,
    %add3A_1306 = arith.addf %add3A_1293, %gather3A_1305 : vector<16xf32>
    %get3A_1307 = arith.constant 1392 : index
    %get3A_1308 = tpu.vector_load %arg8[%get3A_1307] {strides = array<i32>} : memref<2048xf32, #tpu.memory_space<vmem>>, vector<16xf32>,
    %add3A_1309 = arith.addf %add3A_1296, %get3A_1308 : vector<16xf32>
    %get3A_1310 = arith.constant 1392 : index
    %get3A_1311 = tpu.vector_load %arg7[%get3A_1310] {strides = array<i32>} : memref<2176xi32, #tpu.memory_space<vmem>>, vector<16xi32>,
    %get3A_1312 = arith.constant 1520 : index
    %get3A_1313 = tpu.vector_load %arg7[%get3A_1312] {strides = array<i32>} : memref<2176xi32, #tpu.memory_space<vmem>>, vector<16xi32>,
    %mul3A_1314 = arith.constant 128 : i32
    %mul3A_1315 = vector.broadcast %mul3A_1314 : i32 to vector<16xi32>
    %mul3A_1316 = arith.muli %get3A_1311, %mul3A_1315 : vector<16xi32>
    %add3A_1317 = arith.addi %mul3A_1316, %get3A_1313 : vector<16xi32>
    %gather3A_1318 = tpu.vector_load_idx %arg6[%add3A_1317] : memref<16384xf32, #tpu.memory_space<vmem>>[vector<16xi32>], vector<16xf32>,
    %add3A_1319 = arith.addf %add3A_1306, %gather3A_1318 : vector<16xf32>
    %reduce_sum3A_1320 = arith.constant true
    %reduce_sum3A_1321 = vector.broadcast %reduce_sum3A_1320 : i1 to vector<16xi1>
    %reduce_sum3A_1322 = tpu.scan <sum>, %add3A_1309 masked %reduce_sum3A_1321 : vector<16xf32>, vector<16xi1> -> vector<16xf32>
    %reduce_sum3A_1323 = vector.extract %reduce_sum3A_1322[15] : f32 from vector<16xf32>
    %add3A_1324 = arith.constant 10 : i32
    %add3A_1325 = arith.addi %mul3A_2, %add3A_1324 : i32
    %eq3A_1326 = arith.constant 0 : i32
    %eq3A_1327 = arith.cmpi eq, %add3A_1325, %eq3A_1326 : i32
    %jit3A_1328 = arith.constant 0.000000e+00 : f32
    %select_n3A_1329 = arith.select %eq3A_1327, %jit3A_1328, %reduce_sum3A_1323 : f32
    %mul3A_1330 = vector.broadcast %select_n3A_1329 : f32 to vector<16xf32>
    %mul3A_1331 = arith.mulf %add3A_1319, %mul3A_1330 : vector<16xf32>
    %add3A_1332 = arith.addf %add3A_1211, %mul3A_1331 : vector<16xf32>
    %broadcast_in_dim3A_1333 = arith.constant 0.000000e+00 : f32
    %broadcast_in_dim3A_1334 = vector.broadcast %broadcast_in_dim3A_1333 : f32 to vector<16xf32>
    %broadcast_in_dim3A_1335 = arith.constant 0.000000e+00 : f32
    %broadcast_in_dim3A_1336 = vector.broadcast %broadcast_in_dim3A_1335 : f32 to vector<16xf32>
    %get3A_1337 = arith.constant 1408 : index
    %get3A_1338 = tpu.vector_load %arg8[%get3A_1337] {strides = array<i32>} : memref<2048xf32, #tpu.memory_space<vmem>>, vector<16xf32>,
    %add3A_1339 = arith.addf %broadcast_in_dim3A_1334, %get3A_1338 : vector<16xf32>
    %get3A_1340 = arith.constant 1408 : index
    %get3A_1341 = tpu.vector_load %arg7[%get3A_1340] {strides = array<i32>} : memref<2176xi32, #tpu.memory_space<vmem>>, vector<16xi32>,
    %get3A_1342 = arith.constant 1536 : index
    %get3A_1343 = tpu.vector_load %arg7[%get3A_1342] {strides = array<i32>} : memref<2176xi32, #tpu.memory_space<vmem>>, vector<16xi32>,
    %mul3A_1344 = arith.constant 128 : i32
    %mul3A_1345 = vector.broadcast %mul3A_1344 : i32 to vector<16xi32>
    %mul3A_1346 = arith.muli %get3A_1341, %mul3A_1345 : vector<16xi32>
    %add3A_1347 = arith.addi %mul3A_1346, %get3A_1343 : vector<16xi32>
    %gather3A_1348 = tpu.vector_load_idx %arg6[%add3A_1347] : memref<16384xf32, #tpu.memory_space<vmem>>[vector<16xi32>], vector<16xf32>,
    %add3A_1349 = arith.addf %broadcast_in_dim3A_1336, %gather3A_1348 : vector<16xf32>
    %get3A_1350 = arith.constant 1424 : index
    %get3A_1351 = tpu.vector_load %arg8[%get3A_1350] {strides = array<i32>} : memref<2048xf32, #tpu.memory_space<vmem>>, vector<16xf32>,
    %add3A_1352 = arith.addf %add3A_1339, %get3A_1351 : vector<16xf32>
    %get3A_1353 = arith.constant 1424 : index
    %get3A_1354 = tpu.vector_load %arg7[%get3A_1353] {strides = array<i32>} : memref<2176xi32, #tpu.memory_space<vmem>>, vector<16xi32>,
    %get3A_1355 = arith.constant 1552 : index
    %get3A_1356 = tpu.vector_load %arg7[%get3A_1355] {strides = array<i32>} : memref<2176xi32, #tpu.memory_space<vmem>>, vector<16xi32>,
    %mul3A_1357 = arith.constant 128 : i32
    %mul3A_1358 = vector.broadcast %mul3A_1357 : i32 to vector<16xi32>
    %mul3A_1359 = arith.muli %get3A_1354, %mul3A_1358 : vector<16xi32>
    %add3A_1360 = arith.addi %mul3A_1359, %get3A_1356 : vector<16xi32>
    %gather3A_1361 = tpu.vector_load_idx %arg6[%add3A_1360] : memref<16384xf32, #tpu.memory_space<vmem>>[vector<16xi32>], vector<16xf32>,
    %add3A_1362 = arith.addf %add3A_1349, %gather3A_1361 : vector<16xf32>
    %get3A_1363 = arith.constant 1440 : index
    %get3A_1364 = tpu.vector_load %arg8[%get3A_1363] {strides = array<i32>} : memref<2048xf32, #tpu.memory_space<vmem>>, vector<16xf32>,
    %add3A_1365 = arith.addf %add3A_1352, %get3A_1364 : vector<16xf32>
    %get3A_1366 = arith.constant 1440 : index
    %get3A_1367 = tpu.vector_load %arg7[%get3A_1366] {strides = array<i32>} : memref<2176xi32, #tpu.memory_space<vmem>>, vector<16xi32>,
    %get3A_1368 = arith.constant 1568 : index
    %get3A_1369 = tpu.vector_load %arg7[%get3A_1368] {strides = array<i32>} : memref<2176xi32, #tpu.memory_space<vmem>>, vector<16xi32>,
    %mul3A_1370 = arith.constant 128 : i32
    %mul3A_1371 = vector.broadcast %mul3A_1370 : i32 to vector<16xi32>
    %mul3A_1372 = arith.muli %get3A_1367, %mul3A_1371 : vector<16xi32>
    %add3A_1373 = arith.addi %mul3A_1372, %get3A_1369 : vector<16xi32>
    %gather3A_1374 = tpu.vector_load_idx %arg6[%add3A_1373] : memref<16384xf32, #tpu.memory_space<vmem>>[vector<16xi32>], vector<16xf32>,
    %add3A_1375 = arith.addf %add3A_1362, %gather3A_1374 : vector<16xf32>
    %get3A_1376 = arith.constant 1456 : index
    %get3A_1377 = tpu.vector_load %arg8[%get3A_1376] {strides = array<i32>} : memref<2048xf32, #tpu.memory_space<vmem>>, vector<16xf32>,
    %add3A_1378 = arith.addf %add3A_1365, %get3A_1377 : vector<16xf32>
    %get3A_1379 = arith.constant 1456 : index
    %get3A_1380 = tpu.vector_load %arg7[%get3A_1379] {strides = array<i32>} : memref<2176xi32, #tpu.memory_space<vmem>>, vector<16xi32>,
    %get3A_1381 = arith.constant 1584 : index
    %get3A_1382 = tpu.vector_load %arg7[%get3A_1381] {strides = array<i32>} : memref<2176xi32, #tpu.memory_space<vmem>>, vector<16xi32>,
    %mul3A_1383 = arith.constant 128 : i32
    %mul3A_1384 = vector.broadcast %mul3A_1383 : i32 to vector<16xi32>
    %mul3A_1385 = arith.muli %get3A_1380, %mul3A_1384 : vector<16xi32>
    %add3A_1386 = arith.addi %mul3A_1385, %get3A_1382 : vector<16xi32>
    %gather3A_1387 = tpu.vector_load_idx %arg6[%add3A_1386] : memref<16384xf32, #tpu.memory_space<vmem>>[vector<16xi32>], vector<16xf32>,
    %add3A_1388 = arith.addf %add3A_1375, %gather3A_1387 : vector<16xf32>
    %get3A_1389 = arith.constant 1472 : index
    %get3A_1390 = tpu.vector_load %arg8[%get3A_1389] {strides = array<i32>} : memref<2048xf32, #tpu.memory_space<vmem>>, vector<16xf32>,
    %add3A_1391 = arith.addf %add3A_1378, %get3A_1390 : vector<16xf32>
    %get3A_1392 = arith.constant 1472 : index
    %get3A_1393 = tpu.vector_load %arg7[%get3A_1392] {strides = array<i32>} : memref<2176xi32, #tpu.memory_space<vmem>>, vector<16xi32>,
    %get3A_1394 = arith.constant 1600 : index
    %get3A_1395 = tpu.vector_load %arg7[%get3A_1394] {strides = array<i32>} : memref<2176xi32, #tpu.memory_space<vmem>>, vector<16xi32>,
    %mul3A_1396 = arith.constant 128 : i32
    %mul3A_1397 = vector.broadcast %mul3A_1396 : i32 to vector<16xi32>
    %mul3A_1398 = arith.muli %get3A_1393, %mul3A_1397 : vector<16xi32>
    %add3A_1399 = arith.addi %mul3A_1398, %get3A_1395 : vector<16xi32>
    %gather3A_1400 = tpu.vector_load_idx %arg6[%add3A_1399] : memref<16384xf32, #tpu.memory_space<vmem>>[vector<16xi32>], vector<16xf32>,
    %add3A_1401 = arith.addf %add3A_1388, %gather3A_1400 : vector<16xf32>
    %get3A_1402 = arith.constant 1488 : index
    %get3A_1403 = tpu.vector_load %arg8[%get3A_1402] {strides = array<i32>} : memref<2048xf32, #tpu.memory_space<vmem>>, vector<16xf32>,
    %add3A_1404 = arith.addf %add3A_1391, %get3A_1403 : vector<16xf32>
    %get3A_1405 = arith.constant 1488 : index
    %get3A_1406 = tpu.vector_load %arg7[%get3A_1405] {strides = array<i32>} : memref<2176xi32, #tpu.memory_space<vmem>>, vector<16xi32>,
    %get3A_1407 = arith.constant 1616 : index
    %get3A_1408 = tpu.vector_load %arg7[%get3A_1407] {strides = array<i32>} : memref<2176xi32, #tpu.memory_space<vmem>>, vector<16xi32>,
    %mul3A_1409 = arith.constant 128 : i32
    %mul3A_1410 = vector.broadcast %mul3A_1409 : i32 to vector<16xi32>
    %mul3A_1411 = arith.muli %get3A_1406, %mul3A_1410 : vector<16xi32>
    %add3A_1412 = arith.addi %mul3A_1411, %get3A_1408 : vector<16xi32>
    %gather3A_1413 = tpu.vector_load_idx %arg6[%add3A_1412] : memref<16384xf32, #tpu.memory_space<vmem>>[vector<16xi32>], vector<16xf32>,
    %add3A_1414 = arith.addf %add3A_1401, %gather3A_1413 : vector<16xf32>
    %get3A_1415 = arith.constant 1504 : index
    %get3A_1416 = tpu.vector_load %arg8[%get3A_1415] {strides = array<i32>} : memref<2048xf32, #tpu.memory_space<vmem>>, vector<16xf32>,
    %add3A_1417 = arith.addf %add3A_1404, %get3A_1416 : vector<16xf32>
    %get3A_1418 = arith.constant 1504 : index
    %get3A_1419 = tpu.vector_load %arg7[%get3A_1418] {strides = array<i32>} : memref<2176xi32, #tpu.memory_space<vmem>>, vector<16xi32>,
    %get3A_1420 = arith.constant 1632 : index
    %get3A_1421 = tpu.vector_load %arg7[%get3A_1420] {strides = array<i32>} : memref<2176xi32, #tpu.memory_space<vmem>>, vector<16xi32>,
    %mul3A_1422 = arith.constant 128 : i32
    %mul3A_1423 = vector.broadcast %mul3A_1422 : i32 to vector<16xi32>
    %mul3A_1424 = arith.muli %get3A_1419, %mul3A_1423 : vector<16xi32>
    %add3A_1425 = arith.addi %mul3A_1424, %get3A_1421 : vector<16xi32>
    %gather3A_1426 = tpu.vector_load_idx %arg6[%add3A_1425] : memref<16384xf32, #tpu.memory_space<vmem>>[vector<16xi32>], vector<16xf32>,
    %add3A_1427 = arith.addf %add3A_1414, %gather3A_1426 : vector<16xf32>
    %get3A_1428 = arith.constant 1520 : index
    %get3A_1429 = tpu.vector_load %arg8[%get3A_1428] {strides = array<i32>} : memref<2048xf32, #tpu.memory_space<vmem>>, vector<16xf32>,
    %add3A_1430 = arith.addf %add3A_1417, %get3A_1429 : vector<16xf32>
    %get3A_1431 = arith.constant 1520 : index
    %get3A_1432 = tpu.vector_load %arg7[%get3A_1431] {strides = array<i32>} : memref<2176xi32, #tpu.memory_space<vmem>>, vector<16xi32>,
    %get3A_1433 = arith.constant 1648 : index
    %get3A_1434 = tpu.vector_load %arg7[%get3A_1433] {strides = array<i32>} : memref<2176xi32, #tpu.memory_space<vmem>>, vector<16xi32>,
    %mul3A_1435 = arith.constant 128 : i32
    %mul3A_1436 = vector.broadcast %mul3A_1435 : i32 to vector<16xi32>
    %mul3A_1437 = arith.muli %get3A_1432, %mul3A_1436 : vector<16xi32>
    %add3A_1438 = arith.addi %mul3A_1437, %get3A_1434 : vector<16xi32>
    %gather3A_1439 = tpu.vector_load_idx %arg6[%add3A_1438] : memref<16384xf32, #tpu.memory_space<vmem>>[vector<16xi32>], vector<16xf32>,
    %add3A_1440 = arith.addf %add3A_1427, %gather3A_1439 : vector<16xf32>
    %reduce_sum3A_1441 = arith.constant true
    %reduce_sum3A_1442 = vector.broadcast %reduce_sum3A_1441 : i1 to vector<16xi1>
    %reduce_sum3A_1443 = tpu.scan <sum>, %add3A_1430 masked %reduce_sum3A_1442 : vector<16xf32>, vector<16xi1> -> vector<16xf32>
    %reduce_sum3A_1444 = vector.extract %reduce_sum3A_1443[15] : f32 from vector<16xf32>
    %add3A_1445 = arith.constant 11 : i32
    %add3A_1446 = arith.addi %mul3A_2, %add3A_1445 : i32
    %eq3A_1447 = arith.constant 0 : i32
    %eq3A_1448 = arith.cmpi eq, %add3A_1446, %eq3A_1447 : i32
    %jit3A_1449 = arith.constant 0.000000e+00 : f32
    %select_n3A_1450 = arith.select %eq3A_1448, %jit3A_1449, %reduce_sum3A_1444 : f32
    %mul3A_1451 = vector.broadcast %select_n3A_1450 : f32 to vector<16xf32>
    %mul3A_1452 = arith.mulf %add3A_1440, %mul3A_1451 : vector<16xf32>
    %add3A_1453 = arith.addf %add3A_1332, %mul3A_1452 : vector<16xf32>
    %broadcast_in_dim3A_1454 = arith.constant 0.000000e+00 : f32
    %broadcast_in_dim3A_1455 = vector.broadcast %broadcast_in_dim3A_1454 : f32 to vector<16xf32>
    %broadcast_in_dim3A_1456 = arith.constant 0.000000e+00 : f32
    %broadcast_in_dim3A_1457 = vector.broadcast %broadcast_in_dim3A_1456 : f32 to vector<16xf32>
    %get3A_1458 = arith.constant 1536 : index
    %get3A_1459 = tpu.vector_load %arg8[%get3A_1458] {strides = array<i32>} : memref<2048xf32, #tpu.memory_space<vmem>>, vector<16xf32>,
    %add3A_1460 = arith.addf %broadcast_in_dim3A_1455, %get3A_1459 : vector<16xf32>
    %get3A_1461 = arith.constant 1536 : index
    %get3A_1462 = tpu.vector_load %arg7[%get3A_1461] {strides = array<i32>} : memref<2176xi32, #tpu.memory_space<vmem>>, vector<16xi32>,
    %get3A_1463 = arith.constant 1664 : index
    %get3A_1464 = tpu.vector_load %arg7[%get3A_1463] {strides = array<i32>} : memref<2176xi32, #tpu.memory_space<vmem>>, vector<16xi32>,
    %mul3A_1465 = arith.constant 128 : i32
    %mul3A_1466 = vector.broadcast %mul3A_1465 : i32 to vector<16xi32>
    %mul3A_1467 = arith.muli %get3A_1462, %mul3A_1466 : vector<16xi32>
    %add3A_1468 = arith.addi %mul3A_1467, %get3A_1464 : vector<16xi32>
    %gather3A_1469 = tpu.vector_load_idx %arg6[%add3A_1468] : memref<16384xf32, #tpu.memory_space<vmem>>[vector<16xi32>], vector<16xf32>,
    %add3A_1470 = arith.addf %broadcast_in_dim3A_1457, %gather3A_1469 : vector<16xf32>
    %get3A_1471 = arith.constant 1552 : index
    %get3A_1472 = tpu.vector_load %arg8[%get3A_1471] {strides = array<i32>} : memref<2048xf32, #tpu.memory_space<vmem>>, vector<16xf32>,
    %add3A_1473 = arith.addf %add3A_1460, %get3A_1472 : vector<16xf32>
    %get3A_1474 = arith.constant 1552 : index
    %get3A_1475 = tpu.vector_load %arg7[%get3A_1474] {strides = array<i32>} : memref<2176xi32, #tpu.memory_space<vmem>>, vector<16xi32>,
    %get3A_1476 = arith.constant 1680 : index
    %get3A_1477 = tpu.vector_load %arg7[%get3A_1476] {strides = array<i32>} : memref<2176xi32, #tpu.memory_space<vmem>>, vector<16xi32>,
    %mul3A_1478 = arith.constant 128 : i32
    %mul3A_1479 = vector.broadcast %mul3A_1478 : i32 to vector<16xi32>
    %mul3A_1480 = arith.muli %get3A_1475, %mul3A_1479 : vector<16xi32>
    %add3A_1481 = arith.addi %mul3A_1480, %get3A_1477 : vector<16xi32>
    %gather3A_1482 = tpu.vector_load_idx %arg6[%add3A_1481] : memref<16384xf32, #tpu.memory_space<vmem>>[vector<16xi32>], vector<16xf32>,
    %add3A_1483 = arith.addf %add3A_1470, %gather3A_1482 : vector<16xf32>
    %get3A_1484 = arith.constant 1568 : index
    %get3A_1485 = tpu.vector_load %arg8[%get3A_1484] {strides = array<i32>} : memref<2048xf32, #tpu.memory_space<vmem>>, vector<16xf32>,
    %add3A_1486 = arith.addf %add3A_1473, %get3A_1485 : vector<16xf32>
    %get3A_1487 = arith.constant 1568 : index
    %get3A_1488 = tpu.vector_load %arg7[%get3A_1487] {strides = array<i32>} : memref<2176xi32, #tpu.memory_space<vmem>>, vector<16xi32>,
    %get3A_1489 = arith.constant 1696 : index
    %get3A_1490 = tpu.vector_load %arg7[%get3A_1489] {strides = array<i32>} : memref<2176xi32, #tpu.memory_space<vmem>>, vector<16xi32>,
    %mul3A_1491 = arith.constant 128 : i32
    %mul3A_1492 = vector.broadcast %mul3A_1491 : i32 to vector<16xi32>
    %mul3A_1493 = arith.muli %get3A_1488, %mul3A_1492 : vector<16xi32>
    %add3A_1494 = arith.addi %mul3A_1493, %get3A_1490 : vector<16xi32>
    %gather3A_1495 = tpu.vector_load_idx %arg6[%add3A_1494] : memref<16384xf32, #tpu.memory_space<vmem>>[vector<16xi32>], vector<16xf32>,
    %add3A_1496 = arith.addf %add3A_1483, %gather3A_1495 : vector<16xf32>
    %get3A_1497 = arith.constant 1584 : index
    %get3A_1498 = tpu.vector_load %arg8[%get3A_1497] {strides = array<i32>} : memref<2048xf32, #tpu.memory_space<vmem>>, vector<16xf32>,
    %add3A_1499 = arith.addf %add3A_1486, %get3A_1498 : vector<16xf32>
    %get3A_1500 = arith.constant 1584 : index
    %get3A_1501 = tpu.vector_load %arg7[%get3A_1500] {strides = array<i32>} : memref<2176xi32, #tpu.memory_space<vmem>>, vector<16xi32>,
    %get3A_1502 = arith.constant 1712 : index
    %get3A_1503 = tpu.vector_load %arg7[%get3A_1502] {strides = array<i32>} : memref<2176xi32, #tpu.memory_space<vmem>>, vector<16xi32>,
    %mul3A_1504 = arith.constant 128 : i32
    %mul3A_1505 = vector.broadcast %mul3A_1504 : i32 to vector<16xi32>
    %mul3A_1506 = arith.muli %get3A_1501, %mul3A_1505 : vector<16xi32>
    %add3A_1507 = arith.addi %mul3A_1506, %get3A_1503 : vector<16xi32>
    %gather3A_1508 = tpu.vector_load_idx %arg6[%add3A_1507] : memref<16384xf32, #tpu.memory_space<vmem>>[vector<16xi32>], vector<16xf32>,
    %add3A_1509 = arith.addf %add3A_1496, %gather3A_1508 : vector<16xf32>
    %get3A_1510 = arith.constant 1600 : index
    %get3A_1511 = tpu.vector_load %arg8[%get3A_1510] {strides = array<i32>} : memref<2048xf32, #tpu.memory_space<vmem>>, vector<16xf32>,
    %add3A_1512 = arith.addf %add3A_1499, %get3A_1511 : vector<16xf32>
    %get3A_1513 = arith.constant 1600 : index
    %get3A_1514 = tpu.vector_load %arg7[%get3A_1513] {strides = array<i32>} : memref<2176xi32, #tpu.memory_space<vmem>>, vector<16xi32>,
    %get3A_1515 = arith.constant 1728 : index
    %get3A_1516 = tpu.vector_load %arg7[%get3A_1515] {strides = array<i32>} : memref<2176xi32, #tpu.memory_space<vmem>>, vector<16xi32>,
    %mul3A_1517 = arith.constant 128 : i32
    %mul3A_1518 = vector.broadcast %mul3A_1517 : i32 to vector<16xi32>
    %mul3A_1519 = arith.muli %get3A_1514, %mul3A_1518 : vector<16xi32>
    %add3A_1520 = arith.addi %mul3A_1519, %get3A_1516 : vector<16xi32>
    %gather3A_1521 = tpu.vector_load_idx %arg6[%add3A_1520] : memref<16384xf32, #tpu.memory_space<vmem>>[vector<16xi32>], vector<16xf32>,
    %add3A_1522 = arith.addf %add3A_1509, %gather3A_1521 : vector<16xf32>
    %get3A_1523 = arith.constant 1616 : index
    %get3A_1524 = tpu.vector_load %arg8[%get3A_1523] {strides = array<i32>} : memref<2048xf32, #tpu.memory_space<vmem>>, vector<16xf32>,
    %add3A_1525 = arith.addf %add3A_1512, %get3A_1524 : vector<16xf32>
    %get3A_1526 = arith.constant 1616 : index
    %get3A_1527 = tpu.vector_load %arg7[%get3A_1526] {strides = array<i32>} : memref<2176xi32, #tpu.memory_space<vmem>>, vector<16xi32>,
    %get3A_1528 = arith.constant 1744 : index
    %get3A_1529 = tpu.vector_load %arg7[%get3A_1528] {strides = array<i32>} : memref<2176xi32, #tpu.memory_space<vmem>>, vector<16xi32>,
    %mul3A_1530 = arith.constant 128 : i32
    %mul3A_1531 = vector.broadcast %mul3A_1530 : i32 to vector<16xi32>
    %mul3A_1532 = arith.muli %get3A_1527, %mul3A_1531 : vector<16xi32>
    %add3A_1533 = arith.addi %mul3A_1532, %get3A_1529 : vector<16xi32>
    %gather3A_1534 = tpu.vector_load_idx %arg6[%add3A_1533] : memref<16384xf32, #tpu.memory_space<vmem>>[vector<16xi32>], vector<16xf32>,
    %add3A_1535 = arith.addf %add3A_1522, %gather3A_1534 : vector<16xf32>
    %get3A_1536 = arith.constant 1632 : index
    %get3A_1537 = tpu.vector_load %arg8[%get3A_1536] {strides = array<i32>} : memref<2048xf32, #tpu.memory_space<vmem>>, vector<16xf32>,
    %add3A_1538 = arith.addf %add3A_1525, %get3A_1537 : vector<16xf32>
    %get3A_1539 = arith.constant 1632 : index
    %get3A_1540 = tpu.vector_load %arg7[%get3A_1539] {strides = array<i32>} : memref<2176xi32, #tpu.memory_space<vmem>>, vector<16xi32>,
    %get3A_1541 = arith.constant 1760 : index
    %get3A_1542 = tpu.vector_load %arg7[%get3A_1541] {strides = array<i32>} : memref<2176xi32, #tpu.memory_space<vmem>>, vector<16xi32>,
    %mul3A_1543 = arith.constant 128 : i32
    %mul3A_1544 = vector.broadcast %mul3A_1543 : i32 to vector<16xi32>
    %mul3A_1545 = arith.muli %get3A_1540, %mul3A_1544 : vector<16xi32>
    %add3A_1546 = arith.addi %mul3A_1545, %get3A_1542 : vector<16xi32>
    %gather3A_1547 = tpu.vector_load_idx %arg6[%add3A_1546] : memref<16384xf32, #tpu.memory_space<vmem>>[vector<16xi32>], vector<16xf32>,
    %add3A_1548 = arith.addf %add3A_1535, %gather3A_1547 : vector<16xf32>
    %get3A_1549 = arith.constant 1648 : index
    %get3A_1550 = tpu.vector_load %arg8[%get3A_1549] {strides = array<i32>} : memref<2048xf32, #tpu.memory_space<vmem>>, vector<16xf32>,
    %add3A_1551 = arith.addf %add3A_1538, %get3A_1550 : vector<16xf32>
    %get3A_1552 = arith.constant 1648 : index
    %get3A_1553 = tpu.vector_load %arg7[%get3A_1552] {strides = array<i32>} : memref<2176xi32, #tpu.memory_space<vmem>>, vector<16xi32>,
    %get3A_1554 = arith.constant 1776 : index
    %get3A_1555 = tpu.vector_load %arg7[%get3A_1554] {strides = array<i32>} : memref<2176xi32, #tpu.memory_space<vmem>>, vector<16xi32>,
    %mul3A_1556 = arith.constant 128 : i32
    %mul3A_1557 = vector.broadcast %mul3A_1556 : i32 to vector<16xi32>
    %mul3A_1558 = arith.muli %get3A_1553, %mul3A_1557 : vector<16xi32>
    %add3A_1559 = arith.addi %mul3A_1558, %get3A_1555 : vector<16xi32>
    %gather3A_1560 = tpu.vector_load_idx %arg6[%add3A_1559] : memref<16384xf32, #tpu.memory_space<vmem>>[vector<16xi32>], vector<16xf32>,
    %add3A_1561 = arith.addf %add3A_1548, %gather3A_1560 : vector<16xf32>
    %reduce_sum3A_1562 = arith.constant true
    %reduce_sum3A_1563 = vector.broadcast %reduce_sum3A_1562 : i1 to vector<16xi1>
    %reduce_sum3A_1564 = tpu.scan <sum>, %add3A_1551 masked %reduce_sum3A_1563 : vector<16xf32>, vector<16xi1> -> vector<16xf32>
    %reduce_sum3A_1565 = vector.extract %reduce_sum3A_1564[15] : f32 from vector<16xf32>
    %add3A_1566 = arith.constant 12 : i32
    %add3A_1567 = arith.addi %mul3A_2, %add3A_1566 : i32
    %eq3A_1568 = arith.constant 0 : i32
    %eq3A_1569 = arith.cmpi eq, %add3A_1567, %eq3A_1568 : i32
    %jit3A_1570 = arith.constant 0.000000e+00 : f32
    %select_n3A_1571 = arith.select %eq3A_1569, %jit3A_1570, %reduce_sum3A_1565 : f32
    %mul3A_1572 = vector.broadcast %select_n3A_1571 : f32 to vector<16xf32>
    %mul3A_1573 = arith.mulf %add3A_1561, %mul3A_1572 : vector<16xf32>
    %add3A_1574 = arith.addf %add3A_1453, %mul3A_1573 : vector<16xf32>
    %broadcast_in_dim3A_1575 = arith.constant 0.000000e+00 : f32
    %broadcast_in_dim3A_1576 = vector.broadcast %broadcast_in_dim3A_1575 : f32 to vector<16xf32>
    %broadcast_in_dim3A_1577 = arith.constant 0.000000e+00 : f32
    %broadcast_in_dim3A_1578 = vector.broadcast %broadcast_in_dim3A_1577 : f32 to vector<16xf32>
    %get3A_1579 = arith.constant 1664 : index
    %get3A_1580 = tpu.vector_load %arg8[%get3A_1579] {strides = array<i32>} : memref<2048xf32, #tpu.memory_space<vmem>>, vector<16xf32>,
    %add3A_1581 = arith.addf %broadcast_in_dim3A_1576, %get3A_1580 : vector<16xf32>
    %get3A_1582 = arith.constant 1664 : index
    %get3A_1583 = tpu.vector_load %arg7[%get3A_1582] {strides = array<i32>} : memref<2176xi32, #tpu.memory_space<vmem>>, vector<16xi32>,
    %get3A_1584 = arith.constant 1792 : index
    %get3A_1585 = tpu.vector_load %arg7[%get3A_1584] {strides = array<i32>} : memref<2176xi32, #tpu.memory_space<vmem>>, vector<16xi32>,
    %mul3A_1586 = arith.constant 128 : i32
    %mul3A_1587 = vector.broadcast %mul3A_1586 : i32 to vector<16xi32>
    %mul3A_1588 = arith.muli %get3A_1583, %mul3A_1587 : vector<16xi32>
    %add3A_1589 = arith.addi %mul3A_1588, %get3A_1585 : vector<16xi32>
    %gather3A_1590 = tpu.vector_load_idx %arg6[%add3A_1589] : memref<16384xf32, #tpu.memory_space<vmem>>[vector<16xi32>], vector<16xf32>,
    %add3A_1591 = arith.addf %broadcast_in_dim3A_1578, %gather3A_1590 : vector<16xf32>
    %get3A_1592 = arith.constant 1680 : index
    %get3A_1593 = tpu.vector_load %arg8[%get3A_1592] {strides = array<i32>} : memref<2048xf32, #tpu.memory_space<vmem>>, vector<16xf32>,
    %add3A_1594 = arith.addf %add3A_1581, %get3A_1593 : vector<16xf32>
    %get3A_1595 = arith.constant 1680 : index
    %get3A_1596 = tpu.vector_load %arg7[%get3A_1595] {strides = array<i32>} : memref<2176xi32, #tpu.memory_space<vmem>>, vector<16xi32>,
    %get3A_1597 = arith.constant 1808 : index
    %get3A_1598 = tpu.vector_load %arg7[%get3A_1597] {strides = array<i32>} : memref<2176xi32, #tpu.memory_space<vmem>>, vector<16xi32>,
    %mul3A_1599 = arith.constant 128 : i32
    %mul3A_1600 = vector.broadcast %mul3A_1599 : i32 to vector<16xi32>
    %mul3A_1601 = arith.muli %get3A_1596, %mul3A_1600 : vector<16xi32>
    %add3A_1602 = arith.addi %mul3A_1601, %get3A_1598 : vector<16xi32>
    %gather3A_1603 = tpu.vector_load_idx %arg6[%add3A_1602] : memref<16384xf32, #tpu.memory_space<vmem>>[vector<16xi32>], vector<16xf32>,
    %add3A_1604 = arith.addf %add3A_1591, %gather3A_1603 : vector<16xf32>
    %get3A_1605 = arith.constant 1696 : index
    %get3A_1606 = tpu.vector_load %arg8[%get3A_1605] {strides = array<i32>} : memref<2048xf32, #tpu.memory_space<vmem>>, vector<16xf32>,
    %add3A_1607 = arith.addf %add3A_1594, %get3A_1606 : vector<16xf32>
    %get3A_1608 = arith.constant 1696 : index
    %get3A_1609 = tpu.vector_load %arg7[%get3A_1608] {strides = array<i32>} : memref<2176xi32, #tpu.memory_space<vmem>>, vector<16xi32>,
    %get3A_1610 = arith.constant 1824 : index
    %get3A_1611 = tpu.vector_load %arg7[%get3A_1610] {strides = array<i32>} : memref<2176xi32, #tpu.memory_space<vmem>>, vector<16xi32>,
    %mul3A_1612 = arith.constant 128 : i32
    %mul3A_1613 = vector.broadcast %mul3A_1612 : i32 to vector<16xi32>
    %mul3A_1614 = arith.muli %get3A_1609, %mul3A_1613 : vector<16xi32>
    %add3A_1615 = arith.addi %mul3A_1614, %get3A_1611 : vector<16xi32>
    %gather3A_1616 = tpu.vector_load_idx %arg6[%add3A_1615] : memref<16384xf32, #tpu.memory_space<vmem>>[vector<16xi32>], vector<16xf32>,
    %add3A_1617 = arith.addf %add3A_1604, %gather3A_1616 : vector<16xf32>
    %get3A_1618 = arith.constant 1712 : index
    %get3A_1619 = tpu.vector_load %arg8[%get3A_1618] {strides = array<i32>} : memref<2048xf32, #tpu.memory_space<vmem>>, vector<16xf32>,
    %add3A_1620 = arith.addf %add3A_1607, %get3A_1619 : vector<16xf32>
    %get3A_1621 = arith.constant 1712 : index
    %get3A_1622 = tpu.vector_load %arg7[%get3A_1621] {strides = array<i32>} : memref<2176xi32, #tpu.memory_space<vmem>>, vector<16xi32>,
    %get3A_1623 = arith.constant 1840 : index
    %get3A_1624 = tpu.vector_load %arg7[%get3A_1623] {strides = array<i32>} : memref<2176xi32, #tpu.memory_space<vmem>>, vector<16xi32>,
    %mul3A_1625 = arith.constant 128 : i32
    %mul3A_1626 = vector.broadcast %mul3A_1625 : i32 to vector<16xi32>
    %mul3A_1627 = arith.muli %get3A_1622, %mul3A_1626 : vector<16xi32>
    %add3A_1628 = arith.addi %mul3A_1627, %get3A_1624 : vector<16xi32>
    %gather3A_1629 = tpu.vector_load_idx %arg6[%add3A_1628] : memref<16384xf32, #tpu.memory_space<vmem>>[vector<16xi32>], vector<16xf32>,
    %add3A_1630 = arith.addf %add3A_1617, %gather3A_1629 : vector<16xf32>
    %get3A_1631 = arith.constant 1728 : index
    %get3A_1632 = tpu.vector_load %arg8[%get3A_1631] {strides = array<i32>} : memref<2048xf32, #tpu.memory_space<vmem>>, vector<16xf32>,
    %add3A_1633 = arith.addf %add3A_1620, %get3A_1632 : vector<16xf32>
    %get3A_1634 = arith.constant 1728 : index
    %get3A_1635 = tpu.vector_load %arg7[%get3A_1634] {strides = array<i32>} : memref<2176xi32, #tpu.memory_space<vmem>>, vector<16xi32>,
    %get3A_1636 = arith.constant 1856 : index
    %get3A_1637 = tpu.vector_load %arg7[%get3A_1636] {strides = array<i32>} : memref<2176xi32, #tpu.memory_space<vmem>>, vector<16xi32>,
    %mul3A_1638 = arith.constant 128 : i32
    %mul3A_1639 = vector.broadcast %mul3A_1638 : i32 to vector<16xi32>
    %mul3A_1640 = arith.muli %get3A_1635, %mul3A_1639 : vector<16xi32>
    %add3A_1641 = arith.addi %mul3A_1640, %get3A_1637 : vector<16xi32>
    %gather3A_1642 = tpu.vector_load_idx %arg6[%add3A_1641] : memref<16384xf32, #tpu.memory_space<vmem>>[vector<16xi32>], vector<16xf32>,
    %add3A_1643 = arith.addf %add3A_1630, %gather3A_1642 : vector<16xf32>
    %get3A_1644 = arith.constant 1744 : index
    %get3A_1645 = tpu.vector_load %arg8[%get3A_1644] {strides = array<i32>} : memref<2048xf32, #tpu.memory_space<vmem>>, vector<16xf32>,
    %add3A_1646 = arith.addf %add3A_1633, %get3A_1645 : vector<16xf32>
    %get3A_1647 = arith.constant 1744 : index
    %get3A_1648 = tpu.vector_load %arg7[%get3A_1647] {strides = array<i32>} : memref<2176xi32, #tpu.memory_space<vmem>>, vector<16xi32>,
    %get3A_1649 = arith.constant 1872 : index
    %get3A_1650 = tpu.vector_load %arg7[%get3A_1649] {strides = array<i32>} : memref<2176xi32, #tpu.memory_space<vmem>>, vector<16xi32>,
    %mul3A_1651 = arith.constant 128 : i32
    %mul3A_1652 = vector.broadcast %mul3A_1651 : i32 to vector<16xi32>
    %mul3A_1653 = arith.muli %get3A_1648, %mul3A_1652 : vector<16xi32>
    %add3A_1654 = arith.addi %mul3A_1653, %get3A_1650 : vector<16xi32>
    %gather3A_1655 = tpu.vector_load_idx %arg6[%add3A_1654] : memref<16384xf32, #tpu.memory_space<vmem>>[vector<16xi32>], vector<16xf32>,
    %add3A_1656 = arith.addf %add3A_1643, %gather3A_1655 : vector<16xf32>
    %get3A_1657 = arith.constant 1760 : index
    %get3A_1658 = tpu.vector_load %arg8[%get3A_1657] {strides = array<i32>} : memref<2048xf32, #tpu.memory_space<vmem>>, vector<16xf32>,
    %add3A_1659 = arith.addf %add3A_1646, %get3A_1658 : vector<16xf32>
    %get3A_1660 = arith.constant 1760 : index
    %get3A_1661 = tpu.vector_load %arg7[%get3A_1660] {strides = array<i32>} : memref<2176xi32, #tpu.memory_space<vmem>>, vector<16xi32>,
    %get3A_1662 = arith.constant 1888 : index
    %get3A_1663 = tpu.vector_load %arg7[%get3A_1662] {strides = array<i32>} : memref<2176xi32, #tpu.memory_space<vmem>>, vector<16xi32>,
    %mul3A_1664 = arith.constant 128 : i32
    %mul3A_1665 = vector.broadcast %mul3A_1664 : i32 to vector<16xi32>
    %mul3A_1666 = arith.muli %get3A_1661, %mul3A_1665 : vector<16xi32>
    %add3A_1667 = arith.addi %mul3A_1666, %get3A_1663 : vector<16xi32>
    %gather3A_1668 = tpu.vector_load_idx %arg6[%add3A_1667] : memref<16384xf32, #tpu.memory_space<vmem>>[vector<16xi32>], vector<16xf32>,
    %add3A_1669 = arith.addf %add3A_1656, %gather3A_1668 : vector<16xf32>
    %get3A_1670 = arith.constant 1776 : index
    %get3A_1671 = tpu.vector_load %arg8[%get3A_1670] {strides = array<i32>} : memref<2048xf32, #tpu.memory_space<vmem>>, vector<16xf32>,
    %add3A_1672 = arith.addf %add3A_1659, %get3A_1671 : vector<16xf32>
    %get3A_1673 = arith.constant 1776 : index
    %get3A_1674 = tpu.vector_load %arg7[%get3A_1673] {strides = array<i32>} : memref<2176xi32, #tpu.memory_space<vmem>>, vector<16xi32>,
    %get3A_1675 = arith.constant 1904 : index
    %get3A_1676 = tpu.vector_load %arg7[%get3A_1675] {strides = array<i32>} : memref<2176xi32, #tpu.memory_space<vmem>>, vector<16xi32>,
    %mul3A_1677 = arith.constant 128 : i32
    %mul3A_1678 = vector.broadcast %mul3A_1677 : i32 to vector<16xi32>
    %mul3A_1679 = arith.muli %get3A_1674, %mul3A_1678 : vector<16xi32>
    %add3A_1680 = arith.addi %mul3A_1679, %get3A_1676 : vector<16xi32>
    %gather3A_1681 = tpu.vector_load_idx %arg6[%add3A_1680] : memref<16384xf32, #tpu.memory_space<vmem>>[vector<16xi32>], vector<16xf32>,
    %add3A_1682 = arith.addf %add3A_1669, %gather3A_1681 : vector<16xf32>
    %reduce_sum3A_1683 = arith.constant true
    %reduce_sum3A_1684 = vector.broadcast %reduce_sum3A_1683 : i1 to vector<16xi1>
    %reduce_sum3A_1685 = tpu.scan <sum>, %add3A_1672 masked %reduce_sum3A_1684 : vector<16xf32>, vector<16xi1> -> vector<16xf32>
    %reduce_sum3A_1686 = vector.extract %reduce_sum3A_1685[15] : f32 from vector<16xf32>
    %add3A_1687 = arith.constant 13 : i32
    %add3A_1688 = arith.addi %mul3A_2, %add3A_1687 : i32
    %eq3A_1689 = arith.constant 0 : i32
    %eq3A_1690 = arith.cmpi eq, %add3A_1688, %eq3A_1689 : i32
    %jit3A_1691 = arith.constant 0.000000e+00 : f32
    %select_n3A_1692 = arith.select %eq3A_1690, %jit3A_1691, %reduce_sum3A_1686 : f32
    %mul3A_1693 = vector.broadcast %select_n3A_1692 : f32 to vector<16xf32>
    %mul3A_1694 = arith.mulf %add3A_1682, %mul3A_1693 : vector<16xf32>
    %add3A_1695 = arith.addf %add3A_1574, %mul3A_1694 : vector<16xf32>
    %broadcast_in_dim3A_1696 = arith.constant 0.000000e+00 : f32
    %broadcast_in_dim3A_1697 = vector.broadcast %broadcast_in_dim3A_1696 : f32 to vector<16xf32>
    %broadcast_in_dim3A_1698 = arith.constant 0.000000e+00 : f32
    %broadcast_in_dim3A_1699 = vector.broadcast %broadcast_in_dim3A_1698 : f32 to vector<16xf32>
    %get3A_1700 = arith.constant 1792 : index
    %get3A_1701 = tpu.vector_load %arg8[%get3A_1700] {strides = array<i32>} : memref<2048xf32, #tpu.memory_space<vmem>>, vector<16xf32>,
    %add3A_1702 = arith.addf %broadcast_in_dim3A_1697, %get3A_1701 : vector<16xf32>
    %get3A_1703 = arith.constant 1792 : index
    %get3A_1704 = tpu.vector_load %arg7[%get3A_1703] {strides = array<i32>} : memref<2176xi32, #tpu.memory_space<vmem>>, vector<16xi32>,
    %get3A_1705 = arith.constant 1920 : index
    %get3A_1706 = tpu.vector_load %arg7[%get3A_1705] {strides = array<i32>} : memref<2176xi32, #tpu.memory_space<vmem>>, vector<16xi32>,
    %mul3A_1707 = arith.constant 128 : i32
    %mul3A_1708 = vector.broadcast %mul3A_1707 : i32 to vector<16xi32>
    %mul3A_1709 = arith.muli %get3A_1704, %mul3A_1708 : vector<16xi32>
    %add3A_1710 = arith.addi %mul3A_1709, %get3A_1706 : vector<16xi32>
    %gather3A_1711 = tpu.vector_load_idx %arg6[%add3A_1710] : memref<16384xf32, #tpu.memory_space<vmem>>[vector<16xi32>], vector<16xf32>,
    %add3A_1712 = arith.addf %broadcast_in_dim3A_1699, %gather3A_1711 : vector<16xf32>
    %get3A_1713 = arith.constant 1808 : index
    %get3A_1714 = tpu.vector_load %arg8[%get3A_1713] {strides = array<i32>} : memref<2048xf32, #tpu.memory_space<vmem>>, vector<16xf32>,
    %add3A_1715 = arith.addf %add3A_1702, %get3A_1714 : vector<16xf32>
    %get3A_1716 = arith.constant 1808 : index
    %get3A_1717 = tpu.vector_load %arg7[%get3A_1716] {strides = array<i32>} : memref<2176xi32, #tpu.memory_space<vmem>>, vector<16xi32>,
    %get3A_1718 = arith.constant 1936 : index
    %get3A_1719 = tpu.vector_load %arg7[%get3A_1718] {strides = array<i32>} : memref<2176xi32, #tpu.memory_space<vmem>>, vector<16xi32>,
    %mul3A_1720 = arith.constant 128 : i32
    %mul3A_1721 = vector.broadcast %mul3A_1720 : i32 to vector<16xi32>
    %mul3A_1722 = arith.muli %get3A_1717, %mul3A_1721 : vector<16xi32>
    %add3A_1723 = arith.addi %mul3A_1722, %get3A_1719 : vector<16xi32>
    %gather3A_1724 = tpu.vector_load_idx %arg6[%add3A_1723] : memref<16384xf32, #tpu.memory_space<vmem>>[vector<16xi32>], vector<16xf32>,
    %add3A_1725 = arith.addf %add3A_1712, %gather3A_1724 : vector<16xf32>
    %get3A_1726 = arith.constant 1824 : index
    %get3A_1727 = tpu.vector_load %arg8[%get3A_1726] {strides = array<i32>} : memref<2048xf32, #tpu.memory_space<vmem>>, vector<16xf32>,
    %add3A_1728 = arith.addf %add3A_1715, %get3A_1727 : vector<16xf32>
    %get3A_1729 = arith.constant 1824 : index
    %get3A_1730 = tpu.vector_load %arg7[%get3A_1729] {strides = array<i32>} : memref<2176xi32, #tpu.memory_space<vmem>>, vector<16xi32>,
    %get3A_1731 = arith.constant 1952 : index
    %get3A_1732 = tpu.vector_load %arg7[%get3A_1731] {strides = array<i32>} : memref<2176xi32, #tpu.memory_space<vmem>>, vector<16xi32>,
    %mul3A_1733 = arith.constant 128 : i32
    %mul3A_1734 = vector.broadcast %mul3A_1733 : i32 to vector<16xi32>
    %mul3A_1735 = arith.muli %get3A_1730, %mul3A_1734 : vector<16xi32>
    %add3A_1736 = arith.addi %mul3A_1735, %get3A_1732 : vector<16xi32>
    %gather3A_1737 = tpu.vector_load_idx %arg6[%add3A_1736] : memref<16384xf32, #tpu.memory_space<vmem>>[vector<16xi32>], vector<16xf32>,
    %add3A_1738 = arith.addf %add3A_1725, %gather3A_1737 : vector<16xf32>
    %get3A_1739 = arith.constant 1840 : index
    %get3A_1740 = tpu.vector_load %arg8[%get3A_1739] {strides = array<i32>} : memref<2048xf32, #tpu.memory_space<vmem>>, vector<16xf32>,
    %add3A_1741 = arith.addf %add3A_1728, %get3A_1740 : vector<16xf32>
    %get3A_1742 = arith.constant 1840 : index
    %get3A_1743 = tpu.vector_load %arg7[%get3A_1742] {strides = array<i32>} : memref<2176xi32, #tpu.memory_space<vmem>>, vector<16xi32>,
    %get3A_1744 = arith.constant 1968 : index
    %get3A_1745 = tpu.vector_load %arg7[%get3A_1744] {strides = array<i32>} : memref<2176xi32, #tpu.memory_space<vmem>>, vector<16xi32>,
    %mul3A_1746 = arith.constant 128 : i32
    %mul3A_1747 = vector.broadcast %mul3A_1746 : i32 to vector<16xi32>
    %mul3A_1748 = arith.muli %get3A_1743, %mul3A_1747 : vector<16xi32>
    %add3A_1749 = arith.addi %mul3A_1748, %get3A_1745 : vector<16xi32>
    %gather3A_1750 = tpu.vector_load_idx %arg6[%add3A_1749] : memref<16384xf32, #tpu.memory_space<vmem>>[vector<16xi32>], vector<16xf32>,
    %add3A_1751 = arith.addf %add3A_1738, %gather3A_1750 : vector<16xf32>
    %get3A_1752 = arith.constant 1856 : index
    %get3A_1753 = tpu.vector_load %arg8[%get3A_1752] {strides = array<i32>} : memref<2048xf32, #tpu.memory_space<vmem>>, vector<16xf32>,
    %add3A_1754 = arith.addf %add3A_1741, %get3A_1753 : vector<16xf32>
    %get3A_1755 = arith.constant 1856 : index
    %get3A_1756 = tpu.vector_load %arg7[%get3A_1755] {strides = array<i32>} : memref<2176xi32, #tpu.memory_space<vmem>>, vector<16xi32>,
    %get3A_1757 = arith.constant 1984 : index
    %get3A_1758 = tpu.vector_load %arg7[%get3A_1757] {strides = array<i32>} : memref<2176xi32, #tpu.memory_space<vmem>>, vector<16xi32>,
    %mul3A_1759 = arith.constant 128 : i32
    %mul3A_1760 = vector.broadcast %mul3A_1759 : i32 to vector<16xi32>
    %mul3A_1761 = arith.muli %get3A_1756, %mul3A_1760 : vector<16xi32>
    %add3A_1762 = arith.addi %mul3A_1761, %get3A_1758 : vector<16xi32>
    %gather3A_1763 = tpu.vector_load_idx %arg6[%add3A_1762] : memref<16384xf32, #tpu.memory_space<vmem>>[vector<16xi32>], vector<16xf32>,
    %add3A_1764 = arith.addf %add3A_1751, %gather3A_1763 : vector<16xf32>
    %get3A_1765 = arith.constant 1872 : index
    %get3A_1766 = tpu.vector_load %arg8[%get3A_1765] {strides = array<i32>} : memref<2048xf32, #tpu.memory_space<vmem>>, vector<16xf32>,
    %add3A_1767 = arith.addf %add3A_1754, %get3A_1766 : vector<16xf32>
    %get3A_1768 = arith.constant 1872 : index
    %get3A_1769 = tpu.vector_load %arg7[%get3A_1768] {strides = array<i32>} : memref<2176xi32, #tpu.memory_space<vmem>>, vector<16xi32>,
    %get3A_1770 = arith.constant 2000 : index
    %get3A_1771 = tpu.vector_load %arg7[%get3A_1770] {strides = array<i32>} : memref<2176xi32, #tpu.memory_space<vmem>>, vector<16xi32>,
    %mul3A_1772 = arith.constant 128 : i32
    %mul3A_1773 = vector.broadcast %mul3A_1772 : i32 to vector<16xi32>
    %mul3A_1774 = arith.muli %get3A_1769, %mul3A_1773 : vector<16xi32>
    %add3A_1775 = arith.addi %mul3A_1774, %get3A_1771 : vector<16xi32>
    %gather3A_1776 = tpu.vector_load_idx %arg6[%add3A_1775] : memref<16384xf32, #tpu.memory_space<vmem>>[vector<16xi32>], vector<16xf32>,
    %add3A_1777 = arith.addf %add3A_1764, %gather3A_1776 : vector<16xf32>
    %get3A_1778 = arith.constant 1888 : index
    %get3A_1779 = tpu.vector_load %arg8[%get3A_1778] {strides = array<i32>} : memref<2048xf32, #tpu.memory_space<vmem>>, vector<16xf32>,
    %add3A_1780 = arith.addf %add3A_1767, %get3A_1779 : vector<16xf32>
    %get3A_1781 = arith.constant 1888 : index
    %get3A_1782 = tpu.vector_load %arg7[%get3A_1781] {strides = array<i32>} : memref<2176xi32, #tpu.memory_space<vmem>>, vector<16xi32>,
    %get3A_1783 = arith.constant 2016 : index
    %get3A_1784 = tpu.vector_load %arg7[%get3A_1783] {strides = array<i32>} : memref<2176xi32, #tpu.memory_space<vmem>>, vector<16xi32>,
    %mul3A_1785 = arith.constant 128 : i32
    %mul3A_1786 = vector.broadcast %mul3A_1785 : i32 to vector<16xi32>
    %mul3A_1787 = arith.muli %get3A_1782, %mul3A_1786 : vector<16xi32>
    %add3A_1788 = arith.addi %mul3A_1787, %get3A_1784 : vector<16xi32>
    %gather3A_1789 = tpu.vector_load_idx %arg6[%add3A_1788] : memref<16384xf32, #tpu.memory_space<vmem>>[vector<16xi32>], vector<16xf32>,
    %add3A_1790 = arith.addf %add3A_1777, %gather3A_1789 : vector<16xf32>
    %get3A_1791 = arith.constant 1904 : index
    %get3A_1792 = tpu.vector_load %arg8[%get3A_1791] {strides = array<i32>} : memref<2048xf32, #tpu.memory_space<vmem>>, vector<16xf32>,
    %add3A_1793 = arith.addf %add3A_1780, %get3A_1792 : vector<16xf32>
    %get3A_1794 = arith.constant 1904 : index
    %get3A_1795 = tpu.vector_load %arg7[%get3A_1794] {strides = array<i32>} : memref<2176xi32, #tpu.memory_space<vmem>>, vector<16xi32>,
    %get3A_1796 = arith.constant 2032 : index
    %get3A_1797 = tpu.vector_load %arg7[%get3A_1796] {strides = array<i32>} : memref<2176xi32, #tpu.memory_space<vmem>>, vector<16xi32>,
    %mul3A_1798 = arith.constant 128 : i32
    %mul3A_1799 = vector.broadcast %mul3A_1798 : i32 to vector<16xi32>
    %mul3A_1800 = arith.muli %get3A_1795, %mul3A_1799 : vector<16xi32>
    %add3A_1801 = arith.addi %mul3A_1800, %get3A_1797 : vector<16xi32>
    %gather3A_1802 = tpu.vector_load_idx %arg6[%add3A_1801] : memref<16384xf32, #tpu.memory_space<vmem>>[vector<16xi32>], vector<16xf32>,
    %add3A_1803 = arith.addf %add3A_1790, %gather3A_1802 : vector<16xf32>
    %reduce_sum3A_1804 = arith.constant true
    %reduce_sum3A_1805 = vector.broadcast %reduce_sum3A_1804 : i1 to vector<16xi1>
    %reduce_sum3A_1806 = tpu.scan <sum>, %add3A_1793 masked %reduce_sum3A_1805 : vector<16xf32>, vector<16xi1> -> vector<16xf32>
    %reduce_sum3A_1807 = vector.extract %reduce_sum3A_1806[15] : f32 from vector<16xf32>
    %add3A_1808 = arith.constant 14 : i32
    %add3A_1809 = arith.addi %mul3A_2, %add3A_1808 : i32
    %eq3A_1810 = arith.constant 0 : i32
    %eq3A_1811 = arith.cmpi eq, %add3A_1809, %eq3A_1810 : i32
    %jit3A_1812 = arith.constant 0.000000e+00 : f32
    %select_n3A_1813 = arith.select %eq3A_1811, %jit3A_1812, %reduce_sum3A_1807 : f32
    %mul3A_1814 = vector.broadcast %select_n3A_1813 : f32 to vector<16xf32>
    %mul3A_1815 = arith.mulf %add3A_1803, %mul3A_1814 : vector<16xf32>
    %add3A_1816 = arith.addf %add3A_1695, %mul3A_1815 : vector<16xf32>
    %broadcast_in_dim3A_1817 = arith.constant 0.000000e+00 : f32
    %broadcast_in_dim3A_1818 = vector.broadcast %broadcast_in_dim3A_1817 : f32 to vector<16xf32>
    %broadcast_in_dim3A_1819 = arith.constant 0.000000e+00 : f32
    %broadcast_in_dim3A_1820 = vector.broadcast %broadcast_in_dim3A_1819 : f32 to vector<16xf32>
    %get3A_1821 = arith.constant 1920 : index
    %get3A_1822 = tpu.vector_load %arg8[%get3A_1821] {strides = array<i32>} : memref<2048xf32, #tpu.memory_space<vmem>>, vector<16xf32>,
    %add3A_1823 = arith.addf %broadcast_in_dim3A_1818, %get3A_1822 : vector<16xf32>
    %get3A_1824 = arith.constant 1920 : index
    %get3A_1825 = tpu.vector_load %arg7[%get3A_1824] {strides = array<i32>} : memref<2176xi32, #tpu.memory_space<vmem>>, vector<16xi32>,
    %get3A_1826 = arith.constant 2048 : index
    %get3A_1827 = tpu.vector_load %arg7[%get3A_1826] {strides = array<i32>} : memref<2176xi32, #tpu.memory_space<vmem>>, vector<16xi32>,
    %mul3A_1828 = arith.constant 128 : i32
    %mul3A_1829 = vector.broadcast %mul3A_1828 : i32 to vector<16xi32>
    %mul3A_1830 = arith.muli %get3A_1825, %mul3A_1829 : vector<16xi32>
    %add3A_1831 = arith.addi %mul3A_1830, %get3A_1827 : vector<16xi32>
    %gather3A_1832 = tpu.vector_load_idx %arg6[%add3A_1831] : memref<16384xf32, #tpu.memory_space<vmem>>[vector<16xi32>], vector<16xf32>,
    %add3A_1833 = arith.addf %broadcast_in_dim3A_1820, %gather3A_1832 : vector<16xf32>
    %get3A_1834 = arith.constant 1936 : index
    %get3A_1835 = tpu.vector_load %arg8[%get3A_1834] {strides = array<i32>} : memref<2048xf32, #tpu.memory_space<vmem>>, vector<16xf32>,
    %add3A_1836 = arith.addf %add3A_1823, %get3A_1835 : vector<16xf32>
    %get3A_1837 = arith.constant 1936 : index
    %get3A_1838 = tpu.vector_load %arg7[%get3A_1837] {strides = array<i32>} : memref<2176xi32, #tpu.memory_space<vmem>>, vector<16xi32>,
    %get3A_1839 = arith.constant 2064 : index
    %get3A_1840 = tpu.vector_load %arg7[%get3A_1839] {strides = array<i32>} : memref<2176xi32, #tpu.memory_space<vmem>>, vector<16xi32>,
    %mul3A_1841 = arith.constant 128 : i32
    %mul3A_1842 = vector.broadcast %mul3A_1841 : i32 to vector<16xi32>
    %mul3A_1843 = arith.muli %get3A_1838, %mul3A_1842 : vector<16xi32>
    %add3A_1844 = arith.addi %mul3A_1843, %get3A_1840 : vector<16xi32>
    %gather3A_1845 = tpu.vector_load_idx %arg6[%add3A_1844] : memref<16384xf32, #tpu.memory_space<vmem>>[vector<16xi32>], vector<16xf32>,
    %add3A_1846 = arith.addf %add3A_1833, %gather3A_1845 : vector<16xf32>
    %get3A_1847 = arith.constant 1952 : index
    %get3A_1848 = tpu.vector_load %arg8[%get3A_1847] {strides = array<i32>} : memref<2048xf32, #tpu.memory_space<vmem>>, vector<16xf32>,
    %add3A_1849 = arith.addf %add3A_1836, %get3A_1848 : vector<16xf32>
    %get3A_1850 = arith.constant 1952 : index
    %get3A_1851 = tpu.vector_load %arg7[%get3A_1850] {strides = array<i32>} : memref<2176xi32, #tpu.memory_space<vmem>>, vector<16xi32>,
    %get3A_1852 = arith.constant 2080 : index
    %get3A_1853 = tpu.vector_load %arg7[%get3A_1852] {strides = array<i32>} : memref<2176xi32, #tpu.memory_space<vmem>>, vector<16xi32>,
    %mul3A_1854 = arith.constant 128 : i32
    %mul3A_1855 = vector.broadcast %mul3A_1854 : i32 to vector<16xi32>
    %mul3A_1856 = arith.muli %get3A_1851, %mul3A_1855 : vector<16xi32>
    %add3A_1857 = arith.addi %mul3A_1856, %get3A_1853 : vector<16xi32>
    %gather3A_1858 = tpu.vector_load_idx %arg6[%add3A_1857] : memref<16384xf32, #tpu.memory_space<vmem>>[vector<16xi32>], vector<16xf32>,
    %add3A_1859 = arith.addf %add3A_1846, %gather3A_1858 : vector<16xf32>
    %get3A_1860 = arith.constant 1968 : index
    %get3A_1861 = tpu.vector_load %arg8[%get3A_1860] {strides = array<i32>} : memref<2048xf32, #tpu.memory_space<vmem>>, vector<16xf32>,
    %add3A_1862 = arith.addf %add3A_1849, %get3A_1861 : vector<16xf32>
    %get3A_1863 = arith.constant 1968 : index
    %get3A_1864 = tpu.vector_load %arg7[%get3A_1863] {strides = array<i32>} : memref<2176xi32, #tpu.memory_space<vmem>>, vector<16xi32>,
    %get3A_1865 = arith.constant 2096 : index
    %get3A_1866 = tpu.vector_load %arg7[%get3A_1865] {strides = array<i32>} : memref<2176xi32, #tpu.memory_space<vmem>>, vector<16xi32>,
    %mul3A_1867 = arith.constant 128 : i32
    %mul3A_1868 = vector.broadcast %mul3A_1867 : i32 to vector<16xi32>
    %mul3A_1869 = arith.muli %get3A_1864, %mul3A_1868 : vector<16xi32>
    %add3A_1870 = arith.addi %mul3A_1869, %get3A_1866 : vector<16xi32>
    %gather3A_1871 = tpu.vector_load_idx %arg6[%add3A_1870] : memref<16384xf32, #tpu.memory_space<vmem>>[vector<16xi32>], vector<16xf32>,
    %add3A_1872 = arith.addf %add3A_1859, %gather3A_1871 : vector<16xf32>
    %get3A_1873 = arith.constant 1984 : index
    %get3A_1874 = tpu.vector_load %arg8[%get3A_1873] {strides = array<i32>} : memref<2048xf32, #tpu.memory_space<vmem>>, vector<16xf32>,
    %add3A_1875 = arith.addf %add3A_1862, %get3A_1874 : vector<16xf32>
    %get3A_1876 = arith.constant 1984 : index
    %get3A_1877 = tpu.vector_load %arg7[%get3A_1876] {strides = array<i32>} : memref<2176xi32, #tpu.memory_space<vmem>>, vector<16xi32>,
    %get3A_1878 = arith.constant 2112 : index
    %get3A_1879 = tpu.vector_load %arg7[%get3A_1878] {strides = array<i32>} : memref<2176xi32, #tpu.memory_space<vmem>>, vector<16xi32>,
    %mul3A_1880 = arith.constant 128 : i32
    %mul3A_1881 = vector.broadcast %mul3A_1880 : i32 to vector<16xi32>
    %mul3A_1882 = arith.muli %get3A_1877, %mul3A_1881 : vector<16xi32>
    %add3A_1883 = arith.addi %mul3A_1882, %get3A_1879 : vector<16xi32>
    %gather3A_1884 = tpu.vector_load_idx %arg6[%add3A_1883] : memref<16384xf32, #tpu.memory_space<vmem>>[vector<16xi32>], vector<16xf32>,
    %add3A_1885 = arith.addf %add3A_1872, %gather3A_1884 : vector<16xf32>
    %get3A_1886 = arith.constant 2000 : index
    %get3A_1887 = tpu.vector_load %arg8[%get3A_1886] {strides = array<i32>} : memref<2048xf32, #tpu.memory_space<vmem>>, vector<16xf32>,
    %add3A_1888 = arith.addf %add3A_1875, %get3A_1887 : vector<16xf32>
    %get3A_1889 = arith.constant 2000 : index
    %get3A_1890 = tpu.vector_load %arg7[%get3A_1889] {strides = array<i32>} : memref<2176xi32, #tpu.memory_space<vmem>>, vector<16xi32>,
    %get3A_1891 = arith.constant 2128 : index
    %get3A_1892 = tpu.vector_load %arg7[%get3A_1891] {strides = array<i32>} : memref<2176xi32, #tpu.memory_space<vmem>>, vector<16xi32>,
    %mul3A_1893 = arith.constant 128 : i32
    %mul3A_1894 = vector.broadcast %mul3A_1893 : i32 to vector<16xi32>
    %mul3A_1895 = arith.muli %get3A_1890, %mul3A_1894 : vector<16xi32>
    %add3A_1896 = arith.addi %mul3A_1895, %get3A_1892 : vector<16xi32>
    %gather3A_1897 = tpu.vector_load_idx %arg6[%add3A_1896] : memref<16384xf32, #tpu.memory_space<vmem>>[vector<16xi32>], vector<16xf32>,
    %add3A_1898 = arith.addf %add3A_1885, %gather3A_1897 : vector<16xf32>
    %get3A_1899 = arith.constant 2016 : index
    %get3A_1900 = tpu.vector_load %arg8[%get3A_1899] {strides = array<i32>} : memref<2048xf32, #tpu.memory_space<vmem>>, vector<16xf32>,
    %add3A_1901 = arith.addf %add3A_1888, %get3A_1900 : vector<16xf32>
    %get3A_1902 = arith.constant 2016 : index
    %get3A_1903 = tpu.vector_load %arg7[%get3A_1902] {strides = array<i32>} : memref<2176xi32, #tpu.memory_space<vmem>>, vector<16xi32>,
    %get3A_1904 = arith.constant 2144 : index
    %get3A_1905 = tpu.vector_load %arg7[%get3A_1904] {strides = array<i32>} : memref<2176xi32, #tpu.memory_space<vmem>>, vector<16xi32>,
    %mul3A_1906 = arith.constant 128 : i32
    %mul3A_1907 = vector.broadcast %mul3A_1906 : i32 to vector<16xi32>
    %mul3A_1908 = arith.muli %get3A_1903, %mul3A_1907 : vector<16xi32>
    %add3A_1909 = arith.addi %mul3A_1908, %get3A_1905 : vector<16xi32>
    %gather3A_1910 = tpu.vector_load_idx %arg6[%add3A_1909] : memref<16384xf32, #tpu.memory_space<vmem>>[vector<16xi32>], vector<16xf32>,
    %add3A_1911 = arith.addf %add3A_1898, %gather3A_1910 : vector<16xf32>
    %get3A_1912 = arith.constant 2032 : index
    %get3A_1913 = tpu.vector_load %arg8[%get3A_1912] {strides = array<i32>} : memref<2048xf32, #tpu.memory_space<vmem>>, vector<16xf32>,
    %add3A_1914 = arith.addf %add3A_1901, %get3A_1913 : vector<16xf32>
    %get3A_1915 = arith.constant 2032 : index
    %get3A_1916 = tpu.vector_load %arg7[%get3A_1915] {strides = array<i32>} : memref<2176xi32, #tpu.memory_space<vmem>>, vector<16xi32>,
    %get3A_1917 = arith.constant 2160 : index
    %get3A_1918 = tpu.vector_load %arg7[%get3A_1917] {strides = array<i32>} : memref<2176xi32, #tpu.memory_space<vmem>>, vector<16xi32>,
    %mul3A_1919 = arith.constant 128 : i32
    %mul3A_1920 = vector.broadcast %mul3A_1919 : i32 to vector<16xi32>
    %mul3A_1921 = arith.muli %get3A_1916, %mul3A_1920 : vector<16xi32>
    %add3A_1922 = arith.addi %mul3A_1921, %get3A_1918 : vector<16xi32>
    %gather3A_1923 = tpu.vector_load_idx %arg6[%add3A_1922] : memref<16384xf32, #tpu.memory_space<vmem>>[vector<16xi32>], vector<16xf32>,
    %add3A_1924 = arith.addf %add3A_1911, %gather3A_1923 : vector<16xf32>
    %reduce_sum3A_1925 = arith.constant true
    %reduce_sum3A_1926 = vector.broadcast %reduce_sum3A_1925 : i1 to vector<16xi1>
    %reduce_sum3A_1927 = tpu.scan <sum>, %add3A_1914 masked %reduce_sum3A_1926 : vector<16xf32>, vector<16xi1> -> vector<16xf32>
    %reduce_sum3A_1928 = vector.extract %reduce_sum3A_1927[15] : f32 from vector<16xf32>
    %add3A_1929 = arith.constant 15 : i32
    %add3A_1930 = arith.addi %mul3A_2, %add3A_1929 : i32
    %eq3A_1931 = arith.constant 0 : i32
    %eq3A_1932 = arith.cmpi eq, %add3A_1930, %eq3A_1931 : i32
    %jit3A_1933 = arith.constant 0.000000e+00 : f32
    %select_n3A_1934 = arith.select %eq3A_1932, %jit3A_1933, %reduce_sum3A_1928 : f32
    %mul3A_1935 = vector.broadcast %select_n3A_1934 : f32 to vector<16xf32>
    %mul3A_1936 = arith.mulf %add3A_1924, %mul3A_1935 : vector<16xf32>
    %add3A_1937 = arith.addf %add3A_1816, %mul3A_1936 : vector<16xf32>
    %swap3A = arith.constant 0 : index
    %swap3A_1938 = tpu.vector_load %arg9[%swap3A] {strides = array<i32>} : memref<16xf32, #tpu.memory_space<vmem>>, vector<16xf32>,
    tpu.vector_store %arg9[%swap3A], %add3A_1937 {strides = array<i32>} : memref<16xf32, #tpu.memory_space<vmem>>, vector<16xf32>,
    %mul3A_1939 = arith.constant 16 : i32
    %mul3A_1940 = arith.muli %add3A, %mul3A_1939 : i32
    "tpu.region"() ({
      %run_scoped3A = tpu.sem_alloc : memref<!tpu.dma_semaphore, #tpu.memory_space<semaphore_mem>>
      %dma_start3A = tpu.memref_slice %arg5[%mul3A_1940] : memref<512xf32, #tpu.memory_space<hbm>> -> memref<16xf32, #tpu.memory_space<hbm>>
      %dma_start3A_1941 = tpu.memref_slice %arg5[%mul3A_1940] : memref<512xf32, #tpu.memory_space<hbm>> -> memref<16xf32, #tpu.memory_space<hbm>>
      tpu.enqueue_dma source(%arg9 : memref<16xf32, #tpu.memory_space<vmem>>) target(%dma_start3A_1941 : memref<16xf32, #tpu.memory_space<hbm>>) target_semaphore(%run_scoped3A : memref<!tpu.dma_semaphore, #tpu.memory_space<semaphore_mem>>)
      %dma_wait3A = tpu.memref_slice %arg5[%mul3A_1940] : memref<512xf32, #tpu.memory_space<hbm>> -> memref<16xf32, #tpu.memory_space<hbm>>
      %dma_wait3A_1942 = tpu.memref_slice %arg5[%mul3A_1940] : memref<512xf32, #tpu.memory_space<hbm>> -> memref<16xf32, #tpu.memory_space<hbm>>
      tpu.wait_dma2 semaphore(%run_scoped3A : memref<!tpu.dma_semaphore, #tpu.memory_space<semaphore_mem>>) src(%arg9 : memref<16xf32, #tpu.memory_space<vmem>>) dst(%dma_wait3A_1942 : memref<16xf32, #tpu.memory_space<hbm>>)
      tpu.yield
    }) : () -> ()
    return
  }
}

</mosaic_0001>

<sc_bundles>
// kernel: _sc_call.3.cloned.1.call-start
scs
__scs_entry_jumppad:
0x0: {  	(pc) =	sbr.rel $0x88, $3  }
0x1: {  	(tag) =	ssettag $0x0;
	lr =	simm.s32 $0x1  }
0x2: {  	[smem:$0x3F9E] =	sst lr;
	_ =	strace $0xD0000000  }
0x3: {  	_ = 	snop  }
0x4: {  	_ = 	snop  }
0x5: {  	_ = 	snop  }
0x6: {  	_ = 	snop  }
0x7: {  	_ = 	snop  }
__scs_overlays_trampoline_lowered:
0x8: {  	[smem:$0x3FAD] =	sst s0  }
0x9: {  	[smem:$0x3FAE] =	sst s1  }
0xa: {  	[smem:$0x3FAF] =	sst s2  }
0xb: {  	[smem:$0x3FB0] =	sst s3  }
0xc: {  	[smem:$0x3FB1] =	sst s4  }
0xd: {  	[smem:$0x3FB2] =	sst s5  }
0xe: {  	[smem:$0x3FB3] =	sst s6  }
0xf: {  	[smem:$0x3FB4] =	sst s7  }
0x10: {  	[smem:$0x3FB5] =	sst s8  }
0x11: {  	[smem:$0x3FB6] =	sst s9;
	s0 =	simm.s32 @!p0 $0x0  }
0x12: {  	s1 =	sld [smem:$0x3F9C];
	s0 =	simm.s32 @p0 $0x1  }
0x13: {  	[smem:$0x3FB7] =	sst s0;
	s0 =	simm.s32 @!p1 $0x0  }
0x14: {  	s2 =	sld [smem:$0x3F9B];
	s0 =	simm.s32 @p1 $0x1  }
0x15: {  	[smem:$0x3FB8] =	sst s0;
	s0 =	simm.s32 @!p2 $0x0  }
0x16: {  	s3 =	sld [smem:$0x3FDB];
	s0 =	simm.s32 @p2 $0x1  }
0x17: {  	s4 =	simm.s32 $0x1BF5;
	[smem:$0x3FBA] =	sst s0  }
0x18: {  	s0 =	sld [smem:$0x3F9D];
	_ =	swait.ge [sflag:s4], $0x0  }
0x19: {  	s7 =	sld [smem:$0x3F9E]  }
0x1a: {  	s8 =	sadd.s32 $0xFFFFE003, lr  }
0x1b: {  	s9 =	sadd.s32 $0xFFFFFEF7, lr;
	s5 =	simm.s32 $0xFFFFFFFF;
	p2 =	slt.u32 s8, $0xFFFFF086  }
0x1c: {  	p1 =	slt.u32 s9, $0xF7A;
	s5 =	simm.s32 @!p2 $0x0  }
0x1d: {  	s5 =	simm.s32 @p1 $0x1;
	p0 =	seq.s32 s7, s2  }
0x1e: {  	s7 =	smul.u32 @!p0 $0xF7A, s2;
	p2 =	seq.s32 @!p0 s5, $0x0  }
0x1f: {  	s9 =	smul.u32 $0xF7A, s1;
	s8 =	simm.s32 @!p0 $0x1BF5;
	p2 =	por !p2, p0  }
0x20: {  	[sflag:s8] =	ssyncset.s32 @!p0 $0xFFFFF086;
	s6 =	sadd.s32 @!p0 s3, s7;
	s7 =	simm.s32 @!p0 $0x108  }
0x21: {  	s3 =	sadd.s32 s3, s9;
	s6 =	sadd.s32 @!p0 $0x88, s6;
	s7 =	simm.s32 @p2 $0x1082  }
0x22: {  	[simem:s7], [sflag:s8] =	dma.local @!p0 [hbm:s6], $0xF7A  }
0x23: {  	s9 =	sor.u32 $0xD0000000, s2;
	s6 =	simm.s32 $0x108;
	_ =	swait.ge @!p0 [sflag:s8], $0x0  }
0x24: {  	s3 =	sadd.s32 $0x88, s3;
	s6 =	simm.s32 @!p1 $0x1082;
	[sflag:s4] =	ssyncset.s32 $0xFFFFF086  }
0x25: {  	[simem:s6], [sflag:s4] =	dma.local [hbm:s3], $0xF7A  }
0x26: {  	[smem:$0x3F9E] =	sst s1;
	(tag) =	ssettag s2;
	_ =	strace s9  }
0x27: {  	s1 =	sld [smem:$0x3FAE]  }
0x28: {  	s2 =	sld [smem:$0x3FAF]  }
0x29: {  	s4 =	sld [smem:$0x3FB1]  }
0x2a: {  	p0 =	seq.s32 s5, $0x0;
	s5 =	sld [smem:$0x3FB2]  }
0x2b: {  	s6 =	sld [smem:$0x3FB3]  }
0x2c: {  	s7 =	sld [smem:$0x3FB4]  }
0x2d: {  	s3 =	simm.s32 $0x108;
	s8 =	sld [smem:$0x3FB5]  }
0x2e: {  	s3 =	simm.s32 @!p0 $0x1082;
	s9 =	sld [smem:$0x3FB6]  }
0x2f: {  	lr =	sadd.s32 s0, s3;
	s0 =	sld [smem:$0x3FAD]  }
0x30: {  	s3 =	sld [smem:$0x3FB0]  }
0x31: {  	[smem:$0x3FB9] =	sst s10  }
0x32: {  	s10 =	sld [smem:$0x3FB7];
	_ =	sdelay $0x3  }
0x33: {  	p0 =	seq.s32 s10, $0x1;
	s10 =	sld [smem:$0x3FB9];
	_ =	sdelay $0x3  }
0x34: {  	[smem:$0x3FB9] =	sst s10  }
0x35: {  	s10 =	sld [smem:$0x3FB8];
	_ =	sdelay $0x3  }
0x36: {  	p1 =	seq.s32 s10, $0x1;
	s10 =	sld [smem:$0x3FB9];
	_ =	sdelay $0x3  }
0x37: {  	[smem:$0x3FB9] =	sst s10  }
0x38: {  	s10 =	sld [smem:$0x3FBA]  }
0x39: {  	_ = 	snop;
	(pc) =	sbr.ind lr, $3  }
0x3a: {  	_ = 	snop  }
0x3b: {  	_ = 	snop  }
0x3c: {  	p2 =	seq.s32 s10, $0x1;
	s10 =	sld [smem:$0x3FB9]  }
0x3d: {  	_ =	shalt  }
0x3e: {  	_ =	shalt  }
0x3f: {  	_ =	shalt  }
0x40: {  	_ =	shalt  }
0x41: {  	_ =	shalt  }
0x42: {  	_ =	shalt  }
0x43: {  	_ =	shalt  }
0x44: {  	_ =	shalt  }
0x45: {  	_ =	shalt  }
0x46: {  	_ =	shalt  }
0x47: {  	_ =	shalt  }
0x48: {  	_ =	shalt  }
0x49: {  	_ =	shalt  }
0x4a: {  	_ =	shalt  }
0x4b: {  	_ =	shalt  }
0x4c: {  	_ =	shalt  }
0x4d: {  	_ =	shalt  }
0x4e: {  	_ =	shalt  }
0x4f: {  	_ =	shalt  }
0x50: {  	_ =	shalt  }
0x51: {  	_ =	shalt  }
0x52: {  	_ =	shalt  }
0x53: {  	_ =	shalt  }
0x54: {  	_ =	shalt  }
0x55: {  	_ =	shalt  }
0x56: {  	_ =	shalt  }
0x57: {  	_ =	shalt  }
0x58: {  	_ =	shalt  }
0x59: {  	_ =	shalt  }
0x5a: {  	_ =	shalt  }
0x5b: {  	_ =	shalt  }
0x5c: {  	_ =	shalt  }
0x5d: {  	_ =	shalt  }
0x5e: {  	_ =	shalt  }
0x5f: {  	_ =	shalt  }
0x60: {  	_ =	shalt  }
0x61: {  	_ =	shalt  }
0x62: {  	_ =	shalt  }
0x63: {  	_ =	shalt  }
0x64: {  	_ =	shalt  }
0x65: {  	_ =	shalt  }
0x66: {  	_ =	shalt  }
0x67: {  	_ =	shalt  }
0x68: {  	_ =	shalt  }
0x69: {  	_ =	shalt  }
0x6a: {  	_ =	shalt  }
0x6b: {  	_ =	shalt  }
0x6c: {  	_ =	shalt  }
0x6d: {  	_ =	shalt  }
0x6e: {  	_ =	shalt  }
0x6f: {  	_ =	shalt  }
0x70: {  	_ =	shalt  }
0x71: {  	_ =	shalt  }
0x72: {  	_ =	shalt  }
0x73: {  	_ =	shalt  }
0x74: {  	_ =	shalt  }
0x75: {  	_ =	shalt  }
0x76: {  	_ =	shalt  }
0x77: {  	_ =	shalt  }
0x78: {  	_ =	shalt  }
0x79: {  	_ =	shalt  }
0x7a: {  	_ =	shalt  }
0x7b: {  	_ =	shalt  }
0x7c: {  	_ =	shalt  }
0x7d: {  	_ =	shalt  }
0x7e: {  	_ =	shalt  }
0x7f: {  	_ =	shalt  }
0x80: {  	_ =	shalt  }
0x81: {  	_ =	shalt  }
0x82: {  	_ =	shalt  }
0x83: {  	_ =	shalt  }
0x84: {  	_ =	shalt  }
0x85: {  	_ =	shalt  }
0x86: {  	_ =	shalt  }
0x87: {  	_ =	shalt  }
.Lfunc_end0:
.L_simem_size_0:
called_computation_lowered:
.L_overlay_start_0:
0x88: {  	s2 =	sld [smem:$0x3FD9]  }
0x89: {  	s3 =	sld [smem:$0x3FFE];
	_ =	sdelay $0x1  }
0x8a: {  	s1 =	srdreg.scid  }
0x8b: {  	s0 =	sand.u32 $0x1, s1  }
0x8c: {  	s18 =	sshll.u32 s0, $0xA;
	s2 =	sadd.s32 s3, s2  }
0x8d: {  	s2 =	sadd.s32 s2, s18  }
0x8e: {  	[smem:$0x3FC5] =	sst s2  }
0x8f: {  	_ = 	snop  }
0x90: {  	s2 =	sld [smem:$0x3FC9]  }
0x91: {  	s19 =	sld [smem:$0x3FC8]  }
0x92: {  	s4 =	sld [smem:$0x3FC7]  }
0x93: {  	s5 =	sld [smem:$0x3FD0];
	(tm) =	ssettm $0x1  }
0x94: {  	s6 =	sld [smem:$0x3FFB];
	_ =	sdelay $0x3  }
0x95: {  	_ =	strace s6  }
0x96: {  	s6 =	sld [smem:$0x3FFC];
	_ =	sdelay $0x3  }
0x97: {  	_ =	strace s6  }
0x98: {  	s6 =	sld [smem:$0x3FFD];
	_ =	sdelay $0x3  }
0x99: {  	_ =	strace s6  }
0x9a: {  	_ =	strace $0x8FFFFFFF  }
0x9b: {  	s20 =	sld [smem:$0x3FDB];
	_ =	sdelay $0x1  }
0x9c: {  	s7 =	simm.s32 $_scs_section_size  }
0x9d: {  	s8 =	simm.s32 $_size__tile_overlayer_lowered;
	s9 =	simm.s32 $_tile_overlayer_lowered  }
0x9e: {  	s23 =	simm.s32 $0x1BFF;
	s22 =	sshll.u32 s9, $0x1;
	s6 =	sadd.s32 s7, s20  }
0x9f: {  	s10 =	simm.s32 $0x0;
	s21 =	sshll.u32 s8, $0x1;
	s8 =	sadd.s32 s22, s6  }
0xa0: {  	[timem:s10], [sflag:s23] =	dma.local [hbm:s8], s21  }
0xa1: {  	_ =	swait.ge [sflag:s23], s21  }
0xa2: {  	s7 =	ssub.s32 $0x0, s21;
	[sflag:s23] =	ssyncset.done $0x0  }
0xa3: {  	[sflag:s23] =	ssyncadd.s32 s7;
	_ =	sdelay $0x1  }
0xa4: {  	s24 =	simm.s32 $0x1B8B  }
0xa5: {  	_ =	swait.ge [sflag:s24], $0x1  }
0xa6: {  	[sflag:s24] =	ssyncset.done $0x0  }
0xa7: {  	s25 =	simm.s32 $0x1B8E;
	[sflag:s24] =	ssyncadd.s32 $0xFFFFFFFF  }
0xa8: {  	s26 =	simm.s32 $execute0_lowered;
	[smem:$0x3FD2] =	sst s25  }
0xa9: {  	s7 =	sshll.u32 s26, $0x1;
	_ =	strace $0x80000046;
	[dreg:$0x1] =	wrdreg $0xFFFFFFFF  }
0xaa: {  	s28 =	simm.s32 $_size_execute0_lowered;
	s6 =	sadd.s32 s6, s7;
	[dreg:$0x0] =	wrdreg $0x0  }
0xab: {  	s7 =	sshll.u32 s28, $0x1;
	[dreg:$0x2] =	wrdreg s6  }
0xac: {  	[dreg:$0x3] =	wrdreg s7  }
0xad: {  	[dreg:$0x4] =	wrdreg $0xC0  }
0xae: {  	_ =	task [dreg:s10], $0x5FFFF  }
0xaf: {  	[dreg:$0x1] =	wrdreg $0xFFFFFFFF  }
0xb0: {  	[dreg:$0x0] =	wrdreg $0x60  }
0xb1: {  	[dreg:$0x2] =	wrdreg s2  }
0xb2: {  	[dreg:$0x3] =	wrdreg s19  }
0xb3: {  	[dreg:$0x4] =	wrdreg s4  }
0xb4: {  	[dreg:$0x5] =	wrdreg s5  }
0xb5: {  	[dreg:$0x6] =	wrdreg $0x9  }
0xb6: {  	_ =	task.clear_ibuf [dreg:s10], $0x7FFFF;
	_ =	strace $0x90000046  }
0xb7: {  	s29 =	simm.s32 $0x9;
	_ =	strace $0x80000048  }
0xb8: {  	_ =	swait.ge [sflag:s29], $0x1  }
0xb9: {  	[sflag:s29] =	ssyncadd.s32 $0xFFFFFFFF  }
0xba: {  	_ =	strace $0x90000048  }
0xbb: {  	_ =	sfence  }
0xbc: {  	s30 =	sld [smem:$0x0];
	_ =	sdelay $0x2  }
0xbd: {  	s31 =	sshll.u32 s1, $0xD;
	s1 =	sshrl.u32 s1, $0x2  }
0xbe: {  	s3 =	sand.u32 $0x4000, s31;
	s1 =	sadd.s32 s1, s30  }
0xbf: {  	s0 =	sor.u32 s3, s0;
	s1 =	sshll.u32 s1, $0x11  }
0xc0: {  	s0 =	sor.u32 s1, s0  }
0xc1: {  	s0 =	sadd.s32 $0x8F2B, s0  }
0xc2: {  	[sflag:s0] =	ssyncadd.remote.s32 $0x1  }
0xc3: {  	_ =	sfence.sel $0xFFFF  }
0xc4: {  	[dreg:$0x0] =	wrdreg $0xFFFFFFFF;
	(pc) =	sbr.abs _section_cstart, $3  }
0xc5: {  	[dreg:$0x1] =	wrdreg $0xFFFFFFFF  }
0xc6: {  	_ =	task.clear_ibuf [dreg:s10], $0x2FFFF;
	_ =	strace $0x9FFFFFFF  }
0xc7: {  	(tm) =	ssettm $0x7FFFFFFF  }
tec
execute0_lowered:
.L_overlay_start_1:
0x0: {  	(tag) =	ssettag $0x1  }
0x1: {  	s4 =	rddreg [dreg:$0x0]  }
0x2: {  	s5 =	rddreg [dreg:$0x1]  }
0x3: {  	s1 =	rddreg [dreg:$0x2]  }
0x4: {  	s6 =	rddreg [dreg:$0x3]  }
0x5: {  	s0 =	rddreg [dreg:$0x4];
	s7 =	srdreg.scid  }
0x6: {  	s3 =	simm.s32 $0x0;
	s2 =	stileid.u32;
	s11 =	simm.s32 $0x5080  }
0x7: {  	s7 =	sand.u32 $0x1, s7;
	[smem:$0x7FF] =	sst s3;
	s9 =	sshll.u32 s2, $0x1  }
0x8: {  	s8 =	ssub.s32 $0x2, s7;
	_ =	strace $0x80000047;
	s9 =	sor.u32 s7, s9  }
0x9: {  	s10 =	sshrl.u32 s8, $0x1;
	s30 =	sshll.u32 s9, $0x8;
	s31 =	sshll.u32 s9, $0x1  }
0xa: {  	p0 =	seq.s32 s9, $0x0;
	s9 =	simm.s32 $0x4000;
	s29 =	ssub.s32 s8, s10  }
0xb: {  	s4 =	sadd.s32 s4, s30;
	s5 =	sadd.s32 s5, s30;
	s6 =	sadd.s32 s6, s31  }
0xc: {  	s8 =	simm.s32 $0x1;
	s10 =	simm.s32 $0x4880;
	s7 =	smax.u32 s29, $0x1  }
.LBB2_1:
0xd: {  	[tilespmem:s3], [sflag:$0x1] =	stream.linear.gather [hbm4b:s1+s3], $0x4000, $0x38;
	[tilespmem:$0x5100] =	vst v63  }
0xe: {  	_ =	swait.ge [sflag:s8], $0x4000  }
0xf: {  	[sflag:s8] =	ssyncset.done $0x0  }
0x10: {  	[sflag:s8] =	ssyncadd.s32 $0xFFFFC000  }
0x11: {  	[tilespmem:s9], [sflag:$0x1] =	stream.linear.gather [hbm4b:s4+s3], $0x880, $0x38;
	[tilespmem:$0x5100] =	vst v63  }
0x12: {  	_ =	swait.ge [sflag:s8], $0x880  }
0x13: {  	[sflag:s8] =	ssyncset.done $0x0  }
0x14: {  	[sflag:s8] =	ssyncadd.s32 $0xFFFFF780  }
0x15: {  	[tilespmem:s10], [sflag:$0x1] =	stream.linear.gather [hbm4b:s5+s3], $0x800, $0x38;
	[tilespmem:$0x5100] =	vst v63  }
0x16: {  	_ =	swait.ge [sflag:s8], $0x800  }
0x17: {  	[sflag:s8] =	ssyncset.done $0x0  }
0x18: {  	[sflag:s8] =	ssyncadd.s32 $0xFFFFF800  }
0x19: {  	v0 =	vld [tilespmem:$0x4000]  }
0x1a: {  	v1 =	vld [tilespmem:$0x4080]  }
0x1b: {  	v2 =	vld [tilespmem:$0x4010]  }
0x1c: {  	v3 =	vld [tilespmem:$0x4090]  }
0x1d: {  	v4 =	vld [tilespmem:$0x4020]  }
0x1e: {  	v5 =	vld [tilespmem:$0x40A0]  }
0x1f: {  	v6 =	vld [tilespmem:$0x4030]  }
0x20: {  	v7 =	vld [tilespmem:$0x40B0]  }
0x21: {  	v8 =	vld [tilespmem:$0x4040]  }
0x22: {  	v9 =	vld [tilespmem:$0x40C0]  }
0x23: {  	v10 =	vld [tilespmem:$0x4050]  }
0x24: {  	v11 =	vld [tilespmem:$0x40D0]  }
0x25: {  	v12 =	vld [tilespmem:$0x4060]  }
0x26: {  	v13 =	vld [tilespmem:$0x40E0]  }
0x27: {  	v50 =	vld [tilespmem:$0x4070]  }
0x28: {  	v51 =	vld [tilespmem:$0x40F0]  }
0x29: {  	v52 =	vld [tilespmem:$0x4100]  }
0x2a: {  	v53 =	vld [tilespmem:$0x4110]  }
0x2b: {  	v60 =	vld [tilespmem:$0x4120]  }
0x2c: {  	v61 =	vld [tilespmem:$0x4130]  }
0x2d: {  	v62 =	vld [tilespmem:$0x4140]  }
0x2e: {  	v14 =	vld [tilespmem:$0x4150]  }
0x2f: {  	v15 =	vld [tilespmem:$0x4160]  }
0x30: {  	v16 =	vld [tilespmem:$0x4170];
	v0 =	vshll.u32 v0, $0x7  }
0x31: {  	v17 =	vld [tilespmem:$0x4180];
	v0 =	vadd.s32 v0, v1  }
0x32: {  	v30 =	vld [tilespmem:$0x4190]  }
0x33: {  	v31 =	vld [tilespmem:$0x41A0]  }
0x34: {  	v32 =	vld [tilespmem:$0x41B0]  }
0x35: {  	v33 =	vld [tilespmem:$0x41C0];
	v10 =	vshll.u32 v10, $0x7  }
0x36: {  	v47 =	vadd.s32 v10, v11;
	v0 =	vld.idx.msk [tilespmem:v0+s3+$0x0], $0xffff  }
0x37: {  	v35 =	vld [tilespmem:$0x41D0]  }
0x38: {  	v37 =	vld [tilespmem:$0x41E0]  }
0x39: {  	v39 =	vld [tilespmem:$0x41F0];
	v2 =	vshll.u32 v2, $0x7  }
0x3a: {  	v41 =	vld [tilespmem:$0x4200];
	v4 =	vshll.u32 v4, $0x7;
	v2 =	vadd.s32 v2, v3  }
0x3b: {  	v6 =	vshll.u32 v6, $0x7;
	v4 =	vadd.s32 v4, v5;
	[tilespmem:$0x1FB10] =	vst v0;
	v0 =	vld.idx.msk [tilespmem:v47+s3+$0x0], $0xffff  }
0x3c: {  	v43 =	vld [tilespmem:$0x4210];
	v8 =	vshll.u32 v8, $0x7;
	v6 =	vadd.s32 v6, v7  }
0x3d: {  	v45 =	vld [tilespmem:$0x4220];
	v48 =	vshll.u32 v12, $0x7;
	v8 =	vadd.s32 v8, v9  }
0x3e: {  	v55 =	vld [tilespmem:$0x4230];
	v18 =	vshll.u32 v11, $0x7;
	v49 =	vadd.s32 v48, v13  }
0x3f: {  	v22 =	vshll.u32 v13, $0x7;
	v19 =	vadd.s32 v18, v14;
	v2 =	vld.idx.msk [tilespmem:v2+s3+$0x0], $0xffff  }
0x40: {  	v24 =	vadd.s32 v22, v15;
	v4 =	vld.idx.msk [tilespmem:v4+s3+$0x0], $0xffff;
	[tilespmem:$0x1FB70] =	vst v0;
	v0 =	vshll.u32 v50, $0x7  }
0x41: {  	v40 =	vshll.u32 v62, $0x7;
	v20 =	vld.idx.msk [tilespmem:v6+s3+$0x0], $0xffff;
	v0 =	vadd.s32 v0, v51  }
0x42: {  	v1 =	vshll.u32 v1, $0x7;
	v10 =	vadd.s32 v40, v33;
	v23 =	vld.idx.msk [tilespmem:v8+s3+$0x0], $0xffff  }
0x43: {  	v5 =	vshll.u32 v5, $0x7;
	v1 =	vadd.s32 v1, v52;
	v21 =	vld.idx.msk [tilespmem:v49+s3+$0x0], $0xffff  }
0x44: {  	v7 =	vshll.u32 v7, $0x7;
	v5 =	vadd.s32 v5, v60;
	v26 =	vld.idx.msk [tilespmem:v19+s3+$0x0], $0xffff  }
0x45: {  	v9 =	vshll.u32 v9, $0x7;
	v7 =	vadd.s32 v7, v61;
	v27 =	vld.idx.msk [tilespmem:v24+s3+$0x0], $0xffff  }
0x46: {  	v36 =	vshll.u32 v60, $0x7;
	v63 =	vadd.s32 v9, v62;
	v0 =	vld.idx.msk [tilespmem:v0+s3+$0x0], $0xffff  }
0x47: {  	v38 =	vshll.u32 v61, $0x7;
	v6 =	vadd.s32 v36, v31;
	v10 =	vld.idx.msk [tilespmem:v10+s3+$0x0], $0xffff  }
0x48: {  	v8 =	vadd.s32 v38, v32;
	v56 =	vld.idx.msk [tilespmem:v1+s3+$0x0], $0xffff;
	v1 =	vshll.u32 v31, $0x7  }
0x49: {  	v5 =	vld.idx.msk [tilespmem:v5+s3+$0x0], $0xffff;
	v1 =	vadd.s32 v1, v45;
	[tilespmem:$0x1FB30] =	vst v4;
	v4 =	vshll.u32 v52, $0x7  }
0x4a: {  	v25 =	vld.idx.msk [tilespmem:v7+s3+$0x0], $0xffff;
	[tilespmem:$0x1FB20] =	vst v2;
	v2 =	vshll.u32 v51, $0x7;
	v4 =	vadd.s32 v4, v17  }
0x4b: {  	v42 =	vshll.u32 v14, $0x7;
	v2 =	vadd.s32 v2, v16;
	[tilespmem:$0x1FBB0] =	vst v0;
	v0 =	vld.idx.msk [tilespmem:v63+s3+$0x0], $0xffff  }
0x4c: {  	v12 =	vadd.s32 v42, v35;
	[tilespmem:$0x1FB80] =	vst v26;
	v47 =	vshll.u32 v16, $0x7;
	v6 =	vld.idx.msk [tilespmem:v6+s3+$0x0], $0xffff  }
0x4d: {  	v49 =	vshll.u32 v17, $0x7;
	[tilespmem:$0x1FB90] =	vst v27;
	v8 =	vld.idx.msk [tilespmem:v8+s3+$0x0], $0xffff;
	v48 =	vadd.s32 v47, v39  }
0x4e: {  	v34 =	vshll.u32 v53, $0x7;
	[tilespmem:$0x1FBF0] =	vst v10;
	v54 =	vld.idx.msk [tilespmem:v1+s3+$0x0], $0xffff;
	v50 =	vadd.s32 v49, v41  }
0x4f: {  	v44 =	vshll.u32 v15, $0x7;
	[tilespmem:$0x1FB40] =	vst v5;
	v29 =	vld.idx.msk [tilespmem:v4+s3+$0x0], $0xffff;
	v4 =	vadd.s32 v34, v30  }
0x50: {  	v46 =	vadd.s32 v44, v37;
	v28 =	vld.idx.msk [tilespmem:v2+s3+$0x0], $0xffff;
	[tilespmem:$0x1FB60] =	vst v0;
	v0 =	vshll.u32 v30, $0x7  }
0x51: {  	[tilespmem:$0x1FB50] =	vst v25;
	v51 =	vld.idx.msk [tilespmem:v12+s3+$0x0], $0xffff;
	v0 =	vadd.s32 v0, v43  }
0x52: {  	v3 =	vshll.u32 v3, $0x7;
	[tilespmem:$0x1FBD0] =	vst v6;
	v52 =	vld.idx.msk [tilespmem:v48+s3+$0x0], $0xffff  }
0x53: {  	v3 =	vadd.s32 v3, v53;
	[tilespmem:$0x1FBE0] =	vst v8;
	v53 =	vld.idx.msk [tilespmem:v50+s3+$0x0], $0xffff  }
0x54: {  	[tilespmem:$0x1FC40] =	vst v54;
	v61 =	vld.idx.msk [tilespmem:v4+s3+$0x0], $0xffff  }
0x55: {  	[tilespmem:$0x1FBC0] =	vst v28;
	v4 =	vld.idx.msk [tilespmem:v46+s3+$0x0], $0xffff  }
0x56: {  	[tilespmem:$0x1FBA0] =	vst v29;
	v0 =	vld.idx.msk [tilespmem:v0+s3+$0x0], $0xffff  }
0x57: {  	v57 =	vld [tilespmem:$0x4240];
	[tilespmem:$0x1FC10] =	vst v51  }
0x58: {  	v58 =	vld [tilespmem:$0x4250];
	[tilespmem:$0x1FC50] =	vst v52  }
0x59: {  	v60 =	vld [tilespmem:$0x4260];
	[tilespmem:$0x1FC00] =	vst v53  }
0x5a: {  	v62 =	vld [tilespmem:$0x4270];
	[tilespmem:$0x1FC30] =	vst v4  }
0x5b: {  	v59 =	vld.idx.msk [tilespmem:v3+s3+$0x0], $0xffff;
	v2 =	vshll.u32 v32, $0x7;
	[tilespmem:$0x1FC20] =	vst v0  }
0x5c: {  	v3 =	vshll.u32 v33, $0x7;
	v2 =	vadd.s32 v2, v55;
	v10 =	vld [tilespmem:$0x4280]  }
0x5d: {  	v3 =	vadd.s32 v3, v57;
	v5 =	vshll.u32 v35, $0x7;
	v63 =	vld [tilespmem:$0x4290]  }
0x5e: {  	v7 =	vshll.u32 v37, $0x7;
	v5 =	vadd.s32 v5, v58;
	v22 =	vld [tilespmem:$0x42A0]  }
0x5f: {  	v9 =	vshll.u32 v39, $0x7;
	v7 =	vadd.s32 v7, v60;
	v24 =	vld [tilespmem:$0x42B0]  }
0x60: {  	v9 =	vadd.s32 v9, v62;
	v25 =	vld [tilespmem:$0x42C0]  }
0x61: {  	v2 =	vld.idx.msk [tilespmem:v2+s3+$0x0], $0xffff  }
0x62: {  	v3 =	vld.idx.msk [tilespmem:v3+s3+$0x0], $0xffff  }
0x63: {  	v5 =	vld.idx.msk [tilespmem:v5+s3+$0x0], $0xffff  }
0x64: {  	v7 =	vld.idx.msk [tilespmem:v7+s3+$0x0], $0xffff  }
0x65: {  	v31 =	vld.idx.msk [tilespmem:v9+s3+$0x0], $0xffff  }
0x66: {  	v35 =	vld [tilespmem:$0x42D0]  }
0x67: {  	v36 =	vld [tilespmem:$0x42E0]  }
0x68: {  	v37 =	vld [tilespmem:$0x42F0]  }
0x69: {  	v38 =	vld [tilespmem:$0x4300]  }
0x6a: {  	v39 =	vld [tilespmem:$0x4310]  }
0x6b: {  	v40 =	vld [tilespmem:$0x4320]  }
0x6c: {  	v11 =	vshll.u32 v41, $0x7;
	v41 =	vld [tilespmem:$0x4330]  }
0x6d: {  	v42 =	vld [tilespmem:$0x4340]  }
0x6e: {  	v27 =	vshll.u32 v43, $0x7;
	v43 =	vld [tilespmem:$0x4350]  }
0x6f: {  	v44 =	vld [tilespmem:$0x4360]  }
0x70: {  	v54 =	vld [tilespmem:$0x4370]  }
0x71: {  	v0 =	vshll.u32 v55, $0x7;
	v55 =	vld [tilespmem:$0x4380]  }
0x72: {  	v1 =	vshll.u32 v57, $0x7;
	v57 =	vld [tilespmem:$0x43C0]  }
0x73: {  	v4 =	vshll.u32 v58, $0x7;
	v58 =	vld [tilespmem:$0x43D0]  }
0x74: {  	v18 =	vld [tilespmem:$0x4400]  }
0x75: {  	v9 =	vld [tilespmem:$0x4500]  }
0x76: {  	v16 =	vld [tilespmem:$0x45B0]  }
0x77: {  	v29 =	vshll.u32 v45, $0x7;
	v17 =	vld [tilespmem:$0x4630]  }
0x78: {  	v26 =	vadd.s32 v11, v10;
	v1 =	vadd.s32 v1, v25;
	v48 =	vshll.u32 v25, $0x7;
	v25 =	vld [tilespmem:$0x43E0]  }
0x79: {  	v28 =	vadd.s32 v27, v63;
	v12 =	vshll.u32 v63, $0x7;
	v46 =	vshll.u32 v24, $0x7;
	v63 =	vld [tilespmem:$0x43F0]  }
0x7a: {  	v30 =	vadd.s32 v29, v22;
	v0 =	vadd.s32 v0, v24;
	v47 =	vadd.s32 v46, v41;
	v46 =	vld [tilespmem:$0x43A0]  }
0x7b: {  	[tilespmem:$0x1FC80] =	vst v5;
	v14 =	vshll.u32 v22, $0x7;
	v5 =	vshll.u32 v39, $0x7;
	v12 =	vadd.s32 v12, v39;
	v39 =	vld [tilespmem:$0x44B0]  }
0x7c: {  	v24 =	vshll.u32 v40, $0x7;
	v45 =	vadd.s32 v14, v40;
	v40 =	vld [tilespmem:$0x44C0]  }
0x7d: {  	v6 =	vshll.u32 v60, $0x7;
	[tilespmem:$0x1FC60] =	vst v2;
	v4 =	vadd.s32 v4, v35;
	v2 =	vld.idx.msk [tilespmem:v26+s3+$0x0], $0xffff  }
0x7e: {  	v8 =	vshll.u32 v62, $0x7;
	v6 =	vadd.s32 v6, v36;
	v32 =	vld.idx.msk [tilespmem:v28+s3+$0x0], $0xffff  }
0x7f: {  	v8 =	vadd.s32 v8, v37;
	v33 =	vld.idx.msk [tilespmem:v30+s3+$0x0], $0xffff  }
0x80: {  	v0 =	vld.idx.msk [tilespmem:v0+s3+$0x0], $0xffff  }
0x81: {  	v34 =	vld.idx.msk [tilespmem:v1+s3+$0x0], $0xffff  }
0x82: {  	v10 =	vshll.u32 v10, $0x7;
	v4 =	vld.idx.msk [tilespmem:v4+s3+$0x0], $0xffff  }
0x83: {  	v10 =	vadd.s32 v10, v38;
	v6 =	vld.idx.msk [tilespmem:v6+s3+$0x0], $0xffff  }
0x84: {  	v8 =	vld.idx.msk [tilespmem:v8+s3+$0x0], $0xffff  }
0x85: {  	v29 =	vshll.u32 v43, $0x7;
	v1 =	vshll.u32 v36, $0x7;
	v36 =	vld [tilespmem:$0x4410]  }
0x86: {  	[tilespmem:$0x1FD20] =	vst v31;
	v31 =	vshll.u32 v44, $0x7;
	v49 =	vadd.s32 v48, v42;
	v30 =	vadd.s32 v29, v58;
	v29 =	vld [tilespmem:$0x4450]  }
0x87: {  	[tilespmem:$0x1FC90] =	vst v7;
	v11 =	vadd.s32 v31, v25;
	v7 =	vshll.u32 v25, $0x7;
	v25 =	vld [tilespmem:$0x4510]  }
0x88: {  	v10 =	vld.idx.msk [tilespmem:v10+s3+$0x0], $0xffff  }
0x89: {  	v50 =	vld.idx.msk [tilespmem:v12+s3+$0x0], $0xffff  }
0x8a: {  	v51 =	vld.idx.msk [tilespmem:v47+s3+$0x0], $0xffff  }
0x8b: {  	[tilespmem:$0x1FC70] =	vst v3;
	v3 =	vshll.u32 v38, $0x7;
	v52 =	vld.idx.msk [tilespmem:v49+s3+$0x0], $0xffff  }
0x8c: {  	v3 =	vadd.s32 v3, v55;
	v47 =	vld [tilespmem:$0x43B0]  }
0x8d: {  	v1 =	vadd.s32 v1, v44;
	v44 =	vld [tilespmem:$0x4460]  }
0x8e: {  	v60 =	vadd.s32 v24, v46;
	v24 =	vld [tilespmem:$0x44A0]  }
0x8f: {  	[tilespmem:$0x1FD40] =	vst v4;
	v4 =	vld.idx.msk [tilespmem:v45+s3+$0x0], $0xffff  }
0x90: {  	v45 =	vld [tilespmem:$0x4390]  }
0x91: {  	[tilespmem:$0x1FCF0] =	vst v0;
	v0 =	vshll.u32 v35, $0x7;
	v35 =	vld.idx.msk [tilespmem:v3+s3+$0x0], $0xffff  }
0x92: {  	[tilespmem:$0x1FCB0] =	vst v32;
	v32 =	vld.idx.msk [tilespmem:v30+s3+$0x0], $0xffff  }
0x93: {  	v27 =	vshll.u32 v42, $0x7;
	[tilespmem:$0x1FCD0] =	vst v33;
	v33 =	vld.idx.msk [tilespmem:v11+s3+$0x0], $0xffff  }
0x94: {  	v28 =	vadd.s32 v27, v57;
	[tilespmem:$0x1FCA0] =	vst v2;
	v2 =	vshll.u32 v37, $0x7;
	v37 =	vld [tilespmem:$0x4420]  }
0x95: {  	[tilespmem:$0x1FD60] =	vst v6;
	v6 =	vshll.u32 v46, $0x7;
	v46 =	vshll.u32 v57, $0x7;
	v57 =	vshll.u32 v58, $0x7;
	v58 =	vld [tilespmem:$0x4490]  }
0x96: {  	v53 =	vld.idx.msk [tilespmem:v1+s3+$0x0], $0xffff  }
0x97: {  	v62 =	vshll.u32 v41, $0x7;
	v0 =	vadd.s32 v0, v43;
	v42 =	vld.idx.msk [tilespmem:v60+s3+$0x0], $0xffff  }
0x98: {  	[tilespmem:$0x1FCC0] =	vst v10;
	v2 =	vadd.s32 v2, v54;
	v26 =	vadd.s32 v62, v47;
	v10 =	vshll.u32 v47, $0x7;
	v47 =	vld [tilespmem:$0x4480]  }
0x99: {  	[tilespmem:$0x1FD30] =	vst v51;
	v51 =	vld [tilespmem:$0x4580]  }
0x9a: {  	v1 =	vshll.u32 v55, $0x7;
	[tilespmem:$0x1FD00] =	vst v4;
	v22 =	vadd.s32 v5, v45;
	v4 =	vshll.u32 v45, $0x7;
	v45 =	vld [tilespmem:$0x4470]  }
0x9b: {  	v1 =	vadd.s32 v1, v18;
	[tilespmem:$0x1FDD0] =	vst v33;
	v33 =	vshll.u32 v18, $0x7;
	v18 =	vld [tilespmem:$0x4520]  }
0x9c: {  	v0 =	vld.idx.msk [tilespmem:v0+s3+$0x0], $0xffff  }
0x9d: {  	v6 =	vadd.s32 v6, v37;
	v2 =	vld.idx.msk [tilespmem:v2+s3+$0x0], $0xffff  }
0x9e: {  	v49 =	vld.idx.msk [tilespmem:v26+s3+$0x0], $0xffff  }
0x9f: {  	v30 =	vadd.s32 v7, v44;
	v7 =	vadd.s32 v33, v47;
	v14 =	vshll.u32 v47, $0x7;
	v47 =	vld [tilespmem:$0x4560]  }
0xa0: {  	[tilespmem:$0x1FD10] =	vst v34;
	v34 =	vld.idx.msk [tilespmem:v1+s3+$0x0], $0xffff  }
0xa1: {  	v38 =	vld.idx.msk [tilespmem:v22+s3+$0x0], $0xffff  }
0xa2: {  	v48 =	vld.idx.msk [tilespmem:v6+s3+$0x0], $0xffff  }
0xa3: {  	v31 =	vshll.u32 v63, $0x7;
	v4 =	vadd.s32 v4, v36;
	v6 =	vld [tilespmem:$0x44E0]  }
0xa4: {  	[tilespmem:$0x1FDA0] =	vst v32;
	v32 =	vadd.s32 v31, v45;
	v31 =	vadd.s32 v14, v9;
	v14 =	vld [tilespmem:$0x4660]  }
0xa5: {  	[tilespmem:$0x1FD70] =	vst v0;
	v0 =	vshll.u32 v54, $0x7;
	v54 =	vld.idx.msk [tilespmem:v28+s3+$0x0], $0xffff  }
0xa6: {  	[tilespmem:$0x1FDC0] =	vst v2;
	v2 =	vld [tilespmem:$0x4430]  }
0xa7: {  	v1 =	vshll.u32 v37, $0x7;
	v28 =	vld [tilespmem:$0x4440]  }
0xa8: {  	v1 =	vadd.s32 v1, v24;
	v41 =	vld.idx.msk [tilespmem:v4+s3+$0x0], $0xffff  }
0xa9: {  	v22 =	vadd.s32 v57, v29;
	v4 =	vld.idx.msk [tilespmem:v30+s3+$0x0], $0xffff  }
0xaa: {  	v55 =	vld.idx.msk [tilespmem:v7+s3+$0x0], $0xffff  }
0xab: {  	v7 =	vld [tilespmem:$0x44F0]  }
0xac: {  	v0 =	vadd.s32 v0, v63;
	v63 =	vld [tilespmem:$0x4530]  }
0xad: {  	v15 =	vshll.u32 v44, $0x7;
	[tilespmem:$0x1FD90] =	vst v53;
	v37 =	vld.idx.msk [tilespmem:v1+s3+$0x0], $0xffff  }
0xae: {  	[tilespmem:$0x1FDB0] =	vst v34;
	v34 =	vld.idx.msk [tilespmem:v22+s3+$0x0], $0xffff;
	v53 =	vadd.s32 v15, v6  }
0xaf: {  	v22 =	vshll.u32 v29, $0x7;
	v29 =	vld [tilespmem:$0x4540]  }
0xb0: {  	[tilespmem:$0x1FE00] =	vst v4;
	v4 =	vld [tilespmem:$0x44D0]  }
0xb1: {  	v10 =	vadd.s32 v10, v2;
	v19 =	vadd.s32 v46, v28;
	v46 =	vld [tilespmem:$0x4550]  }
0xb2: {  	v0 =	vld.idx.msk [tilespmem:v0+s3+$0x0], $0xffff  }
0xb3: {  	[tilespmem:$0x1FE20] =	vst v37;
	v37 =	vld.idx.msk [tilespmem:v53+s3+$0x0], $0xffff  }
0xb4: {  	v53 =	vld [tilespmem:$0x4590]  }
0xb5: {  	v2 =	vshll.u32 v2, $0x7;
	[tilespmem:$0x1FDF0] =	vst v34;
	v34 =	vshll.u32 v24, $0x7;
	v24 =	vld [tilespmem:$0x45D0]  }
0xb6: {  	[tilespmem:$0x1FD50] =	vst v52;
	v3 =	vshll.u32 v28, $0x7;
	v2 =	vadd.s32 v2, v39;
	v52 =	vld.idx.msk [tilespmem:v10+s3+$0x0], $0xffff  }
0xb7: {  	v3 =	vadd.s32 v3, v40;
	v62 =	vld.idx.msk [tilespmem:v19+s3+$0x0], $0xffff  }
0xb8: {  	v6 =	vshll.u32 v6, $0x7;
	v19 =	vld [tilespmem:$0x45C0]  }
0xb9: {  	v6 =	vadd.s32 v6, v47;
	v10 =	vadd.s32 v22, v4;
	v22 =	vld [tilespmem:$0x46A0]  }
0xba: {  	[tilespmem:$0x1FDE0] =	vst v0;
	v0 =	vshll.u32 v36, $0x7;
	v36 =	vld.idx.msk [tilespmem:v32+s3+$0x0], $0xffff  }
0xbb: {  	v44 =	vld.idx.msk [tilespmem:v2+s3+$0x0], $0xffff  }
0xbc: {  	[tilespmem:$0x1FCE0] =	vst v50;
	v50 =	vld.idx.msk [tilespmem:v3+s3+$0x0], $0xffff  }
0xbd: {  	v1 =	vshll.u32 v40, $0x7;
	v2 =	vld.idx.msk [tilespmem:v31+s3+$0x0], $0xffff  }
0xbe: {  	v1 =	vadd.s32 v1, v29;
	v31 =	vld.idx.msk [tilespmem:v6+s3+$0x0], $0xffff  }
0xbf: {  	v6 =	vld [tilespmem:$0x46D0]  }
0xc0: {  	v32 =	vshll.u32 v58, $0x7;
	v0 =	vadd.s32 v0, v58;
	v58 =	vld [tilespmem:$0x45A0]  }
0xc1: {  	v13 =	vshll.u32 v25, $0x7;
	v30 =	vshll.u32 v63, $0x7;
	v33 =	vadd.s32 v32, v25;
	v25 =	vld [tilespmem:$0x4730]  }
0xc2: {  	v4 =	vshll.u32 v4, $0x7;
	v32 =	vadd.s32 v30, v16;
	v30 =	vld [tilespmem:$0x4770]  }
0xc3: {  	v60 =	vshll.u32 v45, $0x7;
	v4 =	vadd.s32 v4, v46;
	v45 =	vld.idx.msk [tilespmem:v1+s3+$0x0], $0xffff  }
0xc4: {  	v57 =	vld.idx.msk [tilespmem:v10+s3+$0x0], $0xffff  }
0xc5: {  	v10 =	vld [tilespmem:$0x4700]  }
0xc6: {  	[tilespmem:$0x1FE50] =	vst v2;
	v2 =	vld [tilespmem:$0x4570]  }
0xc7: {  	v27 =	vshll.u32 v18, $0x7;
	[tilespmem:$0x1FE30] =	vst v36;
	v36 =	vadd.s32 v34, v18;
	v18 =	vld [tilespmem:$0x45E0]  }
0xc8: {  	v4 =	vld.idx.msk [tilespmem:v4+s3+$0x0], $0xffff  }
0xc9: {  	[tilespmem:$0x1FEE0] =	vst v31;
	v31 =	vld [tilespmem:$0x4640]  }
0xca: {  	v0 =	vld.idx.msk [tilespmem:v0+s3+$0x0], $0xffff  }
0xcb: {  	v40 =	vld.idx.msk [tilespmem:v33+s3+$0x0], $0xffff  }
0xcc: {  	[tilespmem:$0x1FE40] =	vst v37;
	v37 =	vld.idx.msk [tilespmem:v32+s3+$0x0], $0xffff  }
0xcd: {  	v32 =	vld [tilespmem:$0x4650]  }
0xce: {  	v28 =	vadd.s32 v27, v58;
	v27 =	vld [tilespmem:$0x4720]  }
0xcf: {  	v26 =	vadd.s32 v60, v7;
	v33 =	vshll.u32 v29, $0x7;
	v29 =	vld [tilespmem:$0x4760]  }
0xd0: {  	[tilespmem:$0x1FEA0] =	vst v45;
	v45 =	vld [tilespmem:$0x45F0]  }
0xd1: {  	v9 =	vshll.u32 v9, $0x7;
	v7 =	vshll.u32 v7, $0x7;
	v43 =	vld.idx.msk [tilespmem:v36+s3+$0x0], $0xffff  }
0xd2: {  	v11 =	vshll.u32 v19, $0x7;
	v7 =	vadd.s32 v7, v2;
	v36 =	vadd.s32 v33, v19;
	v19 =	vld [tilespmem:$0x4680]  }
0xd3: {  	v9 =	vadd.s32 v9, v51;
	v1 =	vshll.u32 v47, $0x7;
	[tilespmem:$0x1FEC0] =	vst v4;
	v4 =	vld [tilespmem:$0x46C0]  }
0xd4: {  	v1 =	vadd.s32 v1, v18;
	[tilespmem:$0x1FE10] =	vst v0;
	v0 =	vshll.u32 v39, $0x7;
	v39 =	vld.idx.msk [tilespmem:v26+s3+$0x0], $0xffff  }
0xd5: {  	v60 =	vld.idx.msk [tilespmem:v28+s3+$0x0], $0xffff  }
0xd6: {  	v28 =	vld [tilespmem:$0x4780]  }
0xd7: {  	v26 =	vadd.s32 v13, v53;
	v34 =	vld.idx.msk [tilespmem:v7+s3+$0x0], $0xffff  }
0xd8: {  	[tilespmem:$0x1FE70] =	vst v43;
	v43 =	vld.idx.msk [tilespmem:v9+s3+$0x0], $0xffff  }
0xd9: {  	[tilespmem:$0x1FE60] =	vst v40;
	v40 =	vld.idx.msk [tilespmem:v1+s3+$0x0], $0xffff  }
0xda: {  	v2 =	vshll.u32 v2, $0x7;
	v0 =	vadd.s32 v0, v63;
	v7 =	vld [tilespmem:$0x4610]  }
0xdb: {  	v2 =	vadd.s32 v2, v45;
	v9 =	vld [tilespmem:$0x4620]  }
0xdc: {  	v47 =	vld.idx.msk [tilespmem:v26+s3+$0x0], $0xffff  }
0xdd: {  	v12 =	vadd.s32 v11, v31;
	[tilespmem:$0x1FE80] =	vst v39;
	v39 =	vld.idx.msk [tilespmem:v36+s3+$0x0], $0xffff  }
0xde: {  	v26 =	vld [tilespmem:$0x4710]  }
0xdf: {  	v0 =	vld.idx.msk [tilespmem:v0+s3+$0x0], $0xffff  }
0xe0: {  	v2 =	vld.idx.msk [tilespmem:v2+s3+$0x0], $0xffff  }
0xe1: {  	v58 =	vshll.u32 v58, $0x7;
	[tilespmem:$0x1FF00] =	vst v34;
	v34 =	vld [tilespmem:$0x4670]  }
0xe2: {  	v3 =	vshll.u32 v51, $0x7;
	v51 =	vshll.u32 v53, $0x7;
	v63 =	vadd.s32 v58, v9;
	v58 =	vld.idx.msk [tilespmem:v12+s3+$0x0], $0xffff  }
0xe3: {  	[tilespmem:$0x1FF10] =	vst v40;
	v53 =	vadd.s32 v51, v7;
	v40 =	vshll.u32 v7, $0x7;
	v7 =	vld [tilespmem:$0x46E0]  }
0xe4: {  	[tilespmem:$0x1FE90] =	vst v0;
	v0 =	vshll.u32 v46, $0x7;
	v46 =	vld [tilespmem:$0x4600]  }
0xe5: {  	v51 =	vshll.u32 v9, $0x7;
	v9 =	vld [tilespmem:$0x46F0];
	v0 =	vadd.s32 v0, v24;
	v24 =	vshll.u32 v24, $0x7  }
0xe6: {  	[tilespmem:$0x1FD80] =	vst v8;
	v8 =	vshll.u32 v16, $0x7;
	v5 =	vshll.u32 v32, $0x7;
	v13 =	vadd.s32 v24, v32;
	v24 =	vld [tilespmem:$0x48A0]  }
0xe7: {  	v16 =	vadd.s32 v8, v17;
	v18 =	vshll.u32 v18, $0x7;
	v32 =	vadd.s32 v5, v6;
	v5 =	vld [tilespmem:$0x4990]  }
0xe8: {  	v18 =	vadd.s32 v18, v14;
	v36 =	vld.idx.msk [tilespmem:v53+s3+$0x0], $0xffff  }
0xe9: {  	[tilespmem:$0x1FED0] =	vst v39;
	v39 =	vld.idx.msk [tilespmem:v63+s3+$0x0], $0xffff;
	v11 =	vshll.u32 v34, $0x7;
	v1 =	vshll.u32 v46, $0x7  }
0xea: {  	v12 =	vadd.s32 v11, v9;
	v11 =	vld [tilespmem:$0x48C0];
	v1 =	vadd.s32 v1, v19  }
0xeb: {  	v0 =	vld.idx.msk [tilespmem:v0+s3+$0x0], $0xffff  }
0xec: {  	v63 =	vshll.u32 v31, $0x7;
	v3 =	vadd.s32 v3, v46;
	v46 =	vld.idx.msk [tilespmem:v16+s3+$0x0], $0xffff  }
0xed: {  	v31 =	vadd.s32 v63, v4;
	v16 =	vld.idx.msk [tilespmem:v18+s3+$0x0], $0xffff  }
0xee: {  	v15 =	vld.idx.msk [tilespmem:v13+s3+$0x0], $0xffff  }
0xef: {  	v18 =	vld.idx.msk [tilespmem:v1+s3+$0x0], $0xffff  }
0xf0: {  	v13 =	vld.idx.msk [tilespmem:v32+s3+$0x0], $0xffff;
	[tilespmem:$0x1FEF0] =	vst v0;
	v0 =	vshll.u32 v45, $0x7  }
0xf1: {  	v32 =	vld [tilespmem:$0x48F0];
	v0 =	vadd.s32 v0, v34  }
0xf2: {  	v63 =	vld.idx.msk [tilespmem:v31+s3+$0x0], $0xffff  }
0xf3: {  	[tilespmem:$0x1FEB0] =	vst v37;
	v31 =	vld [tilespmem:$0x4750]  }
0xf4: {  	v14 =	vshll.u32 v14, $0x7;
	v37 =	vadd.s32 v51, v22;
	[tilespmem:$0x1FF40] =	vst v18;
	v18 =	vld [tilespmem:$0x46B0]  }
0xf5: {  	v14 =	vadd.s32 v14, v7;
	v33 =	vld.idx.msk [tilespmem:v3+s3+$0x0], $0xffff  }
0xf6: {  	v0 =	vld.idx.msk [tilespmem:v0+s3+$0x0], $0xffff  }
0xf7: {  	[tilespmem:$0x1FF50] =	vst v16;
	v16 =	vld.idx.msk [tilespmem:v12+s3+$0x0], $0xffff  }
0xf8: {  	v53 =	vshll.u32 v17, $0x7;
	v3 =	vshll.u32 v22, $0x7;
	v22 =	vld [tilespmem:$0x4890]  }
0xf9: {  	v19 =	vshll.u32 v19, $0x7;
	v34 =	vld.idx.msk [tilespmem:v37+s3+$0x0], $0xffff;
	v53 =	vadd.s32 v53, v18  }
0xfa: {  	v19 =	vadd.s32 v19, v10;
	[tilespmem:$0x1FF30] =	vst v15;
	v15 =	vld.idx.msk [tilespmem:v14+s3+$0x0], $0xffff  }
0xfb: {  	[tilespmem:$0x1FF60] =	vst v0;
	v0 =	vld [tilespmem:$0x4690]  }
0xfc: {  	v37 =	vld [tilespmem:$0x4740]  }
0xfd: {  	v3 =	vadd.s32 v3, v27;
	v14 =	vld [tilespmem:$0x4920]  }
0xfe: {  	v51 =	vld.idx.msk [tilespmem:v53+s3+$0x0], $0xffff  }
0xff: {  	v53 =	vld.idx.msk [tilespmem:v19+s3+$0x0], $0xffff  }
0x100: {  	v19 =	vld [tilespmem:$0x4880];
	v45 =	vadd.s32 v40, v0  }
0x101: {  	[tilespmem:$0x1FFD0] =	vst v16;
	v16 =	vld [tilespmem:$0x48D0]  }
0x102: {  	v4 =	vshll.u32 v4, $0x7;
	v17 =	vld.idx.msk [tilespmem:v3+s3+$0x0], $0xffff  }
0x103: {  	[tilespmem:$0x1FFB0] =	vst v15;
	v12 =	vadd.s32 v4, v37;
	v15 =	vshll.u32 v6, $0x7;
	v6 =	vld [tilespmem:$0x49B0];
	v0 =	vshll.u32 v0, $0x7  }
0x104: {  	v4 =	vld [tilespmem:$0x4A10];
	v0 =	vadd.s32 v0, v26  }
0x105: {  	v18 =	vshll.u32 v18, $0x7;
	v3 =	vadd.f32 $0.0e+00, v19;
	v40 =	vld.idx.msk [tilespmem:v45+s3+$0x0], $0xffff  }
0x106: {  	v18 =	vadd.s32 v18, v25;
	v45 =	vld [tilespmem:$0x48B0]  }
0x107: {  	[tilespmem:$0x1FF80] =	vst v17;
	v17 =	vshll.u32 v7, $0x7;
	v7 =	vld [tilespmem:$0x4960];
	v3 =	vadd.f32 v22, v3  }
0x108: {  	[tilespmem:$0x1FF20] =	vst v2;
	v2 =	vld.idx.msk [tilespmem:v12+s3+$0x0], $0xffff  }
0x109: {  	[tilespmem:$0x1FF90] =	vst v13;
	v0 =	vld.idx.msk [tilespmem:v0+s3+$0x0], $0xffff;
	v13 =	vadd.f32 v24, v3  }
0x10a: {  	v19 =	vld [tilespmem:$0x48E0]  }
0x10b: {  	v1 =	vadd.f32 v45, v13;
	v45 =	vld.idx.msk [tilespmem:v18+s3+$0x0], $0xffff  }
0x10c: {  	v3 =	vadd.s32 v15, v31;
	v13 =	vld [tilespmem:$0x4910]  }
0x10d: {  	v18 =	vshll.u32 v9, $0x7;
	v9 =	vld [tilespmem:$0x4980]  }
0x10e: {  	[tilespmem:$0x1FF70] =	vst v0;
	v0 =	vadd.s32 v17, v29;
	v17 =	vld [tilespmem:$0x4940]  }
0x10f: {  	v22 =	vadd.s32 v18, v30;
	v18 =	vld [tilespmem:$0x4950]  }
0x110: {  	v1 =	vadd.f32 v11, v1;
	v11 =	vld [tilespmem:$0x4900]  }
0x111: {  	v3 =	vld.idx.msk [tilespmem:v3+s3+$0x0], $0xffff  }
0x112: {  	v1 =	vadd.f32 v16, v1;
	v16 =	vld [tilespmem:$0x4930]  }
0x113: {  	v0 =	vld.idx.msk [tilespmem:v0+s3+$0x0], $0xffff  }
0x114: {  	v12 =	vld.idx.msk [tilespmem:v22+s3+$0x0], $0xffff  }
0x115: {  	v22 =	vld [tilespmem:$0x1FB10]  }
0x116: {  	v24 =	vshll.u32 v10, $0x7;
	v9 =	vadd.f32 $0.0e+00, v9;
	v10 =	vadd.f32 v19, v1;
	v1 =	vld [tilespmem:$0x4A00]  }
0x117: {  	v8 =	vadd.s32 v24, v28;
	v15 =	vadd.f32 $0.0e+00, v11;
	v11 =	vld [tilespmem:$0x49C0]  }
0x118: {  	v5 =	vadd.f32 v5, v9;
	v9 =	vld [tilespmem:$0x4AC0]  }
0x119: {  	[tilespmem:$0x1FFC0] =	vst v3;
	v3 =	vld [tilespmem:$0x4A80]  }
0x11a: {  	[tilespmem:$0x1FFA0] =	vst v2;
	v2 =	vadd.f32 v13, v15;
	v13 =	vld [tilespmem:$0x49D0]  }
0x11b: {  	v15 =	vld [tilespmem:$0x1FB80]  }
0x11c: {  	[tilespmem:$0x1FFE0] =	vst v0;
	v0 =	vadd.f32 v32, v10;
	v32 =	vld.idx.msk [tilespmem:v8+s3+$0x0], $0xffff  }
0x11d: {  	v10 =	vld [tilespmem:$0x49A0]  }
0x11e: {  	v24 =	vadd.f32 $0.0e+00, v22;
	v22 =	vld [tilespmem:$0x1FB40]  }
0x11f: {  	v8 =	vld [tilespmem:$0x1FB60];
	(xrf2) =	vadd.scan.msk.f32 $0xffff, v0;
	v0 =	vadd.f32 v14, v2  }
0x120: {  	[tilespmem:$0x1FFF0] =	vst v12;
	v12 =	vld [tilespmem:$0x1FB70];
	v1 =	vadd.f32 $0.0e+00, v1  }
0x121: {  	v2 =	vld [tilespmem:$0x4970];
	v0 =	vadd.f32 v16, v0  }
0x122: {  	v1 =	vadd.f32 v4, v1;
	v4 =	vld [tilespmem:$0x4B50];
	v5 =	vadd.f32 v10, v5  }
0x123: {  	v16 =	vadd.f32 $0.0e+00, v56;
	v56 =	vld [tilespmem:$0x49F0];
	v0 =	vadd.f32 v17, v0  }
0x124: {  	v17 =	vld [tilespmem:$0x49E0];
	v5 =	vadd.f32 v6, v5  }
0x125: {  	v0 =	vadd.f32 v18, v0;
	v18 =	vld [tilespmem:$0x1FB20]  }
0x126: {  	v5 =	vadd.f32 v11, v5;
	v11 =	vld [tilespmem:$0x1FBF0]  }
0x127: {  	v0 =	vadd.f32 v7, v0;
	v7 =	vadd.f32 v59, v16;
	v59 =	vld [tilespmem:$0x4A20]  }
0x128: {  	v16 =	vld [tilespmem:$0x4A30]  }
0x129: {  	v5 =	vadd.f32 v13, v5;
	v13 =	vld [tilespmem:$0x1FC00]  }
0x12a: {  	v7 =	vadd.f32 v22, v7;
	v22 =	vld [tilespmem:$0x4A60]  }
0x12b: {  	v19, _, _ =	vpop (xrf2);
	v0 =	vadd.f32 v2, v0;
	v2 =	vld [tilespmem:$0x4B40]  }
0x12c: {  	(v2sf) =	vpush v19, $0xF;
	v19 =	vld [tilespmem:$0x1FB30]  }
0x12d: {  	v14 =	vadd.f32 v18, v24;
	v24 =	vld [tilespmem:$0x1FB50]  }
0x12e: {  	v18 =	vld [tilespmem:$0x1FB90]  }
0x12f: {  	v5 =	vadd.f32 v17, v5;
	v17 =	vld [tilespmem:$0x1FC20]  }
0x130: {  	v1 =	vadd.f32 v59, v1;
	v59 =	vld [tilespmem:$0x4B70]  }
0x131: {  	v5 =	vadd.f32 v56, v5;
	v56 =	vld [tilespmem:$0x1FC40]  }
0x132: {  	(xrf2) =	vadd.scan.msk.f32 $0xffff, v0;
	v1 =	vadd.f32 v16, v1;
	v16 =	vld [tilespmem:$0x4B90];
	v14 =	vadd.f32 v19, v14  }
0x133: {  	(xrf2) =	vadd.scan.msk.f32 $0xffff, v5;
	v5 =	vld [tilespmem:$0x4C30]  }
0x134: {  	v13 =	vadd.f32 $0.0e+00, v13;
	v19 =	vld [tilespmem:$0x4A40];
	v14 =	vadd.f32 v20, v14  }
0x135: {  	v7 =	vadd.f32 v24, v7;
	v24 =	vld [tilespmem:$0x1FBB0]  }
0x136: {  	v13 =	vadd.f32 v17, v13;
	v17 =	vld [tilespmem:$0x4B60];
	v14 =	vadd.f32 v23, v14  }
0x137: {  	v20 =	vld [tilespmem:$0x4A50];
	v7 =	vadd.f32 v8, v7  }
0x138: {  	v8 =	vld [tilespmem:$0x4A90];
	v14 =	vadd.f32 v12, v14  }
0x139: {  	v13 =	vadd.f32 v56, v13;
	v56 =	vld [tilespmem:$0x4B80];
	v7 =	vadd.f32 v15, v7  }
0x13a: {  	v14 =	vadd.f32 v21, v14;
	v21 =	vld [tilespmem:$0x1FBA0]  }
0x13b: {  	v7 =	vadd.f32 v18, v7;
	v18 =	vld [tilespmem:$0x1FBC0]  }
0x13c: {  	v23 =	vld [tilespmem:$0x4A70]  }
0x13d: {  	v15 =	vld [tilespmem:$0x4AB0]  }
0x13e: {  	v1 =	vadd.f32 v19, v1;
	v19 =	vld [tilespmem:$0x1FC70]  }
0x13f: {  	v3 =	vadd.f32 $0.0e+00, v3;
	v12 =	vld [tilespmem:$0x4AA0];
	v0 =	vadd.f32 $0.0e+00, v21;
	v21, _, _ =	vpop (xrf2)  }
0x140: {  	v14 =	vadd.f32 v24, v14;
	v7 =	vadd.f32 v18, v7;
	v24 =	vbroadcast v21, $0xF;
	v21 =	vld [tilespmem:$0x1FBD0]  }
0x141: {  	v3 =	vadd.f32 v8, v3;
	v8 =	vld [tilespmem:$0x4BB0];
	s12 =	spop (v2sf)  }
0x142: {  	v1 =	vadd.f32 v20, v1;
	v56 =	vadd.f32 $0.0e+00, v56;
	s12 =	simm.s32 @p0 $0x0;
	v7 =	vmul.f32 v24, v7;
	v24 =	vld [tilespmem:$0x1FBE0]  }
0x143: {  	v20 =	vld [tilespmem:$0x1FC80];
	v10 =	vmul.f32 s12, v14;
	v0 =	vadd.f32 v61, v0  }
0x144: {  	v1 =	vadd.f32 v22, v1;
	v22 =	vadd.f32 v16, v56;
	v56 =	vld [tilespmem:$0x1FC90]  }
0x145: {  	v16 =	vld [tilespmem:$0x4C80];
	v6 =	vadd.f32 $0.0e+00, v10;
	v0 =	vadd.f32 v21, v0  }
0x146: {  	v18 =	vld [tilespmem:$0x4AD0]  }
0x147: {  	v0 =	vadd.f32 v24, v0;
	v24 =	vadd.f32 v7, v6;
	v6 =	vld [tilespmem:$0x1FC10]  }
0x148: {  	v3 =	vadd.f32 v12, v3;
	v12 =	vld [tilespmem:$0x4BD0]  }
0x149: {  	v1 =	vadd.f32 v23, v1;
	v23 =	vld [tilespmem:$0x1FCB0]  }
0x14a: {  	v14 =	vld [tilespmem:$0x4B10];
	v0 =	vadd.f32 v11, v0  }
0x14b: {  	v3 =	vadd.f32 v15, v3;
	v15 =	vld [tilespmem:$0x4C70]  }
0x14c: {  	v0 =	vadd.f32 v6, v0;
	v6 =	vld [tilespmem:$0x1FC30]  }
0x14d: {  	v10 =	vld [tilespmem:$0x4B00]  }
0x14e: {  	v61 =	vld [tilespmem:$0x4AE0]  }
0x14f: {  	v3 =	vadd.f32 v9, v3;
	v9 =	vld [tilespmem:$0x4C10]  }
0x150: {  	v7 =	vld [tilespmem:$0x4B20]  }
0x151: {  	v0 =	vadd.f32 v6, v0;
	v6 =	vld [tilespmem:$0x1FC50]  }
0x152: {  	v3 =	vadd.f32 v18, v3;
	v21 =	vld [tilespmem:$0x4AF0];
	v10 =	vadd.f32 $0.0e+00, v10  }
0x153: {  	v11 =	vld [tilespmem:$0x4B30]  }
0x154: {  	v3 =	vadd.f32 v61, v3;
	v61 =	vld [tilespmem:$0x1FCD0];
	v10 =	vadd.f32 v14, v10  }
0x155: {  	v14 =	vld [tilespmem:$0x4BE0]  }
0x156: {  	v7 =	vadd.f32 v7, v10;
	v6 =	vadd.f32 v6, v0;
	v0 =	vld [tilespmem:$0x1FC60]  }
0x157: {  	v10 =	vld [tilespmem:$0x4C00]  }
0x158: {  	v3 =	vadd.f32 v21, v3;
	v21 =	vld [tilespmem:$0x1FCE0];
	v7 =	vadd.f32 v11, v7  }
0x159: {  	v11 =	vld [tilespmem:$0x4C20]  }
0x15a: {  	v18 =	vadd.f32 v2, v7;
	v2 =	vld [tilespmem:$0x4C40]  }
0x15b: {  	v13 =	vadd.f32 v0, v13;
	v0 =	vld [tilespmem:$0x4BA0]  }
0x15c: {  	v7 =	vld [tilespmem:$0x4C50];
	v10 =	vadd.f32 $0.0e+00, v10  }
0x15d: {  	(xrf2) =	vadd.scan.msk.f32 $0xffff, v1;
	v1 =	vadd.f32 v4, v18;
	v18 =	vld [tilespmem:$0x4CB0]  }
0x15e: {  	v9 =	vadd.f32 v9, v10;
	v10 =	vld [tilespmem:$0x4D90];
	v13 =	vadd.f32 v19, v13  }
0x15f: {  	v1 =	vadd.f32 v17, v1;
	v19 =	vld [tilespmem:$0x4BC0]  }
0x160: {  	v17 =	vld [tilespmem:$0x4CA0];
	v13 =	vadd.f32 v20, v13;
	v0 =	vadd.f32 v0, v22  }
0x161: {  	v22 =	vld [tilespmem:$0x1FCA0]  }
0x162: {  	v13 =	vadd.f32 v56, v13;
	v56 =	vld [tilespmem:$0x1FCC0];
	v0 =	vadd.f32 v8, v0  }
0x163: {  	v20 =	vld [tilespmem:$0x4BF0]  }
0x164: {  	v8 =	vld [tilespmem:$0x4C60];
	v0 =	vadd.f32 v19, v0  }
0x165: {  	v19 =	vld [tilespmem:$0x4CC0]  }
0x166: {  	v4 =	vadd.f32 $0.0e+00, v22;
	v22, _, _ =	vpop (xrf2);
	v0 =	vadd.f32 v12, v0;
	v12 =	vld [tilespmem:$0x4C90]  }
0x167: {  	(xrf2) =	vadd.scan.msk.f32 $0xffff, v3;
	v1 =	vadd.f32 v59, v1;
	v3 =	vadd.f32 $0.0e+00, v56;
	v56 =	vbroadcast v22, $0xF;
	v22 =	vld [tilespmem:$0x4D00]  }
0x168: {  	v59 =	vadd.f32 $0.0e+00, v35;
	v4 =	vadd.f32 v23, v4;
	v23 =	vld [tilespmem:$0x1FCF0]  }
0x169: {  	v3 =	vadd.f32 v21, v3;
	v21 =	vld [tilespmem:$0x4CE0]  }
0x16a: {  	(xrf2) =	vadd.scan.msk.f32 $0xffff, v1;
	v1 =	vmul.f32 v56, v6;
	v6 =	vadd.f32 v38, v59;
	v38 =	vld [tilespmem:$0x1FD20]  }
0x16b: {  	v56 =	vld [tilespmem:$0x1FD30]  }
0x16c: {  	v35, _, _ =	vpop (xrf2);
	v0 =	vadd.f32 v14, v0;
	v14 =	vld [tilespmem:$0x4CF0]  }
0x16d: {  	v59 =	vbroadcast v35, $0xF;
	v35 =	vld [tilespmem:$0x1FD70]  }
0x16e: {  	v4 =	vadd.f32 v61, v4;
	v61 =	vld [tilespmem:$0x1FD00]  }
0x16f: {  	v0 =	vadd.f32 v20, v0;
	v20 =	vld [tilespmem:$0x4CD0]  }
0x170: {  	v1 =	vadd.f32 v1, v24;
	v24 =	vld [tilespmem:$0x1FD60]  }
0x171: {  	v6 =	vadd.f32 v42, v6;
	v4 =	vadd.f32 v23, v4;
	v23 =	vld [tilespmem:$0x1FD10]  }
0x172: {  	v42 =	vld [tilespmem:$0x1FD80]  }
0x173: {  	v6 =	vadd.f32 v49, v6;
	v3 =	vadd.f32 v61, v3;
	v61 =	vld [tilespmem:$0x1FD40]  }
0x174: {  	v49 =	vld [tilespmem:$0x1FD90]  }
0x175: {  	v13 =	vadd.f32 v38, v13;
	v6 =	vadd.f32 v54, v6;
	v54 =	vld [tilespmem:$0x1FDA0]  }
0x176: {  	v4 =	vadd.f32 v23, v4;
	v23 =	vld [tilespmem:$0x1FD50]  }
0x177: {  	(xrf2) =	vadd.scan.msk.f32 $0xffff, v0;
	v0 =	vmul.f32 v59, v13;
	v13 =	vld [tilespmem:$0x4D10]  }
0x178: {  	v3 =	vadd.f32 v56, v3;
	v56 =	vld [tilespmem:$0x1FDB0];
	v4 =	vadd.f32 v61, v4  }
0x179: {  	v61 =	vld [tilespmem:$0x1FDC0]  }
0x17a: {  	v4 =	vadd.f32 v24, v4;
	v24 =	vld [tilespmem:$0x4D30]  }
0x17b: {  	v3 =	vadd.f32 v23, v3;
	v23 =	vld [tilespmem:$0x4D20]  }
0x17c: {  	v4 =	vadd.f32 v42, v4;
	v42 =	vld [tilespmem:$0x4D70]  }
0x17d: {  	v38, _, _ =	vpop (xrf2);
	v0 =	vadd.f32 v0, v1;
	v1 =	vadd.f32 v35, v3;
	v35 =	vld [tilespmem:$0x4D40]  }
0x17e: {  	v3 =	vbroadcast v38, $0xF;
	v38 =	vld [tilespmem:$0x4D50]  }
0x17f: {  	v1 =	vadd.f32 v49, v1;
	v49 =	vld [tilespmem:$0x4D60]  }
0x180: {  	v59, _, _ =	vpop (xrf2);
	v3 =	vmul.f32 v3, v4;
	v4 =	vadd.f32 v54, v6;
	v6 =	vadd.f32 $0.0e+00, v56;
	v54 =	vld [tilespmem:$0x1FDE0]  }
0x181: {  	v59 =	vbroadcast v59, $0xF;
	v1 =	vadd.f32 v61, v1;
	v61 =	vld [tilespmem:$0x1FDD0]  }
0x182: {  	v6 =	vadd.f32 v41, v6;
	v41 =	vld [tilespmem:$0x4D80]  }
0x183: {  	v1 =	vmul.f32 v59, v1;
	v59 =	vadd.f32 v11, v9;
	v11 =	vld [tilespmem:$0x4DA0]  }
0x184: {  	v6 =	vadd.f32 v48, v6;
	v48 =	vld [tilespmem:$0x4E00]  }
0x185: {  	v0 =	vadd.f32 v3, v0;
	v3 =	vadd.f32 v5, v59;
	v5 =	vld [tilespmem:$0x4DB0]  }
0x186: {  	v59 =	vadd.f32 v52, v6;
	v6 =	vld [tilespmem:$0x4DC0]  }
0x187: {  	v52 =	vld [tilespmem:$0x1FDF0]  }
0x188: {  	v4 =	vadd.f32 v61, v4;
	v61, _, _ =	vpop (xrf2);
	v2 =	vadd.f32 v2, v3;
	v3 =	vld [tilespmem:$0x4DD0]  }
0x189: {  	v9 =	vbroadcast v61, $0xF;
	v61 =	vadd.f32 v62, v59;
	v62 =	vadd.f32 $0.0e+00, v16;
	v16 =	vld [tilespmem:$0x4E20]  }
0x18a: {  	v59 =	vld [tilespmem:$0x1FE20]  }
0x18b: {  	v4 =	vadd.f32 v54, v4;
	v54 =	vadd.f32 $0.0e+00, v55;
	v55 =	vld [tilespmem:$0x1FE00]  }
0x18c: {  	v2 =	vadd.f32 v7, v2;
	v7 =	vadd.f32 v12, v62;
	v62 =	vld [tilespmem:$0x1FE30]  }
0x18d: {  	v56 =	vmul.f32 v9, v4;
	v4 =	vld [tilespmem:$0x4DE0]  }
0x18e: {  	v0 =	vadd.f32 v1, v0;
	v9 =	vld [tilespmem:$0x4DF0]  }
0x18f: {  	v1 =	vadd.f32 v52, v61;
	v61 =	vadd.f32 $0.0e+00, v22;
	v22 =	vld [tilespmem:$0x4E40]  }
0x190: {  	v52 =	vld [tilespmem:$0x1FE80]  }
0x191: {  	v2 =	vadd.f32 v8, v2;
	v8 =	vld [tilespmem:$0x4E10]  }
0x192: {  	v7 =	vadd.f32 v17, v7;
	v17 =	vld [tilespmem:$0x4E60]  }
0x193: {  	v0 =	vadd.f32 v56, v0;
	v56 =	vld [tilespmem:$0x1FE10]  }
0x194: {  	v13 =	vadd.f32 v13, v61;
	v2 =	vadd.f32 v15, v2;
	v15 =	vld [tilespmem:$0x4E30]  }
0x195: {  	v1 =	vadd.f32 v55, v1;
	v55 =	vadd.f32 $0.0e+00, v41;
	v41 =	vld [tilespmem:$0x4E70]  }
0x196: {  	v7 =	vadd.f32 v18, v7;
	v18 =	vld [tilespmem:$0x47B0]  }
0x197: {  	v13 =	vadd.f32 v23, v13;
	v23 =	vld [tilespmem:$0x4E80]  }
0x198: {  	v61 =	vadd.f32 $0.0e+00, v48;
	v7 =	vadd.f32 v19, v7;
	v19 =	vld [tilespmem:$0x4EA0]  }
0x199: {  	v1 =	vadd.f32 v62, v1;
	v62 =	vld [tilespmem:$0x1FE40]  }
0x19a: {  	v8 =	vadd.f32 v8, v61;
	v61 =	vld [tilespmem:$0x1FEC0]  }
0x19b: {  	v12 =	vadd.f32 v56, v54;
	v54 =	vld [tilespmem:$0x4E50]  }
0x19c: {  	v56 =	vadd.f32 v20, v7;
	v20 =	vld [tilespmem:$0x4EE0]  }
0x19d: {  	v13 =	vadd.f32 v24, v13;
	v8 =	vadd.f32 v16, v8;
	v16 =	vld [tilespmem:$0x4790]  }
0x19e: {  	v12 =	vadd.f32 v59, v12;
	v59 =	vadd.f32 v10, v55;
	v10 =	vld [tilespmem:$0x4E90]  }
0x19f: {  	(xrf2) =	vadd.scan.msk.f32 $0xffff, v2;
	v13 =	vadd.f32 v35, v13;
	v2 =	vadd.f32 v21, v56;
	v21 =	vld [tilespmem:$0x4EC0]  }
0x1a0: {  	v56 =	vld [tilespmem:$0x1FEA0]  }
0x1a1: {  	v13 =	vadd.f32 v38, v13;
	v38 =	vld [tilespmem:$0x1FE50]  }
0x1a2: {  	v8 =	vadd.f32 v15, v8;
	v15 =	vld [tilespmem:$0x4F20]  }
0x1a3: {  	v7 =	vadd.f32 v11, v59;
	v11 =	vld [tilespmem:$0x4EB0]  }
0x1a4: {  	v2 =	vadd.f32 v14, v2;
	v14 =	vld [tilespmem:$0x4F00]  }
0x1a5: {  	v59 =	vshll.u32 v27, $0x7;
	v27 =	vld [tilespmem:$0x4F60]  }
0x1a6: {  	v48 =	vadd.f32 $0.0e+00, v43;
	v8 =	vadd.f32 v22, v8;
	v22 =	vld [tilespmem:$0x4F30]  }
0x1a7: {  	v12 =	vadd.f32 v44, v12;
	v13 =	vadd.f32 v49, v13;
	v49 =	vld [tilespmem:$0x1FE70]  }
0x1a8: {  	v5 =	vadd.f32 v5, v7;
	v7 =	vld [tilespmem:$0x4ED0]  }
0x1a9: {  	v12 =	vadd.f32 v50, v12;
	v50 =	vadd.f32 v47, v48;
	v47 =	vld [tilespmem:$0x1FEF0]  }
0x1aa: {  	v48 =	vld [tilespmem:$0x1FF00]  }
0x1ab: {  	v23 =	vadd.f32 $0.0e+00, v23;
	v13 =	vadd.f32 v42, v13;
	v42 =	vld [tilespmem:$0x1FE60]  }
0x1ac: {  	v8 =	vadd.f32 v54, v8;
	v54 =	vld [tilespmem:$0x1FE90]  }
0x1ad: {  	v10 =	vadd.f32 v10, v23;
	v23 =	vld [tilespmem:$0x4FC0]  }
0x1ae: {  	v5 =	vadd.f32 v6, v5;
	v6 =	vld [tilespmem:$0x4EF0]  }
0x1af: {  	(xrf2) =	vadd.scan.msk.f32 $0xffff, v2;
	v12 =	vadd.f32 v57, v12;
	v57 =	vadd.f32 $0.0e+00, v33;
	v33 =	vld [tilespmem:$0x4F70]  }
0x1b0: {  	(xrf2) =	vadd.scan.msk.f32 $0xffff, v13;
	v13 =	vld [tilespmem:$0x4F40]  }
0x1b1: {  	v8 =	vadd.f32 v17, v8;
	v17 =	vld [tilespmem:$0x4F50]  }
0x1b2: {  	v35 =	vadd.f32 v3, v5;
	v5 =	vld [tilespmem:$0x4F10]  }
0x1b3: {  	v24 =	vadd.f32 v36, v57;
	v36 =	vld [tilespmem:$0x4F80]  }
0x1b4: {  	v3 =	vadd.f32 $0.0e+00, v38;
	v38 =	vld [tilespmem:$0x4FB0]  }
0x1b5: {  	v57 =	vld [tilespmem:$0x1FF40]  }
0x1b6: {  	v25 =	vshll.u32 v25, $0x7;
	v8 =	vadd.f32 v41, v8;
	v41 =	vld [tilespmem:$0x1FED0]  }
0x1b7: {  	v25 =	vadd.s32 v25, v18;
	v44, _, _ =	vpop (xrf2);
	v3 =	vadd.f32 v42, v3;
	v2 =	vadd.f32 v4, v35;
	v42 =	vld [tilespmem:$0x1FEE0]  }
0x1b8: {  	v4 =	vbroadcast v44, $0xF;
	v24 =	vadd.f32 v39, v24;
	v39 =	vld [tilespmem:$0x47C0]  }
0x1b9: {  	v12 =	vadd.f32 v62, v12;
	v2 =	vadd.f32 v9, v2;
	v9 =	vld [tilespmem:$0x47A0]  }
0x1ba: {  	v1 =	vmul.f32 v4, v1;
	v4 =	vadd.f32 v60, v50;
	v60 =	vld [tilespmem:$0x1FEB0];
	v24 =	vadd.f32 v46, v24  }
0x1bb: {  	v3 =	vadd.f32 v49, v3;
	v49 =	vld [tilespmem:$0x1FF10]  }
0x1bc: {  	v55 =	vshll.u32 v26, $0x7;
	v12 =	vadd.f32 v52, v12;
	v52 =	vadd.f32 v58, v24;
	v24 =	vld.idx.msk [tilespmem:v25+s3+$0x0], $0xffff  }
0x1bd: {  	(xrf2) =	vadd.scan.msk.f32 $0xffff, v2;
	v2 =	vadd.s32 v55, v16;
	v55 =	vld [tilespmem:$0x1FF20]  }
0x1be: {  	v3 =	vadd.f32 v54, v3;
	v62, _, _ =	vpop (xrf2);
	v25 =	vadd.f32 $0.0e+00, v57;
	v57 =	vld [tilespmem:$0x1FF70]  }
0x1bf: {  	v35 =	vbroadcast v62, $0xF;
	(xrf2) =	vadd.scan.msk.f32 $0xffff, v8;
	v8 =	vld [tilespmem:$0x4F90]  }
0x1c0: {  	v3 =	vadd.f32 v56, v3;
	v56 =	vld [tilespmem:$0x1FF30]  }
0x1c1: {  	v43 =	vmul.f32 v35, v12;
	v35 =	vld [tilespmem:$0x4FA0]  }
0x1c2: {  	v4 =	vadd.f32 v60, v4;
	v60 =	vld [tilespmem:$0x4800]  }
0x1c3: {  	v14 =	vadd.f32 $0.0e+00, v14;
	v26 =	vadd.s32 v59, v9;
	v59 =	vadd.f32 v19, v10;
	v19 =	vld [tilespmem:$0x4FD0]  }
0x1c4: {  	v44, _, _ =	vpop (xrf2);
	v3 =	vadd.f32 v61, v3;
	v61 =	vld [tilespmem:$0x1FF50]  }
0x1c5: {  	v5 =	vadd.f32 v5, v14;
	v12 =	vbroadcast v44, $0xF;
	v44 =	vld [tilespmem:$0x4810]  }
0x1c6: {  	v0 =	vadd.f32 v1, v0;
	v2 =	vld.idx.msk [tilespmem:v2+s3+$0x0], $0xffff  }
0x1c7: {  	v5 =	vadd.f32 v15, v5;
	v4 =	vadd.f32 v41, v4;
	v41 =	vld [tilespmem:$0x1FF60]  }
0x1c8: {  	v0 =	vadd.f32 v43, v0;
	v43 =	vshll.u32 v28, $0x7;
	v28 =	vld [tilespmem:$0x5050]  }
0x1c9: {  	v5 =	vadd.f32 v22, v5;
	v3 =	vadd.f32 v42, v3;
	v42 =	vld [tilespmem:$0x4FE0]  }
0x1ca: {  	v4 =	vadd.f32 v47, v4;
	v47 =	vld [tilespmem:$0x47E0]  }
0x1cb: {  	v5 =	vadd.f32 v13, v5;
	v26 =	vld.idx.msk [tilespmem:v26+s3+$0x0], $0xffff  }
0x1cc: {  	v3 =	vadd.f32 v48, v3;
	v48 =	vld [tilespmem:$0x4FF0]  }
0x1cd: {  	v5 =	vadd.f32 v17, v5;
	v10 =	vadd.s32 v43, v60;
	v60 =	vld [tilespmem:$0x1FF80]  }
0x1ce: {  	v43 =	vld [tilespmem:$0x4870];
	v4 =	vadd.f32 v49, v4  }
0x1cf: {  	v5 =	vadd.f32 v27, v5;
	v27 =	vadd.f32 $0.0e+00, v32;
	v32 =	vld [tilespmem:$0x4840];
	v50 =	vmul.f32 v12, v3  }
0x1d0: {  	v3 =	vadd.f32 v56, v52;
	v52 =	vshll.u32 v16, $0x7;
	v4 =	vadd.f32 v55, v4;
	v55 =	vld [tilespmem:$0x5010]  }
0x1d1: {  	v15 =	vadd.s32 v52, v44;
	v52 =	vld [tilespmem:$0x1FFC0]  }
0x1d2: {  	v54, _, _ =	vpop (xrf2);
	v0 =	vadd.f32 v50, v0;
	v50 =	vld [tilespmem:$0x5000]  }
0x1d3: {  	v62 =	vadd.f32 v40, v25;
	v12 =	vbroadcast v54, $0xF;
	v40, _, _ =	vpop (xrf2);
	v3 =	vadd.f32 v61, v3;
	v61 =	vld [tilespmem:$0x5030]  }
0x1d4: {  	v1 =	vbroadcast v40, $0xF;
	v40 =	vld [tilespmem:$0x4860]  }
0x1d5: {  	v53 =	vadd.f32 $0.0e+00, v53;
	v58 =	vmul.f32 v12, v4;
	v4 =	vadd.f32 v11, v59;
	v11 =	vld [tilespmem:$0x47D0]  }
0x1d6: {  	v54 =	vadd.f32 $0.0e+00, v36;
	v5 =	vadd.f32 v33, v5;
	v56 =	vld.idx.msk [tilespmem:v10+s3+$0x0], $0xffff  }
0x1d7: {  	v12 =	vadd.f32 v34, v62;
	v10 =	vadd.f32 v57, v53;
	v59 =	vld [tilespmem:$0x4820]  }
0x1d8: {  	v18 =	vshll.u32 v18, $0x7;
	v8 =	vadd.f32 v8, v54;
	v62 =	vld [tilespmem:$0x5040];
	v3 =	vadd.f32 v41, v3  }
0x1d9: {  	v9 =	vshll.u32 v9, $0x7;
	v0 =	vadd.f32 v58, v0;
	v4 =	vadd.f32 v21, v4;
	v58 =	vld [tilespmem:$0x5020]  }
0x1da: {  	v34 =	vld [tilespmem:$0x5060];
	v46 =	vadd.f32 v51, v12;
	v1 =	vmul.f32 v1, v3;
	v3 =	vadd.f32 $0.0e+00, v50  }
0x1db: {  	v33 =	vshll.u32 v37, $0x7;
	v51 =	vld [tilespmem:$0x47F0];
	v10 =	vadd.f32 v60, v10;
	v8 =	vadd.f32 v35, v8  }
0x1dc: {  	v37 =	vshll.u32 v31, $0x7;
	v35 =	vld [tilespmem:$0x4850];
	v4 =	vadd.f32 v7, v4;
	v3 =	vadd.f32 v55, v3  }
0x1dd: {  	v12 =	vshll.u32 v47, $0x7;
	v15 =	vld.idx.msk [tilespmem:v15+s3+$0x0], $0xffff;
	v49 =	vadd.f32 v63, v46;
	v8 =	vadd.f32 v38, v8  }
0x1de: {  	v10 =	vadd.f32 v45, v10;
	v63 =	vld [tilespmem:$0x4830];
	v45 =	vshll.u32 v30, $0x7;
	v3 =	vadd.f32 v58, v3  }
0x1df: {  	v38 =	vld [tilespmem:$0x5070];
	v9 =	vadd.s32 v9, v59;
	v4 =	vadd.f32 v20, v4;
	v8 =	vadd.f32 v23, v8  }
0x1e0: {  	v20 =	vadd.s32 v33, v39;
	v55 =	vld [tilespmem:$0x1FFD0];
	v46 =	vadd.s32 v45, v51;
	v3 =	vadd.f32 v61, v3  }
0x1e1: {  	v50 =	vshll.u32 v51, $0x7;
	v51 =	vld [tilespmem:$0x1FFB0];
	v4 =	vadd.f32 v6, v4;
	v8 =	vadd.f32 v19, v8  }
0x1e2: {  	v39 =	vshll.u32 v39, $0x7;
	v6 =	vadd.f32 $0.0e+00, v56;
	v56 =	vld [tilespmem:$0x1FFE0];
	v3 =	vadd.f32 v62, v3  }
0x1e3: {  	v58 =	vld [tilespmem:$0x1FFF0];
	v16 =	vadd.s32 v18, v63;
	(xrf2) =	vadd.scan.msk.f32 $0xffff, v4;
	v36 =	vadd.f32 v42, v8;
	v42 =	vshll.u32 v29, $0x7  }
0x1e4: {  	v8 =	vadd.s32 v37, v11;
	v7 =	vadd.s32 v42, v47;
	v47 =	vld [tilespmem:$0x1FF90];
	v3 =	vadd.f32 v28, v3  }
0x1e5: {  	v2 =	vadd.f32 v2, v27;
	v41 =	vadd.s32 v39, v32;
	(xrf2) =	vadd.scan.msk.f32 $0xffff, v5;
	v4 =	vadd.f32 v48, v36;
	v48 =	vld [tilespmem:$0x1FFA0]  }
0x1e6: {  	v9 =	vld.idx.msk [tilespmem:v9+s3+$0x0], $0xffff;
	v11 =	vshll.u32 v11, $0x7;
	v3 =	vadd.f32 v34, v3  }
0x1e7: {  	v2 =	vadd.f32 v26, v2;
	v11 =	vadd.s32 v11, v35;
	v44 =	vld.idx.msk [tilespmem:v20+s3+$0x0], $0xffff  }
0x1e8: {  	v12 =	vadd.s32 v12, v40;
	(xrf2) =	vadd.scan.msk.f32 $0xffff, v4;
	v16 =	vld.idx.msk [tilespmem:v16+s3+$0x0], $0xffff;
	v3 =	vadd.f32 v38, v3  }
0x1e9: {  	v0 =	vadd.f32 v1, v0;
	v6 =	vadd.f32 v15, v6;
	v8 =	vld.idx.msk [tilespmem:v8+s3+$0x0], $0xffff  }
0x1ea: {  	v1 =	vadd.f32 v47, v49;
	v49 =	vld.idx.msk [tilespmem:v41+s3+$0x0], $0xffff;
	v10 =	vadd.f32 v48, v10;
	(xrf2) =	vadd.scan.msk.f32 $0xffff, v3  }
0x1eb: {  	v2 =	vadd.f32 v24, v2;
	v5 =	vadd.s32 v50, v43;
	v6 =	vadd.f32 v9, v6;
	v7 =	vld.idx.msk [tilespmem:v7+s3+$0x0], $0xffff  }
0x1ec: {  	v53 =	vld.idx.msk [tilespmem:v11+s3+$0x0], $0xffff;
	v1 =	vadd.f32 v51, v1;
	v9 =	vadd.f32 v52, v10  }
0x1ed: {  	v12 =	vld.idx.msk [tilespmem:v12+s3+$0x0], $0xffff;
	v2 =	vadd.f32 v44, v2;
	v6 =	vadd.f32 v16, v6;
	v54, _, _ =	vpop (xrf2)  }
0x1ee: {  	v4 =	vld.idx.msk [tilespmem:v46+s3+$0x0], $0xffff;
	v1 =	vadd.f32 v55, v1;
	v11 =	vbroadcast v54, $0xF;
	v9 =	vadd.f32 v56, v9  }
0x1ef: {  	v2 =	vadd.f32 v8, v2;
	v57, _, _ =	vpop (xrf2);
	v3 =	vadd.f32 v49, v6  }
0x1f0: {  	v5 =	vld.idx.msk [tilespmem:v5+s3+$0x0], $0xffff;
	v59 =	vbroadcast v57, $0xF;
	v1 =	vmul.f32 v11, v1;
	v6 =	vadd.f32 v58, v9  }
0x1f1: {  	v2 =	vadd.f32 v7, v2;
	v3 =	vadd.f32 v53, v3  }
0x1f2: {  	v60, _, _ =	vpop (xrf2);
	v0 =	vadd.f32 v1, v0;
	v61 =	vmul.f32 v59, v6  }
0x1f3: {  	v2 =	vadd.f32 v4, v2;
	v62 =	vbroadcast v60, $0xF;
	v3 =	vadd.f32 v12, v3  }
0x1f4: {  	v0 =	vadd.f32 v61, v0;
	v63, _, _ =	vpop (xrf2)  }
0x1f5: {  	v2 =	vmul.f32 v62, v2;
	v3 =	vadd.f32 v5, v3;
	v1 =	vbroadcast v63, $0xF;
	_ =	sdelay $0x1  }
0x1f6: {  	v0 =	vadd.f32 v2, v0;
	v1 =	vmul.f32 v1, v3;
	_ =	sdelay $0x1  }
0x1f7: {  	v0 =	vadd.f32 v1, v0  }
0x1f8: {  	p1 =	sne.s32 s7, $0x1  }
.Ltmp0:
0x1f9: {  	[tilespmem:$0x5080] =	vst v0;
	(pc) =	sbr.rel @p1 .LBB2_1-.Ltmp0, $4  }
0x1fa: {  	[hbm4b:s6+s3] =	stream.linear.scatter [tilespmem:s11], [sflag:$0x1], $0x10, $0x38;
	[tilespmem:$0x5100] =	vst v63  }
0x1fb: {  	_ =	swait.ge [sflag:s8], $0x10  }
0x1fc: {  	[sflag:s8] =	ssyncset.done $0x0  }
0x1fd: {  	s7 =	sadd.s32 $0xFFFFFFFF, s7;
	[sflag:s8] =	ssyncadd.s32 $0xFFFFFFF0  }
0x1fe: {  	_ =	sfence.sel $0x180000  }
0x1ff: {  	[bflag:$0x0] =	sbarrier.arrive $0xFFFF  }
0x200: {  	p0 =	sne.s32 s2, $0x0;
	_ =	strace $0x90000047  }
0x201: {  	s0 =	sadd.s32 @!p0 $0x100000, s0;
	[bflag:$0x2] =	sbarrier.arrive $0xFFFF  }
0x202: {  	[sflag:s0] =	ssyncadd.tile.s32 @!p0 $0x1;
	_ =	shalt  }
.Lfunc_end2:
_tile_overlayer_lowered:
.L_overlay_start_2:
0x203: {  	(tag) =	ssettag $0x2  }
0x204: {  	s0 =	rddreg [dreg:$0x0];
	s2 =	stileid.u32  }
0x205: {  	s1 =	rddreg [dreg:$0x1];
	p0 =	sne.s32 s2, $0x0  }
0x206: {  	s3 =	rddreg [dreg:$0x2];
	[bflag:$0x3] =	sbarrier.arrive $0xFFFF;
	s2 =	simm.s32 @!p0 $0x1C01  }
0x207: {  	[timem:s3], [sflag:s2] =	dma.local @!p0 [hbm:s0], s1  }
0x208: {  	s0 =	simm.s32 @!p0 $0x1  }
0x209: {  	_ =	swait.ge @!p0 [sflag:s0], s1  }
0x20a: {  	s1 =	ssub.s32 @!p0 $0x0, s1;
	[sflag:s0] =	ssyncset.done @!p0 $0x0  }
0x20b: {  	[sflag:s0] =	ssyncadd.s32 @!p0 s1  }
0x20c: {  	[bflag:$0x3] =	sbarrier.arrive $0xFFFF  }
0x20d: {  	_ =	shalt  }

</sc_bundles>
